<compile_context>
chip_gen: v7x
topology: tpu7x:2x2x1
jax: 0.10.2.dev20260603
libtpu: 0.0.44.dev20260713+nightly
codegen_flags: <defaults>
</compile_context>

<pallas_src>
import functools

import jax
import jax.numpy as jnp
from jax import lax
from jax.experimental import pallas as pl
from jax.experimental.pallas import tpu as pltpu
from jax.experimental.pallas import tpu_sc as plsc

_B, _C, _H, _W = 8, 4, 512, 512
_CE, _HE, _WE = 128, 128, 128
_NSEG = 64
_NPIX = _HE * _WE
_KD = 8
_HEB = _HE // _KD
_HBB = _H // _KD
_NW = 32
_PPW = _NPIX * _B // _NW
_RPW = _PPW // 16


def _d_body(o_ref, i_ref, m_ref, e_ref, d_ref, s_ref,
            err_ref, sgr_ref, mr_ref, sums_ref, acc_ref):
    b = pl.program_id(0)
    k = pl.program_id(1)

    @pl.when((b == 0) & (k == 0))
    def _init():
        acc_ref[0] = 0.0
        acc_ref[1] = 0.0

    m = m_ref[0, 0]
    o = o_ref[0]
    x = i_ref[0]
    t = jnp.where(m[None] >= 0.5, 0.0, x)
    dd = o - t
    mse = jnp.sum(dd * dd, axis=0)
    w = (m > 0.0).astype(jnp.float32)
    acc_ref[0] += jnp.sum(mse * w)
    acc_ref[1] += jnp.sum(w)

    de = e_ref[0] - d_ref[0]
    err_ref[0] = jnp.sum(de * de, axis=0) * (1.0 / _CE)
    sgr_ref[0] = s_ref[0, 0].reshape(_HEB, 4, _W)[:, 0]
    mr_ref[0] = m.reshape(_HEB, 4, _W)[:, 0]

    @pl.when((b == _B - 1) & (k == _KD - 1))
    def _fini():
        sums_ref[0] = acc_ref[0]
        sums_ref[1] = acc_ref[1]


def _dense_pass(outputs, inputs, masks, enc1, dec1, segs):
    return pl.pallas_call(
        _d_body,
        grid=(_B, _KD),
        in_specs=[
            pl.BlockSpec((1, _C, _HBB, _W), lambda b, k: (b, 0, k, 0)),
            pl.BlockSpec((1, _C, _HBB, _W), lambda b, k: (b, 0, k, 0)),
            pl.BlockSpec((1, 1, _HBB, _W), lambda b, k: (b, 0, k, 0)),
            pl.BlockSpec((1, _CE, _HEB, _WE), lambda b, k: (b, 0, k, 0)),
            pl.BlockSpec((1, _CE, _HEB, _WE), lambda b, k: (b, 0, k, 0)),
            pl.BlockSpec((1, 1, _HBB, _W), lambda b, k: (b, 0, k, 0)),
        ],
        out_specs=[
            pl.BlockSpec((1, _HEB, _WE), lambda b, k: (b, k, 0)),
            pl.BlockSpec((1, _HEB, _W), lambda b, k: (b, k, 0)),
            pl.BlockSpec((1, _HEB, _W), lambda b, k: (b, k, 0)),
            pl.BlockSpec(memory_space=pltpu.SMEM),
        ],
        out_shape=[
            jax.ShapeDtypeStruct((_B, _HE, _WE), jnp.float32),
            jax.ShapeDtypeStruct((_B, _HE, _W), jnp.float32),
            jax.ShapeDtypeStruct((_B, _HE, _W), jnp.float32),
            jax.ShapeDtypeStruct((2,), jnp.float32),
        ],
        scratch_shapes=[pltpu.SMEM((2,), jnp.float32)],
    )(outputs, inputs, masks, enc1, dec1, segs)


_RROWS = _PPW // _WE


def _sc_body(seg_hbm, mask_hbm, err_hbm, out_hbm, seg_v, mask_v, err_v, table,
             sem):
    c = lax.axis_index("c")
    s = lax.axis_index("s")
    wid = s * 2 + c
    row0 = wid * _RROWS
    cp_s = pltpu.async_copy(seg_hbm.at[pl.ds(row0, _RROWS)], seg_v, sem)
    cp_m = pltpu.async_copy(mask_hbm.at[pl.ds(row0, _RROWS)], mask_v, sem)
    cp_e = pltpu.async_copy(err_hbm.at[pl.ds(row0, _RROWS)], err_v, sem)

    zf = jnp.zeros((16,), jnp.float32)
    for r in range(3 * _NSEG):
        table[pl.ds(r * 16, 16)] = zf

    cp_s.wait()
    cp_m.wait()
    cp_e.wait()

    lane = lax.iota(jnp.int32, 16)
    ones_f = jnp.full((16,), 1.0, jnp.float32)

    def step(r, l):
        row = jnp.full((16,), r, jnp.int32)
        col4 = lane * 4 + (l * 64)
        sg = plsc.load_gather(seg_v, [row, col4]).astype(jnp.int32)
        m = plsc.load_gather(mask_v, [row, col4])
        e = err_v[r, pl.ds(l * 16, 16)]
        pos = jnp.where((m > 0.0) & (m < 0.5), 1.0, 0.0)
        base = sg * 16 + lane
        plsc.addupdate_scatter(table, [base], ones_f)
        plsc.addupdate_scatter(table, [base + (_NSEG * 16)], e)
        plsc.addupdate_scatter(table, [base + (2 * _NSEG * 16)], pos)

    @plsc.parallel_loop(0, _RROWS, unroll=2)
    def _loop(r):
        for l in range(_WE // 16):
            step(r, l)

    pltpu.sync_copy(table, out_hbm.at[wid])


def _sc_segsum(segr, maskr, err2d):
    mesh = plsc.VectorSubcoreMesh(core_axis_name="c", subcore_axis_name="s")
    fn = functools.partial(
        pl.kernel,
        mesh=mesh,
        compiler_params=pltpu.CompilerParams(needs_layout_passes=False),
        out_type=jax.ShapeDtypeStruct((_NW, 3 * _NSEG * 16), jnp.float32),
        scratch_types=[
            pltpu.VMEM((_RROWS, _W), jnp.float32),
            pltpu.VMEM((_RROWS, _W), jnp.float32),
            pltpu.VMEM((_RROWS, _WE), jnp.float32),
            pltpu.VMEM((3 * _NSEG * 16,), jnp.float32),
            pltpu.SemaphoreType.DMA,
        ],
    )(_sc_body)
    return fn(segr, maskr, err2d)


def _epi_body(p_ref, s_ref, o_ref):
    p = p_ref[...]
    r = lax.broadcasted_iota(jnp.int32, (3 * _NSEG * 16, 3 * _NSEG), 0)
    c = lax.broadcasted_iota(jnp.int32, (3 * _NSEG * 16, 3 * _NSEG), 1)
    gm = (r // 16 == c).astype(jnp.float32)
    t = jax.lax.dot(p, gm, precision=jax.lax.Precision.HIGHEST)
    num = 0.0
    den = 0.0
    for b in range(_B):
        g = t[4 * b] + t[4 * b + 1] + t[4 * b + 2] + t[4 * b + 3]
        counts = g[0:_NSEG]
        errs = g[_NSEG:2 * _NSEG]
        pos = g[2 * _NSEG:3 * _NSEG]
        cm = jnp.maximum(counts, 1.0)
        mean_err = errs / cm
        valid = (counts / _NPIX) >= 0.01
        is_pos = (pos / cm) > 0.01
        sel = jnp.where(valid & is_pos, 1.0, 0.0)
        num += jnp.sum(mean_err * sel)
        den += jnp.sum(sel)
    o_ref[0] = s_ref[0] / jnp.maximum(s_ref[1], 1.0) + num / jnp.maximum(den, 1.0)


def _epilogue(partials, sums):
    return pl.pallas_call(
        _epi_body,
        in_specs=[
            pl.BlockSpec(memory_space=pltpu.VMEM),
            pl.BlockSpec(memory_space=pltpu.SMEM),
        ],
        out_specs=pl.BlockSpec(memory_space=pltpu.SMEM),
        out_shape=jax.ShapeDtypeStruct((1,), jnp.float32),
    )(partials, sums)


def kernel(outputs, inputs, enc1, dec1, masks, segs, confidence, iteration, epoch):
    err, seg_rows, mask_rows, sums = _dense_pass(
        outputs, inputs, masks, enc1, dec1, segs
    )
    nr = _B * _HE
    partials = _sc_segsum(
        seg_rows.reshape(nr, _W),
        mask_rows.reshape(nr, _W),
        err.reshape(nr, _WE),
    )
    loss = _epilogue(partials, sums)
    return loss[0]

# --- scband reference (transcript-rebuilt; emitter-appended) ---
"""Pipeline reference for scband-confidence-loss-v2-70300024701559 (READ-ONLY COPY).

The authoritative reference and input builder live on the scoring server;
editing this copy changes nothing except your own understanding.
"""

import jax, jax.numpy as jnp
import numpy as np

WALL_COT = 0.5
NUM_SEGS = 64


def _nearest_ds(x, He, We):
    # torch F.interpolate(mode='nearest') downsample + squeeze(1): src = floor(dst * H / He)
    B, C, H, W = x.shape
    ri = (jnp.arange(He) * H) // He
    ci = (jnp.arange(We) * W) // We
    return x[:, 0][:, ri][:, :, ci]


def setup_inputs(seed: int = 0) -> dict:
    key = jax.random.key(seed)
    k1, k2, k3, k4, k5, k6 = jax.random.split(key, 6)
    B, C, H, W = 8, 4, 512, 512
    Ce, He, We = 128, 128, 128
    return {
        "outputs": jax.random.normal(k1, (B, C, H, W), dtype=jnp.float32),
        "inputs": jax.random.normal(k2, (B, C, H, W), dtype=jnp.float32),
        "enc1": jax.random.normal(k3, (B, Ce, He, We), dtype=jnp.float32),
        "dec1": jax.random.normal(k4, (B, Ce, He, We), dtype=jnp.float32),
        "masks": jax.random.uniform(k5, (B, 1, H, W), dtype=jnp.float32),
        "segs": jax.random.randint(k6, (B, 1, H, W), 0, NUM_SEGS).astype(jnp.float32),
        "confidence": jnp.zeros((1,), dtype=jnp.float32),
        "iteration": 1,
        "epoch": 1,
    }


def _loss(outputs, inputs, enc1, dec1, masks, seg_flat):
    B, Ce, He, We = enc1.shape
    npix = He * We
    mask_i = _nearest_ds(masks, He, We).reshape(B, -1)
    reco_error = jnp.mean((enc1 - dec1) ** 2, axis=1).reshape(B, -1)

    def per_image(seg, err, msk):
        ones = jnp.ones_like(err)
        counts = jax.ops.segment_sum(ones, seg, num_segments=NUM_SEGS)
        err_sum = jax.ops.segment_sum(err, seg, num_segments=NUM_SEGS)
        mean_err = err_sum / jnp.maximum(counts, 1.0)
        pos_ind = ((msk < WALL_COT) & (msk > 0)).astype(jnp.float32)
        pos = jax.ops.segment_sum(pos_ind, seg, num_segments=NUM_SEGS)
        valid = (counts / npix) >= 0.01
        is_pos = (pos / jnp.maximum(counts, 1.0)) > 0.01
        return mean_err, valid, is_pos

    mean_err, valid, is_pos = jax.vmap(per_image)(seg_flat, reco_error, mask_i)
    sel = (valid & is_pos).astype(jnp.float32)
    flat_pos_mean = jnp.sum(mean_err * sel) / jnp.maximum(jnp.sum(sel), 1.0)

    targets = jnp.where(masks >= WALL_COT, jnp.zeros_like(inputs), inputs)
    mse_recov = jnp.sum((outputs - targets) ** 2, axis=1, keepdims=True)
    w = (masks > 0).astype(jnp.float32)
    loss_recov = jnp.sum(mse_recov * w) / jnp.maximum(jnp.sum(w), 1.0)
    return loss_recov + flat_pos_mean


def reference(outputs, inputs, enc1, dec1, masks, segs, confidence=None, iteration=1, epoch=1):
    # plotting / return_confidence branch is skipped (rank=1, plot=False, return_confidence=False)
    B, Ce, He, We = enc1.shape
    seg_flat = _nearest_ds(segs, He, We).astype(jnp.int32).reshape(B, -1)
    return _loss(outputs, inputs, enc1, dec1, masks, seg_flat)

if __name__ == "__main__":
    import jax
    _d = setup_inputs()
    print(jax.jit(kernel)(*tuple(_d.values())))

</pallas_src>

<mosaic_0001>
#map = affine_map<(d0, d1) -> (0, 0)>
module attributes {stable_mosaic.version = 14 : i64} {
  func.func @_sc_body(%arg0: i32, %arg1: i32, %arg2: memref<1024x512xf32, #tpu.memory_space<hbm>>, %arg3: memref<1024x512xf32, #tpu.memory_space<hbm>>, %arg4: memref<1024x128xf32, #tpu.memory_space<hbm>>, %arg5: memref<32x3072xf32, #tpu.memory_space<hbm>>, %arg6: memref<32x512xf32, #tpu.memory_space<vmem>>, %arg7: memref<32x512xf32, #tpu.memory_space<vmem>>, %arg8: memref<32x128xf32, #tpu.memory_space<vmem>>, %arg9: memref<3072xf32, #tpu.memory_space<vmem>>, %arg10: memref<!tpu.dma_semaphore, #tpu.memory_space<semaphore_mem>>) attributes {dimension_semantics = [#tpu.dimension_semantics<core_parallel>, #tpu.dimension_semantics<subcore_parallel>], iteration_bounds = array<i64: 2, 16>, scalar_prefetch = 0 : i64, scratch_operands = 5 : i64, tpu.core_type = #tpu.core_type<sc_vector_subcore>, window_params = [{transform_indices = #map}, {transform_indices = #map}, {transform_indices = #map}, {transform_indices = #map}]} {
    %mul3A = arith.constant 2 : i32
    %mul3A_0 = arith.muli %arg1, %mul3A : i32
    %add3A = arith.addi %mul3A_0, %arg0 : i32
    %mul3A_1 = arith.constant 32 : i32
    %mul3A_2 = arith.muli %add3A, %mul3A_1 : i32
    %dma_start3A = arith.constant 0 : i32
    %dma_start3A_3 = tpu.memref_slice %arg2[%mul3A_2, %dma_start3A] : memref<1024x512xf32, #tpu.memory_space<hbm>> -> memref<32x512xf32, #tpu.memory_space<hbm>>
    %dma_start3A_4 = arith.constant 0 : i32
    %dma_start3A_5 = tpu.memref_slice %arg2[%mul3A_2, %dma_start3A_4] : memref<1024x512xf32, #tpu.memory_space<hbm>> -> memref<32x512xf32, #tpu.memory_space<hbm>>
    tpu.enqueue_dma source(%dma_start3A_5 : memref<32x512xf32, #tpu.memory_space<hbm>>) target(%arg6 : memref<32x512xf32, #tpu.memory_space<vmem>>) target_semaphore(%arg10 : memref<!tpu.dma_semaphore, #tpu.memory_space<semaphore_mem>>)
    %dma_start3A_6 = arith.constant 0 : i32
    %dma_start3A_7 = tpu.memref_slice %arg3[%mul3A_2, %dma_start3A_6] : memref<1024x512xf32, #tpu.memory_space<hbm>> -> memref<32x512xf32, #tpu.memory_space<hbm>>
    %dma_start3A_8 = arith.constant 0 : i32
    %dma_start3A_9 = tpu.memref_slice %arg3[%mul3A_2, %dma_start3A_8] : memref<1024x512xf32, #tpu.memory_space<hbm>> -> memref<32x512xf32, #tpu.memory_space<hbm>>
    tpu.enqueue_dma source(%dma_start3A_9 : memref<32x512xf32, #tpu.memory_space<hbm>>) target(%arg7 : memref<32x512xf32, #tpu.memory_space<vmem>>) target_semaphore(%arg10 : memref<!tpu.dma_semaphore, #tpu.memory_space<semaphore_mem>>)
    %dma_start3A_10 = arith.constant 0 : i32
    %dma_start3A_11 = tpu.memref_slice %arg4[%mul3A_2, %dma_start3A_10] : memref<1024x128xf32, #tpu.memory_space<hbm>> -> memref<32x128xf32, #tpu.memory_space<hbm>>
    %dma_start3A_12 = arith.constant 0 : i32
    %dma_start3A_13 = tpu.memref_slice %arg4[%mul3A_2, %dma_start3A_12] : memref<1024x128xf32, #tpu.memory_space<hbm>> -> memref<32x128xf32, #tpu.memory_space<hbm>>
    tpu.enqueue_dma source(%dma_start3A_13 : memref<32x128xf32, #tpu.memory_space<hbm>>) target(%arg8 : memref<32x128xf32, #tpu.memory_space<vmem>>) target_semaphore(%arg10 : memref<!tpu.dma_semaphore, #tpu.memory_space<semaphore_mem>>)
    %broadcast_in_dim3A = arith.constant 0.000000e+00 : f32
    %broadcast_in_dim3A_14 = vector.broadcast %broadcast_in_dim3A : f32 to vector<16xf32>
    %swap3A = arith.constant 0 : index
    %swap3A_15 = tpu.vector_load %arg9[%swap3A] {strides = array<i32>} : memref<3072xf32, #tpu.memory_space<vmem>>, vector<16xf32>,
    tpu.vector_store %arg9[%swap3A], %broadcast_in_dim3A_14 {strides = array<i32>} : memref<3072xf32, #tpu.memory_space<vmem>>, vector<16xf32>,
    %swap3A_16 = arith.constant 16 : index
    %swap3A_17 = tpu.vector_load %arg9[%swap3A_16] {strides = array<i32>} : memref<3072xf32, #tpu.memory_space<vmem>>, vector<16xf32>,
    tpu.vector_store %arg9[%swap3A_16], %broadcast_in_dim3A_14 {strides = array<i32>} : memref<3072xf32, #tpu.memory_space<vmem>>, vector<16xf32>,
    %swap3A_18 = arith.constant 32 : index
    %swap3A_19 = tpu.vector_load %arg9[%swap3A_18] {strides = array<i32>} : memref<3072xf32, #tpu.memory_space<vmem>>, vector<16xf32>,
    tpu.vector_store %arg9[%swap3A_18], %broadcast_in_dim3A_14 {strides = array<i32>} : memref<3072xf32, #tpu.memory_space<vmem>>, vector<16xf32>,
    %swap3A_20 = arith.constant 48 : index
    %swap3A_21 = tpu.vector_load %arg9[%swap3A_20] {strides = array<i32>} : memref<3072xf32, #tpu.memory_space<vmem>>, vector<16xf32>,
    tpu.vector_store %arg9[%swap3A_20], %broadcast_in_dim3A_14 {strides = array<i32>} : memref<3072xf32, #tpu.memory_space<vmem>>, vector<16xf32>,
    %swap3A_22 = arith.constant 64 : index
    %swap3A_23 = tpu.vector_load %arg9[%swap3A_22] {strides = array<i32>} : memref<3072xf32, #tpu.memory_space<vmem>>, vector<16xf32>,
    tpu.vector_store %arg9[%swap3A_22], %broadcast_in_dim3A_14 {strides = array<i32>} : memref<3072xf32, #tpu.memory_space<vmem>>, vector<16xf32>,
    %swap3A_24 = arith.constant 80 : index
    %swap3A_25 = tpu.vector_load %arg9[%swap3A_24] {strides = array<i32>} : memref<3072xf32, #tpu.memory_space<vmem>>, vector<16xf32>,
    tpu.vector_store %arg9[%swap3A_24], %broadcast_in_dim3A_14 {strides = array<i32>} : memref<3072xf32, #tpu.memory_space<vmem>>, vector<16xf32>,
    %swap3A_26 = arith.constant 96 : index
    %swap3A_27 = tpu.vector_load %arg9[%swap3A_26] {strides = array<i32>} : memref<3072xf32, #tpu.memory_space<vmem>>, vector<16xf32>,
    tpu.vector_store %arg9[%swap3A_26], %broadcast_in_dim3A_14 {strides = array<i32>} : memref<3072xf32, #tpu.memory_space<vmem>>, vector<16xf32>,
    %swap3A_28 = arith.constant 112 : index
    %swap3A_29 = tpu.vector_load %arg9[%swap3A_28] {strides = array<i32>} : memref<3072xf32, #tpu.memory_space<vmem>>, vector<16xf32>,
    tpu.vector_store %arg9[%swap3A_28], %broadcast_in_dim3A_14 {strides = array<i32>} : memref<3072xf32, #tpu.memory_space<vmem>>, vector<16xf32>,
    %swap3A_30 = arith.constant 128 : index
    %swap3A_31 = tpu.vector_load %arg9[%swap3A_30] {strides = array<i32>} : memref<3072xf32, #tpu.memory_space<vmem>>, vector<16xf32>,
    tpu.vector_store %arg9[%swap3A_30], %broadcast_in_dim3A_14 {strides = array<i32>} : memref<3072xf32, #tpu.memory_space<vmem>>, vector<16xf32>,
    %swap3A_32 = arith.constant 144 : index
    %swap3A_33 = tpu.vector_load %arg9[%swap3A_32] {strides = array<i32>} : memref<3072xf32, #tpu.memory_space<vmem>>, vector<16xf32>,
    tpu.vector_store %arg9[%swap3A_32], %broadcast_in_dim3A_14 {strides = array<i32>} : memref<3072xf32, #tpu.memory_space<vmem>>, vector<16xf32>,
    %swap3A_34 = arith.constant 160 : index
    %swap3A_35 = tpu.vector_load %arg9[%swap3A_34] {strides = array<i32>} : memref<3072xf32, #tpu.memory_space<vmem>>, vector<16xf32>,
    tpu.vector_store %arg9[%swap3A_34], %broadcast_in_dim3A_14 {strides = array<i32>} : memref<3072xf32, #tpu.memory_space<vmem>>, vector<16xf32>,
    %swap3A_36 = arith.constant 176 : index
    %swap3A_37 = tpu.vector_load %arg9[%swap3A_36] {strides = array<i32>} : memref<3072xf32, #tpu.memory_space<vmem>>, vector<16xf32>,
    tpu.vector_store %arg9[%swap3A_36], %broadcast_in_dim3A_14 {strides = array<i32>} : memref<3072xf32, #tpu.memory_space<vmem>>, vector<16xf32>,
    %swap3A_38 = arith.constant 192 : index
    %swap3A_39 = tpu.vector_load %arg9[%swap3A_38] {strides = array<i32>} : memref<3072xf32, #tpu.memory_space<vmem>>, vector<16xf32>,
    tpu.vector_store %arg9[%swap3A_38], %broadcast_in_dim3A_14 {strides = array<i32>} : memref<3072xf32, #tpu.memory_space<vmem>>, vector<16xf32>,
    %swap3A_40 = arith.constant 208 : index
    %swap3A_41 = tpu.vector_load %arg9[%swap3A_40] {strides = array<i32>} : memref<3072xf32, #tpu.memory_space<vmem>>, vector<16xf32>,
    tpu.vector_store %arg9[%swap3A_40], %broadcast_in_dim3A_14 {strides = array<i32>} : memref<3072xf32, #tpu.memory_space<vmem>>, vector<16xf32>,
    %swap3A_42 = arith.constant 224 : index
    %swap3A_43 = tpu.vector_load %arg9[%swap3A_42] {strides = array<i32>} : memref<3072xf32, #tpu.memory_space<vmem>>, vector<16xf32>,
    tpu.vector_store %arg9[%swap3A_42], %broadcast_in_dim3A_14 {strides = array<i32>} : memref<3072xf32, #tpu.memory_space<vmem>>, vector<16xf32>,
    %swap3A_44 = arith.constant 240 : index
    %swap3A_45 = tpu.vector_load %arg9[%swap3A_44] {strides = array<i32>} : memref<3072xf32, #tpu.memory_space<vmem>>, vector<16xf32>,
    tpu.vector_store %arg9[%swap3A_44], %broadcast_in_dim3A_14 {strides = array<i32>} : memref<3072xf32, #tpu.memory_space<vmem>>, vector<16xf32>,
    %swap3A_46 = arith.constant 256 : index
    %swap3A_47 = tpu.vector_load %arg9[%swap3A_46] {strides = array<i32>} : memref<3072xf32, #tpu.memory_space<vmem>>, vector<16xf32>,
    tpu.vector_store %arg9[%swap3A_46], %broadcast_in_dim3A_14 {strides = array<i32>} : memref<3072xf32, #tpu.memory_space<vmem>>, vector<16xf32>,
    %swap3A_48 = arith.constant 272 : index
    %swap3A_49 = tpu.vector_load %arg9[%swap3A_48] {strides = array<i32>} : memref<3072xf32, #tpu.memory_space<vmem>>, vector<16xf32>,
    tpu.vector_store %arg9[%swap3A_48], %broadcast_in_dim3A_14 {strides = array<i32>} : memref<3072xf32, #tpu.memory_space<vmem>>, vector<16xf32>,
    %swap3A_50 = arith.constant 288 : index
    %swap3A_51 = tpu.vector_load %arg9[%swap3A_50] {strides = array<i32>} : memref<3072xf32, #tpu.memory_space<vmem>>, vector<16xf32>,
    tpu.vector_store %arg9[%swap3A_50], %broadcast_in_dim3A_14 {strides = array<i32>} : memref<3072xf32, #tpu.memory_space<vmem>>, vector<16xf32>,
    %swap3A_52 = arith.constant 304 : index
    %swap3A_53 = tpu.vector_load %arg9[%swap3A_52] {strides = array<i32>} : memref<3072xf32, #tpu.memory_space<vmem>>, vector<16xf32>,
    tpu.vector_store %arg9[%swap3A_52], %broadcast_in_dim3A_14 {strides = array<i32>} : memref<3072xf32, #tpu.memory_space<vmem>>, vector<16xf32>,
    %swap3A_54 = arith.constant 320 : index
    %swap3A_55 = tpu.vector_load %arg9[%swap3A_54] {strides = array<i32>} : memref<3072xf32, #tpu.memory_space<vmem>>, vector<16xf32>,
    tpu.vector_store %arg9[%swap3A_54], %broadcast_in_dim3A_14 {strides = array<i32>} : memref<3072xf32, #tpu.memory_space<vmem>>, vector<16xf32>,
    %swap3A_56 = arith.constant 336 : index
    %swap3A_57 = tpu.vector_load %arg9[%swap3A_56] {strides = array<i32>} : memref<3072xf32, #tpu.memory_space<vmem>>, vector<16xf32>,
    tpu.vector_store %arg9[%swap3A_56], %broadcast_in_dim3A_14 {strides = array<i32>} : memref<3072xf32, #tpu.memory_space<vmem>>, vector<16xf32>,
    %swap3A_58 = arith.constant 352 : index
    %swap3A_59 = tpu.vector_load %arg9[%swap3A_58] {strides = array<i32>} : memref<3072xf32, #tpu.memory_space<vmem>>, vector<16xf32>,
    tpu.vector_store %arg9[%swap3A_58], %broadcast_in_dim3A_14 {strides = array<i32>} : memref<3072xf32, #tpu.memory_space<vmem>>, vector<16xf32>,
    %swap3A_60 = arith.constant 368 : index
    %swap3A_61 = tpu.vector_load %arg9[%swap3A_60] {strides = array<i32>} : memref<3072xf32, #tpu.memory_space<vmem>>, vector<16xf32>,
    tpu.vector_store %arg9[%swap3A_60], %broadcast_in_dim3A_14 {strides = array<i32>} : memref<3072xf32, #tpu.memory_space<vmem>>, vector<16xf32>,
    %swap3A_62 = arith.constant 384 : index
    %swap3A_63 = tpu.vector_load %arg9[%swap3A_62] {strides = array<i32>} : memref<3072xf32, #tpu.memory_space<vmem>>, vector<16xf32>,
    tpu.vector_store %arg9[%swap3A_62], %broadcast_in_dim3A_14 {strides = array<i32>} : memref<3072xf32, #tpu.memory_space<vmem>>, vector<16xf32>,
    %swap3A_64 = arith.constant 400 : index
    %swap3A_65 = tpu.vector_load %arg9[%swap3A_64] {strides = array<i32>} : memref<3072xf32, #tpu.memory_space<vmem>>, vector<16xf32>,
    tpu.vector_store %arg9[%swap3A_64], %broadcast_in_dim3A_14 {strides = array<i32>} : memref<3072xf32, #tpu.memory_space<vmem>>, vector<16xf32>,
    %swap3A_66 = arith.constant 416 : index
    %swap3A_67 = tpu.vector_load %arg9[%swap3A_66] {strides = array<i32>} : memref<3072xf32, #tpu.memory_space<vmem>>, vector<16xf32>,
    tpu.vector_store %arg9[%swap3A_66], %broadcast_in_dim3A_14 {strides = array<i32>} : memref<3072xf32, #tpu.memory_space<vmem>>, vector<16xf32>,
    %swap3A_68 = arith.constant 432 : index
    %swap3A_69 = tpu.vector_load %arg9[%swap3A_68] {strides = array<i32>} : memref<3072xf32, #tpu.memory_space<vmem>>, vector<16xf32>,
    tpu.vector_store %arg9[%swap3A_68], %broadcast_in_dim3A_14 {strides = array<i32>} : memref<3072xf32, #tpu.memory_space<vmem>>, vector<16xf32>,
    %swap3A_70 = arith.constant 448 : index
    %swap3A_71 = tpu.vector_load %arg9[%swap3A_70] {strides = array<i32>} : memref<3072xf32, #tpu.memory_space<vmem>>, vector<16xf32>,
    tpu.vector_store %arg9[%swap3A_70], %broadcast_in_dim3A_14 {strides = array<i32>} : memref<3072xf32, #tpu.memory_space<vmem>>, vector<16xf32>,
    %swap3A_72 = arith.constant 464 : index
    %swap3A_73 = tpu.vector_load %arg9[%swap3A_72] {strides = array<i32>} : memref<3072xf32, #tpu.memory_space<vmem>>, vector<16xf32>,
    tpu.vector_store %arg9[%swap3A_72], %broadcast_in_dim3A_14 {strides = array<i32>} : memref<3072xf32, #tpu.memory_space<vmem>>, vector<16xf32>,
    %swap3A_74 = arith.constant 480 : index
    %swap3A_75 = tpu.vector_load %arg9[%swap3A_74] {strides = array<i32>} : memref<3072xf32, #tpu.memory_space<vmem>>, vector<16xf32>,
    tpu.vector_store %arg9[%swap3A_74], %broadcast_in_dim3A_14 {strides = array<i32>} : memref<3072xf32, #tpu.memory_space<vmem>>, vector<16xf32>,
    %swap3A_76 = arith.constant 496 : index
    %swap3A_77 = tpu.vector_load %arg9[%swap3A_76] {strides = array<i32>} : memref<3072xf32, #tpu.memory_space<vmem>>, vector<16xf32>,
    tpu.vector_store %arg9[%swap3A_76], %broadcast_in_dim3A_14 {strides = array<i32>} : memref<3072xf32, #tpu.memory_space<vmem>>, vector<16xf32>,
    %swap3A_78 = arith.constant 512 : index
    %swap3A_79 = tpu.vector_load %arg9[%swap3A_78] {strides = array<i32>} : memref<3072xf32, #tpu.memory_space<vmem>>, vector<16xf32>,
    tpu.vector_store %arg9[%swap3A_78], %broadcast_in_dim3A_14 {strides = array<i32>} : memref<3072xf32, #tpu.memory_space<vmem>>, vector<16xf32>,
    %swap3A_80 = arith.constant 528 : index
    %swap3A_81 = tpu.vector_load %arg9[%swap3A_80] {strides = array<i32>} : memref<3072xf32, #tpu.memory_space<vmem>>, vector<16xf32>,
    tpu.vector_store %arg9[%swap3A_80], %broadcast_in_dim3A_14 {strides = array<i32>} : memref<3072xf32, #tpu.memory_space<vmem>>, vector<16xf32>,
    %swap3A_82 = arith.constant 544 : index
    %swap3A_83 = tpu.vector_load %arg9[%swap3A_82] {strides = array<i32>} : memref<3072xf32, #tpu.memory_space<vmem>>, vector<16xf32>,
    tpu.vector_store %arg9[%swap3A_82], %broadcast_in_dim3A_14 {strides = array<i32>} : memref<3072xf32, #tpu.memory_space<vmem>>, vector<16xf32>,
    %swap3A_84 = arith.constant 560 : index
    %swap3A_85 = tpu.vector_load %arg9[%swap3A_84] {strides = array<i32>} : memref<3072xf32, #tpu.memory_space<vmem>>, vector<16xf32>,
    tpu.vector_store %arg9[%swap3A_84], %broadcast_in_dim3A_14 {strides = array<i32>} : memref<3072xf32, #tpu.memory_space<vmem>>, vector<16xf32>,
    %swap3A_86 = arith.constant 576 : index
    %swap3A_87 = tpu.vector_load %arg9[%swap3A_86] {strides = array<i32>} : memref<3072xf32, #tpu.memory_space<vmem>>, vector<16xf32>,
    tpu.vector_store %arg9[%swap3A_86], %broadcast_in_dim3A_14 {strides = array<i32>} : memref<3072xf32, #tpu.memory_space<vmem>>, vector<16xf32>,
    %swap3A_88 = arith.constant 592 : index
    %swap3A_89 = tpu.vector_load %arg9[%swap3A_88] {strides = array<i32>} : memref<3072xf32, #tpu.memory_space<vmem>>, vector<16xf32>,
    tpu.vector_store %arg9[%swap3A_88], %broadcast_in_dim3A_14 {strides = array<i32>} : memref<3072xf32, #tpu.memory_space<vmem>>, vector<16xf32>,
    %swap3A_90 = arith.constant 608 : index
    %swap3A_91 = tpu.vector_load %arg9[%swap3A_90] {strides = array<i32>} : memref<3072xf32, #tpu.memory_space<vmem>>, vector<16xf32>,
    tpu.vector_store %arg9[%swap3A_90], %broadcast_in_dim3A_14 {strides = array<i32>} : memref<3072xf32, #tpu.memory_space<vmem>>, vector<16xf32>,
    %swap3A_92 = arith.constant 624 : index
    %swap3A_93 = tpu.vector_load %arg9[%swap3A_92] {strides = array<i32>} : memref<3072xf32, #tpu.memory_space<vmem>>, vector<16xf32>,
    tpu.vector_store %arg9[%swap3A_92], %broadcast_in_dim3A_14 {strides = array<i32>} : memref<3072xf32, #tpu.memory_space<vmem>>, vector<16xf32>,
    %swap3A_94 = arith.constant 640 : index
    %swap3A_95 = tpu.vector_load %arg9[%swap3A_94] {strides = array<i32>} : memref<3072xf32, #tpu.memory_space<vmem>>, vector<16xf32>,
    tpu.vector_store %arg9[%swap3A_94], %broadcast_in_dim3A_14 {strides = array<i32>} : memref<3072xf32, #tpu.memory_space<vmem>>, vector<16xf32>,
    %swap3A_96 = arith.constant 656 : index
    %swap3A_97 = tpu.vector_load %arg9[%swap3A_96] {strides = array<i32>} : memref<3072xf32, #tpu.memory_space<vmem>>, vector<16xf32>,
    tpu.vector_store %arg9[%swap3A_96], %broadcast_in_dim3A_14 {strides = array<i32>} : memref<3072xf32, #tpu.memory_space<vmem>>, vector<16xf32>,
    %swap3A_98 = arith.constant 672 : index
    %swap3A_99 = tpu.vector_load %arg9[%swap3A_98] {strides = array<i32>} : memref<3072xf32, #tpu.memory_space<vmem>>, vector<16xf32>,
    tpu.vector_store %arg9[%swap3A_98], %broadcast_in_dim3A_14 {strides = array<i32>} : memref<3072xf32, #tpu.memory_space<vmem>>, vector<16xf32>,
    %swap3A_100 = arith.constant 688 : index
    %swap3A_101 = tpu.vector_load %arg9[%swap3A_100] {strides = array<i32>} : memref<3072xf32, #tpu.memory_space<vmem>>, vector<16xf32>,
    tpu.vector_store %arg9[%swap3A_100], %broadcast_in_dim3A_14 {strides = array<i32>} : memref<3072xf32, #tpu.memory_space<vmem>>, vector<16xf32>,
    %swap3A_102 = arith.constant 704 : index
    %swap3A_103 = tpu.vector_load %arg9[%swap3A_102] {strides = array<i32>} : memref<3072xf32, #tpu.memory_space<vmem>>, vector<16xf32>,
    tpu.vector_store %arg9[%swap3A_102], %broadcast_in_dim3A_14 {strides = array<i32>} : memref<3072xf32, #tpu.memory_space<vmem>>, vector<16xf32>,
    %swap3A_104 = arith.constant 720 : index
    %swap3A_105 = tpu.vector_load %arg9[%swap3A_104] {strides = array<i32>} : memref<3072xf32, #tpu.memory_space<vmem>>, vector<16xf32>,
    tpu.vector_store %arg9[%swap3A_104], %broadcast_in_dim3A_14 {strides = array<i32>} : memref<3072xf32, #tpu.memory_space<vmem>>, vector<16xf32>,
    %swap3A_106 = arith.constant 736 : index
    %swap3A_107 = tpu.vector_load %arg9[%swap3A_106] {strides = array<i32>} : memref<3072xf32, #tpu.memory_space<vmem>>, vector<16xf32>,
    tpu.vector_store %arg9[%swap3A_106], %broadcast_in_dim3A_14 {strides = array<i32>} : memref<3072xf32, #tpu.memory_space<vmem>>, vector<16xf32>,
    %swap3A_108 = arith.constant 752 : index
    %swap3A_109 = tpu.vector_load %arg9[%swap3A_108] {strides = array<i32>} : memref<3072xf32, #tpu.memory_space<vmem>>, vector<16xf32>,
    tpu.vector_store %arg9[%swap3A_108], %broadcast_in_dim3A_14 {strides = array<i32>} : memref<3072xf32, #tpu.memory_space<vmem>>, vector<16xf32>,
    %swap3A_110 = arith.constant 768 : index
    %swap3A_111 = tpu.vector_load %arg9[%swap3A_110] {strides = array<i32>} : memref<3072xf32, #tpu.memory_space<vmem>>, vector<16xf32>,
    tpu.vector_store %arg9[%swap3A_110], %broadcast_in_dim3A_14 {strides = array<i32>} : memref<3072xf32, #tpu.memory_space<vmem>>, vector<16xf32>,
    %swap3A_112 = arith.constant 784 : index
    %swap3A_113 = tpu.vector_load %arg9[%swap3A_112] {strides = array<i32>} : memref<3072xf32, #tpu.memory_space<vmem>>, vector<16xf32>,
    tpu.vector_store %arg9[%swap3A_112], %broadcast_in_dim3A_14 {strides = array<i32>} : memref<3072xf32, #tpu.memory_space<vmem>>, vector<16xf32>,
    %swap3A_114 = arith.constant 800 : index
    %swap3A_115 = tpu.vector_load %arg9[%swap3A_114] {strides = array<i32>} : memref<3072xf32, #tpu.memory_space<vmem>>, vector<16xf32>,
    tpu.vector_store %arg9[%swap3A_114], %broadcast_in_dim3A_14 {strides = array<i32>} : memref<3072xf32, #tpu.memory_space<vmem>>, vector<16xf32>,
    %swap3A_116 = arith.constant 816 : index
    %swap3A_117 = tpu.vector_load %arg9[%swap3A_116] {strides = array<i32>} : memref<3072xf32, #tpu.memory_space<vmem>>, vector<16xf32>,
    tpu.vector_store %arg9[%swap3A_116], %broadcast_in_dim3A_14 {strides = array<i32>} : memref<3072xf32, #tpu.memory_space<vmem>>, vector<16xf32>,
    %swap3A_118 = arith.constant 832 : index
    %swap3A_119 = tpu.vector_load %arg9[%swap3A_118] {strides = array<i32>} : memref<3072xf32, #tpu.memory_space<vmem>>, vector<16xf32>,
    tpu.vector_store %arg9[%swap3A_118], %broadcast_in_dim3A_14 {strides = array<i32>} : memref<3072xf32, #tpu.memory_space<vmem>>, vector<16xf32>,
    %swap3A_120 = arith.constant 848 : index
    %swap3A_121 = tpu.vector_load %arg9[%swap3A_120] {strides = array<i32>} : memref<3072xf32, #tpu.memory_space<vmem>>, vector<16xf32>,
    tpu.vector_store %arg9[%swap3A_120], %broadcast_in_dim3A_14 {strides = array<i32>} : memref<3072xf32, #tpu.memory_space<vmem>>, vector<16xf32>,
    %swap3A_122 = arith.constant 864 : index
    %swap3A_123 = tpu.vector_load %arg9[%swap3A_122] {strides = array<i32>} : memref<3072xf32, #tpu.memory_space<vmem>>, vector<16xf32>,
    tpu.vector_store %arg9[%swap3A_122], %broadcast_in_dim3A_14 {strides = array<i32>} : memref<3072xf32, #tpu.memory_space<vmem>>, vector<16xf32>,
    %swap3A_124 = arith.constant 880 : index
    %swap3A_125 = tpu.vector_load %arg9[%swap3A_124] {strides = array<i32>} : memref<3072xf32, #tpu.memory_space<vmem>>, vector<16xf32>,
    tpu.vector_store %arg9[%swap3A_124], %broadcast_in_dim3A_14 {strides = array<i32>} : memref<3072xf32, #tpu.memory_space<vmem>>, vector<16xf32>,
    %swap3A_126 = arith.constant 896 : index
    %swap3A_127 = tpu.vector_load %arg9[%swap3A_126] {strides = array<i32>} : memref<3072xf32, #tpu.memory_space<vmem>>, vector<16xf32>,
    tpu.vector_store %arg9[%swap3A_126], %broadcast_in_dim3A_14 {strides = array<i32>} : memref<3072xf32, #tpu.memory_space<vmem>>, vector<16xf32>,
    %swap3A_128 = arith.constant 912 : index
    %swap3A_129 = tpu.vector_load %arg9[%swap3A_128] {strides = array<i32>} : memref<3072xf32, #tpu.memory_space<vmem>>, vector<16xf32>,
    tpu.vector_store %arg9[%swap3A_128], %broadcast_in_dim3A_14 {strides = array<i32>} : memref<3072xf32, #tpu.memory_space<vmem>>, vector<16xf32>,
    %swap3A_130 = arith.constant 928 : index
    %swap3A_131 = tpu.vector_load %arg9[%swap3A_130] {strides = array<i32>} : memref<3072xf32, #tpu.memory_space<vmem>>, vector<16xf32>,
    tpu.vector_store %arg9[%swap3A_130], %broadcast_in_dim3A_14 {strides = array<i32>} : memref<3072xf32, #tpu.memory_space<vmem>>, vector<16xf32>,
    %swap3A_132 = arith.constant 944 : index
    %swap3A_133 = tpu.vector_load %arg9[%swap3A_132] {strides = array<i32>} : memref<3072xf32, #tpu.memory_space<vmem>>, vector<16xf32>,
    tpu.vector_store %arg9[%swap3A_132], %broadcast_in_dim3A_14 {strides = array<i32>} : memref<3072xf32, #tpu.memory_space<vmem>>, vector<16xf32>,
    %swap3A_134 = arith.constant 960 : index
    %swap3A_135 = tpu.vector_load %arg9[%swap3A_134] {strides = array<i32>} : memref<3072xf32, #tpu.memory_space<vmem>>, vector<16xf32>,
    tpu.vector_store %arg9[%swap3A_134], %broadcast_in_dim3A_14 {strides = array<i32>} : memref<3072xf32, #tpu.memory_space<vmem>>, vector<16xf32>,
    %swap3A_136 = arith.constant 976 : index
    %swap3A_137 = tpu.vector_load %arg9[%swap3A_136] {strides = array<i32>} : memref<3072xf32, #tpu.memory_space<vmem>>, vector<16xf32>,
    tpu.vector_store %arg9[%swap3A_136], %broadcast_in_dim3A_14 {strides = array<i32>} : memref<3072xf32, #tpu.memory_space<vmem>>, vector<16xf32>,
    %swap3A_138 = arith.constant 992 : index
    %swap3A_139 = tpu.vector_load %arg9[%swap3A_138] {strides = array<i32>} : memref<3072xf32, #tpu.memory_space<vmem>>, vector<16xf32>,
    tpu.vector_store %arg9[%swap3A_138], %broadcast_in_dim3A_14 {strides = array<i32>} : memref<3072xf32, #tpu.memory_space<vmem>>, vector<16xf32>,
    %swap3A_140 = arith.constant 1008 : index
    %swap3A_141 = tpu.vector_load %arg9[%swap3A_140] {strides = array<i32>} : memref<3072xf32, #tpu.memory_space<vmem>>, vector<16xf32>,
    tpu.vector_store %arg9[%swap3A_140], %broadcast_in_dim3A_14 {strides = array<i32>} : memref<3072xf32, #tpu.memory_space<vmem>>, vector<16xf32>,
    %swap3A_142 = arith.constant 1024 : index
    %swap3A_143 = tpu.vector_load %arg9[%swap3A_142] {strides = array<i32>} : memref<3072xf32, #tpu.memory_space<vmem>>, vector<16xf32>,
    tpu.vector_store %arg9[%swap3A_142], %broadcast_in_dim3A_14 {strides = array<i32>} : memref<3072xf32, #tpu.memory_space<vmem>>, vector<16xf32>,
    %swap3A_144 = arith.constant 1040 : index
    %swap3A_145 = tpu.vector_load %arg9[%swap3A_144] {strides = array<i32>} : memref<3072xf32, #tpu.memory_space<vmem>>, vector<16xf32>,
    tpu.vector_store %arg9[%swap3A_144], %broadcast_in_dim3A_14 {strides = array<i32>} : memref<3072xf32, #tpu.memory_space<vmem>>, vector<16xf32>,
    %swap3A_146 = arith.constant 1056 : index
    %swap3A_147 = tpu.vector_load %arg9[%swap3A_146] {strides = array<i32>} : memref<3072xf32, #tpu.memory_space<vmem>>, vector<16xf32>,
    tpu.vector_store %arg9[%swap3A_146], %broadcast_in_dim3A_14 {strides = array<i32>} : memref<3072xf32, #tpu.memory_space<vmem>>, vector<16xf32>,
    %swap3A_148 = arith.constant 1072 : index
    %swap3A_149 = tpu.vector_load %arg9[%swap3A_148] {strides = array<i32>} : memref<3072xf32, #tpu.memory_space<vmem>>, vector<16xf32>,
    tpu.vector_store %arg9[%swap3A_148], %broadcast_in_dim3A_14 {strides = array<i32>} : memref<3072xf32, #tpu.memory_space<vmem>>, vector<16xf32>,
    %swap3A_150 = arith.constant 1088 : index
    %swap3A_151 = tpu.vector_load %arg9[%swap3A_150] {strides = array<i32>} : memref<3072xf32, #tpu.memory_space<vmem>>, vector<16xf32>,
    tpu.vector_store %arg9[%swap3A_150], %broadcast_in_dim3A_14 {strides = array<i32>} : memref<3072xf32, #tpu.memory_space<vmem>>, vector<16xf32>,
    %swap3A_152 = arith.constant 1104 : index
    %swap3A_153 = tpu.vector_load %arg9[%swap3A_152] {strides = array<i32>} : memref<3072xf32, #tpu.memory_space<vmem>>, vector<16xf32>,
    tpu.vector_store %arg9[%swap3A_152], %broadcast_in_dim3A_14 {strides = array<i32>} : memref<3072xf32, #tpu.memory_space<vmem>>, vector<16xf32>,
    %swap3A_154 = arith.constant 1120 : index
    %swap3A_155 = tpu.vector_load %arg9[%swap3A_154] {strides = array<i32>} : memref<3072xf32, #tpu.memory_space<vmem>>, vector<16xf32>,
    tpu.vector_store %arg9[%swap3A_154], %broadcast_in_dim3A_14 {strides = array<i32>} : memref<3072xf32, #tpu.memory_space<vmem>>, vector<16xf32>,
    %swap3A_156 = arith.constant 1136 : index
    %swap3A_157 = tpu.vector_load %arg9[%swap3A_156] {strides = array<i32>} : memref<3072xf32, #tpu.memory_space<vmem>>, vector<16xf32>,
    tpu.vector_store %arg9[%swap3A_156], %broadcast_in_dim3A_14 {strides = array<i32>} : memref<3072xf32, #tpu.memory_space<vmem>>, vector<16xf32>,
    %swap3A_158 = arith.constant 1152 : index
    %swap3A_159 = tpu.vector_load %arg9[%swap3A_158] {strides = array<i32>} : memref<3072xf32, #tpu.memory_space<vmem>>, vector<16xf32>,
    tpu.vector_store %arg9[%swap3A_158], %broadcast_in_dim3A_14 {strides = array<i32>} : memref<3072xf32, #tpu.memory_space<vmem>>, vector<16xf32>,
    %swap3A_160 = arith.constant 1168 : index
    %swap3A_161 = tpu.vector_load %arg9[%swap3A_160] {strides = array<i32>} : memref<3072xf32, #tpu.memory_space<vmem>>, vector<16xf32>,
    tpu.vector_store %arg9[%swap3A_160], %broadcast_in_dim3A_14 {strides = array<i32>} : memref<3072xf32, #tpu.memory_space<vmem>>, vector<16xf32>,
    %swap3A_162 = arith.constant 1184 : index
    %swap3A_163 = tpu.vector_load %arg9[%swap3A_162] {strides = array<i32>} : memref<3072xf32, #tpu.memory_space<vmem>>, vector<16xf32>,
    tpu.vector_store %arg9[%swap3A_162], %broadcast_in_dim3A_14 {strides = array<i32>} : memref<3072xf32, #tpu.memory_space<vmem>>, vector<16xf32>,
    %swap3A_164 = arith.constant 1200 : index
    %swap3A_165 = tpu.vector_load %arg9[%swap3A_164] {strides = array<i32>} : memref<3072xf32, #tpu.memory_space<vmem>>, vector<16xf32>,
    tpu.vector_store %arg9[%swap3A_164], %broadcast_in_dim3A_14 {strides = array<i32>} : memref<3072xf32, #tpu.memory_space<vmem>>, vector<16xf32>,
    %swap3A_166 = arith.constant 1216 : index
    %swap3A_167 = tpu.vector_load %arg9[%swap3A_166] {strides = array<i32>} : memref<3072xf32, #tpu.memory_space<vmem>>, vector<16xf32>,
    tpu.vector_store %arg9[%swap3A_166], %broadcast_in_dim3A_14 {strides = array<i32>} : memref<3072xf32, #tpu.memory_space<vmem>>, vector<16xf32>,
    %swap3A_168 = arith.constant 1232 : index
    %swap3A_169 = tpu.vector_load %arg9[%swap3A_168] {strides = array<i32>} : memref<3072xf32, #tpu.memory_space<vmem>>, vector<16xf32>,
    tpu.vector_store %arg9[%swap3A_168], %broadcast_in_dim3A_14 {strides = array<i32>} : memref<3072xf32, #tpu.memory_space<vmem>>, vector<16xf32>,
    %swap3A_170 = arith.constant 1248 : index
    %swap3A_171 = tpu.vector_load %arg9[%swap3A_170] {strides = array<i32>} : memref<3072xf32, #tpu.memory_space<vmem>>, vector<16xf32>,
    tpu.vector_store %arg9[%swap3A_170], %broadcast_in_dim3A_14 {strides = array<i32>} : memref<3072xf32, #tpu.memory_space<vmem>>, vector<16xf32>,
    %swap3A_172 = arith.constant 1264 : index
    %swap3A_173 = tpu.vector_load %arg9[%swap3A_172] {strides = array<i32>} : memref<3072xf32, #tpu.memory_space<vmem>>, vector<16xf32>,
    tpu.vector_store %arg9[%swap3A_172], %broadcast_in_dim3A_14 {strides = array<i32>} : memref<3072xf32, #tpu.memory_space<vmem>>, vector<16xf32>,
    %swap3A_174 = arith.constant 1280 : index
    %swap3A_175 = tpu.vector_load %arg9[%swap3A_174] {strides = array<i32>} : memref<3072xf32, #tpu.memory_space<vmem>>, vector<16xf32>,
    tpu.vector_store %arg9[%swap3A_174], %broadcast_in_dim3A_14 {strides = array<i32>} : memref<3072xf32, #tpu.memory_space<vmem>>, vector<16xf32>,
    %swap3A_176 = arith.constant 1296 : index
    %swap3A_177 = tpu.vector_load %arg9[%swap3A_176] {strides = array<i32>} : memref<3072xf32, #tpu.memory_space<vmem>>, vector<16xf32>,
    tpu.vector_store %arg9[%swap3A_176], %broadcast_in_dim3A_14 {strides = array<i32>} : memref<3072xf32, #tpu.memory_space<vmem>>, vector<16xf32>,
    %swap3A_178 = arith.constant 1312 : index
    %swap3A_179 = tpu.vector_load %arg9[%swap3A_178] {strides = array<i32>} : memref<3072xf32, #tpu.memory_space<vmem>>, vector<16xf32>,
    tpu.vector_store %arg9[%swap3A_178], %broadcast_in_dim3A_14 {strides = array<i32>} : memref<3072xf32, #tpu.memory_space<vmem>>, vector<16xf32>,
    %swap3A_180 = arith.constant 1328 : index
    %swap3A_181 = tpu.vector_load %arg9[%swap3A_180] {strides = array<i32>} : memref<3072xf32, #tpu.memory_space<vmem>>, vector<16xf32>,
    tpu.vector_store %arg9[%swap3A_180], %broadcast_in_dim3A_14 {strides = array<i32>} : memref<3072xf32, #tpu.memory_space<vmem>>, vector<16xf32>,
    %swap3A_182 = arith.constant 1344 : index
    %swap3A_183 = tpu.vector_load %arg9[%swap3A_182] {strides = array<i32>} : memref<3072xf32, #tpu.memory_space<vmem>>, vector<16xf32>,
    tpu.vector_store %arg9[%swap3A_182], %broadcast_in_dim3A_14 {strides = array<i32>} : memref<3072xf32, #tpu.memory_space<vmem>>, vector<16xf32>,
    %swap3A_184 = arith.constant 1360 : index
    %swap3A_185 = tpu.vector_load %arg9[%swap3A_184] {strides = array<i32>} : memref<3072xf32, #tpu.memory_space<vmem>>, vector<16xf32>,
    tpu.vector_store %arg9[%swap3A_184], %broadcast_in_dim3A_14 {strides = array<i32>} : memref<3072xf32, #tpu.memory_space<vmem>>, vector<16xf32>,
    %swap3A_186 = arith.constant 1376 : index
    %swap3A_187 = tpu.vector_load %arg9[%swap3A_186] {strides = array<i32>} : memref<3072xf32, #tpu.memory_space<vmem>>, vector<16xf32>,
    tpu.vector_store %arg9[%swap3A_186], %broadcast_in_dim3A_14 {strides = array<i32>} : memref<3072xf32, #tpu.memory_space<vmem>>, vector<16xf32>,
    %swap3A_188 = arith.constant 1392 : index
    %swap3A_189 = tpu.vector_load %arg9[%swap3A_188] {strides = array<i32>} : memref<3072xf32, #tpu.memory_space<vmem>>, vector<16xf32>,
    tpu.vector_store %arg9[%swap3A_188], %broadcast_in_dim3A_14 {strides = array<i32>} : memref<3072xf32, #tpu.memory_space<vmem>>, vector<16xf32>,
    %swap3A_190 = arith.constant 1408 : index
    %swap3A_191 = tpu.vector_load %arg9[%swap3A_190] {strides = array<i32>} : memref<3072xf32, #tpu.memory_space<vmem>>, vector<16xf32>,
    tpu.vector_store %arg9[%swap3A_190], %broadcast_in_dim3A_14 {strides = array<i32>} : memref<3072xf32, #tpu.memory_space<vmem>>, vector<16xf32>,
    %swap3A_192 = arith.constant 1424 : index
    %swap3A_193 = tpu.vector_load %arg9[%swap3A_192] {strides = array<i32>} : memref<3072xf32, #tpu.memory_space<vmem>>, vector<16xf32>,
    tpu.vector_store %arg9[%swap3A_192], %broadcast_in_dim3A_14 {strides = array<i32>} : memref<3072xf32, #tpu.memory_space<vmem>>, vector<16xf32>,
    %swap3A_194 = arith.constant 1440 : index
    %swap3A_195 = tpu.vector_load %arg9[%swap3A_194] {strides = array<i32>} : memref<3072xf32, #tpu.memory_space<vmem>>, vector<16xf32>,
    tpu.vector_store %arg9[%swap3A_194], %broadcast_in_dim3A_14 {strides = array<i32>} : memref<3072xf32, #tpu.memory_space<vmem>>, vector<16xf32>,
    %swap3A_196 = arith.constant 1456 : index
    %swap3A_197 = tpu.vector_load %arg9[%swap3A_196] {strides = array<i32>} : memref<3072xf32, #tpu.memory_space<vmem>>, vector<16xf32>,
    tpu.vector_store %arg9[%swap3A_196], %broadcast_in_dim3A_14 {strides = array<i32>} : memref<3072xf32, #tpu.memory_space<vmem>>, vector<16xf32>,
    %swap3A_198 = arith.constant 1472 : index
    %swap3A_199 = tpu.vector_load %arg9[%swap3A_198] {strides = array<i32>} : memref<3072xf32, #tpu.memory_space<vmem>>, vector<16xf32>,
    tpu.vector_store %arg9[%swap3A_198], %broadcast_in_dim3A_14 {strides = array<i32>} : memref<3072xf32, #tpu.memory_space<vmem>>, vector<16xf32>,
    %swap3A_200 = arith.constant 1488 : index
    %swap3A_201 = tpu.vector_load %arg9[%swap3A_200] {strides = array<i32>} : memref<3072xf32, #tpu.memory_space<vmem>>, vector<16xf32>,
    tpu.vector_store %arg9[%swap3A_200], %broadcast_in_dim3A_14 {strides = array<i32>} : memref<3072xf32, #tpu.memory_space<vmem>>, vector<16xf32>,
    %swap3A_202 = arith.constant 1504 : index
    %swap3A_203 = tpu.vector_load %arg9[%swap3A_202] {strides = array<i32>} : memref<3072xf32, #tpu.memory_space<vmem>>, vector<16xf32>,
    tpu.vector_store %arg9[%swap3A_202], %broadcast_in_dim3A_14 {strides = array<i32>} : memref<3072xf32, #tpu.memory_space<vmem>>, vector<16xf32>,
    %swap3A_204 = arith.constant 1520 : index
    %swap3A_205 = tpu.vector_load %arg9[%swap3A_204] {strides = array<i32>} : memref<3072xf32, #tpu.memory_space<vmem>>, vector<16xf32>,
    tpu.vector_store %arg9[%swap3A_204], %broadcast_in_dim3A_14 {strides = array<i32>} : memref<3072xf32, #tpu.memory_space<vmem>>, vector<16xf32>,
    %swap3A_206 = arith.constant 1536 : index
    %swap3A_207 = tpu.vector_load %arg9[%swap3A_206] {strides = array<i32>} : memref<3072xf32, #tpu.memory_space<vmem>>, vector<16xf32>,
    tpu.vector_store %arg9[%swap3A_206], %broadcast_in_dim3A_14 {strides = array<i32>} : memref<3072xf32, #tpu.memory_space<vmem>>, vector<16xf32>,
    %swap3A_208 = arith.constant 1552 : index
    %swap3A_209 = tpu.vector_load %arg9[%swap3A_208] {strides = array<i32>} : memref<3072xf32, #tpu.memory_space<vmem>>, vector<16xf32>,
    tpu.vector_store %arg9[%swap3A_208], %broadcast_in_dim3A_14 {strides = array<i32>} : memref<3072xf32, #tpu.memory_space<vmem>>, vector<16xf32>,
    %swap3A_210 = arith.constant 1568 : index
    %swap3A_211 = tpu.vector_load %arg9[%swap3A_210] {strides = array<i32>} : memref<3072xf32, #tpu.memory_space<vmem>>, vector<16xf32>,
    tpu.vector_store %arg9[%swap3A_210], %broadcast_in_dim3A_14 {strides = array<i32>} : memref<3072xf32, #tpu.memory_space<vmem>>, vector<16xf32>,
    %swap3A_212 = arith.constant 1584 : index
    %swap3A_213 = tpu.vector_load %arg9[%swap3A_212] {strides = array<i32>} : memref<3072xf32, #tpu.memory_space<vmem>>, vector<16xf32>,
    tpu.vector_store %arg9[%swap3A_212], %broadcast_in_dim3A_14 {strides = array<i32>} : memref<3072xf32, #tpu.memory_space<vmem>>, vector<16xf32>,
    %swap3A_214 = arith.constant 1600 : index
    %swap3A_215 = tpu.vector_load %arg9[%swap3A_214] {strides = array<i32>} : memref<3072xf32, #tpu.memory_space<vmem>>, vector<16xf32>,
    tpu.vector_store %arg9[%swap3A_214], %broadcast_in_dim3A_14 {strides = array<i32>} : memref<3072xf32, #tpu.memory_space<vmem>>, vector<16xf32>,
    %swap3A_216 = arith.constant 1616 : index
    %swap3A_217 = tpu.vector_load %arg9[%swap3A_216] {strides = array<i32>} : memref<3072xf32, #tpu.memory_space<vmem>>, vector<16xf32>,
    tpu.vector_store %arg9[%swap3A_216], %broadcast_in_dim3A_14 {strides = array<i32>} : memref<3072xf32, #tpu.memory_space<vmem>>, vector<16xf32>,
    %swap3A_218 = arith.constant 1632 : index
    %swap3A_219 = tpu.vector_load %arg9[%swap3A_218] {strides = array<i32>} : memref<3072xf32, #tpu.memory_space<vmem>>, vector<16xf32>,
    tpu.vector_store %arg9[%swap3A_218], %broadcast_in_dim3A_14 {strides = array<i32>} : memref<3072xf32, #tpu.memory_space<vmem>>, vector<16xf32>,
    %swap3A_220 = arith.constant 1648 : index
    %swap3A_221 = tpu.vector_load %arg9[%swap3A_220] {strides = array<i32>} : memref<3072xf32, #tpu.memory_space<vmem>>, vector<16xf32>,
    tpu.vector_store %arg9[%swap3A_220], %broadcast_in_dim3A_14 {strides = array<i32>} : memref<3072xf32, #tpu.memory_space<vmem>>, vector<16xf32>,
    %swap3A_222 = arith.constant 1664 : index
    %swap3A_223 = tpu.vector_load %arg9[%swap3A_222] {strides = array<i32>} : memref<3072xf32, #tpu.memory_space<vmem>>, vector<16xf32>,
    tpu.vector_store %arg9[%swap3A_222], %broadcast_in_dim3A_14 {strides = array<i32>} : memref<3072xf32, #tpu.memory_space<vmem>>, vector<16xf32>,
    %swap3A_224 = arith.constant 1680 : index
    %swap3A_225 = tpu.vector_load %arg9[%swap3A_224] {strides = array<i32>} : memref<3072xf32, #tpu.memory_space<vmem>>, vector<16xf32>,
    tpu.vector_store %arg9[%swap3A_224], %broadcast_in_dim3A_14 {strides = array<i32>} : memref<3072xf32, #tpu.memory_space<vmem>>, vector<16xf32>,
    %swap3A_226 = arith.constant 1696 : index
    %swap3A_227 = tpu.vector_load %arg9[%swap3A_226] {strides = array<i32>} : memref<3072xf32, #tpu.memory_space<vmem>>, vector<16xf32>,
    tpu.vector_store %arg9[%swap3A_226], %broadcast_in_dim3A_14 {strides = array<i32>} : memref<3072xf32, #tpu.memory_space<vmem>>, vector<16xf32>,
    %swap3A_228 = arith.constant 1712 : index
    %swap3A_229 = tpu.vector_load %arg9[%swap3A_228] {strides = array<i32>} : memref<3072xf32, #tpu.memory_space<vmem>>, vector<16xf32>,
    tpu.vector_store %arg9[%swap3A_228], %broadcast_in_dim3A_14 {strides = array<i32>} : memref<3072xf32, #tpu.memory_space<vmem>>, vector<16xf32>,
    %swap3A_230 = arith.constant 1728 : index
    %swap3A_231 = tpu.vector_load %arg9[%swap3A_230] {strides = array<i32>} : memref<3072xf32, #tpu.memory_space<vmem>>, vector<16xf32>,
    tpu.vector_store %arg9[%swap3A_230], %broadcast_in_dim3A_14 {strides = array<i32>} : memref<3072xf32, #tpu.memory_space<vmem>>, vector<16xf32>,
    %swap3A_232 = arith.constant 1744 : index
    %swap3A_233 = tpu.vector_load %arg9[%swap3A_232] {strides = array<i32>} : memref<3072xf32, #tpu.memory_space<vmem>>, vector<16xf32>,
    tpu.vector_store %arg9[%swap3A_232], %broadcast_in_dim3A_14 {strides = array<i32>} : memref<3072xf32, #tpu.memory_space<vmem>>, vector<16xf32>,
    %swap3A_234 = arith.constant 1760 : index
    %swap3A_235 = tpu.vector_load %arg9[%swap3A_234] {strides = array<i32>} : memref<3072xf32, #tpu.memory_space<vmem>>, vector<16xf32>,
    tpu.vector_store %arg9[%swap3A_234], %broadcast_in_dim3A_14 {strides = array<i32>} : memref<3072xf32, #tpu.memory_space<vmem>>, vector<16xf32>,
    %swap3A_236 = arith.constant 1776 : index
    %swap3A_237 = tpu.vector_load %arg9[%swap3A_236] {strides = array<i32>} : memref<3072xf32, #tpu.memory_space<vmem>>, vector<16xf32>,
    tpu.vector_store %arg9[%swap3A_236], %broadcast_in_dim3A_14 {strides = array<i32>} : memref<3072xf32, #tpu.memory_space<vmem>>, vector<16xf32>,
    %swap3A_238 = arith.constant 1792 : index
    %swap3A_239 = tpu.vector_load %arg9[%swap3A_238] {strides = array<i32>} : memref<3072xf32, #tpu.memory_space<vmem>>, vector<16xf32>,
    tpu.vector_store %arg9[%swap3A_238], %broadcast_in_dim3A_14 {strides = array<i32>} : memref<3072xf32, #tpu.memory_space<vmem>>, vector<16xf32>,
    %swap3A_240 = arith.constant 1808 : index
    %swap3A_241 = tpu.vector_load %arg9[%swap3A_240] {strides = array<i32>} : memref<3072xf32, #tpu.memory_space<vmem>>, vector<16xf32>,
    tpu.vector_store %arg9[%swap3A_240], %broadcast_in_dim3A_14 {strides = array<i32>} : memref<3072xf32, #tpu.memory_space<vmem>>, vector<16xf32>,
    %swap3A_242 = arith.constant 1824 : index
    %swap3A_243 = tpu.vector_load %arg9[%swap3A_242] {strides = array<i32>} : memref<3072xf32, #tpu.memory_space<vmem>>, vector<16xf32>,
    tpu.vector_store %arg9[%swap3A_242], %broadcast_in_dim3A_14 {strides = array<i32>} : memref<3072xf32, #tpu.memory_space<vmem>>, vector<16xf32>,
    %swap3A_244 = arith.constant 1840 : index
    %swap3A_245 = tpu.vector_load %arg9[%swap3A_244] {strides = array<i32>} : memref<3072xf32, #tpu.memory_space<vmem>>, vector<16xf32>,
    tpu.vector_store %arg9[%swap3A_244], %broadcast_in_dim3A_14 {strides = array<i32>} : memref<3072xf32, #tpu.memory_space<vmem>>, vector<16xf32>,
    %swap3A_246 = arith.constant 1856 : index
    %swap3A_247 = tpu.vector_load %arg9[%swap3A_246] {strides = array<i32>} : memref<3072xf32, #tpu.memory_space<vmem>>, vector<16xf32>,
    tpu.vector_store %arg9[%swap3A_246], %broadcast_in_dim3A_14 {strides = array<i32>} : memref<3072xf32, #tpu.memory_space<vmem>>, vector<16xf32>,
    %swap3A_248 = arith.constant 1872 : index
    %swap3A_249 = tpu.vector_load %arg9[%swap3A_248] {strides = array<i32>} : memref<3072xf32, #tpu.memory_space<vmem>>, vector<16xf32>,
    tpu.vector_store %arg9[%swap3A_248], %broadcast_in_dim3A_14 {strides = array<i32>} : memref<3072xf32, #tpu.memory_space<vmem>>, vector<16xf32>,
    %swap3A_250 = arith.constant 1888 : index
    %swap3A_251 = tpu.vector_load %arg9[%swap3A_250] {strides = array<i32>} : memref<3072xf32, #tpu.memory_space<vmem>>, vector<16xf32>,
    tpu.vector_store %arg9[%swap3A_250], %broadcast_in_dim3A_14 {strides = array<i32>} : memref<3072xf32, #tpu.memory_space<vmem>>, vector<16xf32>,
    %swap3A_252 = arith.constant 1904 : index
    %swap3A_253 = tpu.vector_load %arg9[%swap3A_252] {strides = array<i32>} : memref<3072xf32, #tpu.memory_space<vmem>>, vector<16xf32>,
    tpu.vector_store %arg9[%swap3A_252], %broadcast_in_dim3A_14 {strides = array<i32>} : memref<3072xf32, #tpu.memory_space<vmem>>, vector<16xf32>,
    %swap3A_254 = arith.constant 1920 : index
    %swap3A_255 = tpu.vector_load %arg9[%swap3A_254] {strides = array<i32>} : memref<3072xf32, #tpu.memory_space<vmem>>, vector<16xf32>,
    tpu.vector_store %arg9[%swap3A_254], %broadcast_in_dim3A_14 {strides = array<i32>} : memref<3072xf32, #tpu.memory_space<vmem>>, vector<16xf32>,
    %swap3A_256 = arith.constant 1936 : index
    %swap3A_257 = tpu.vector_load %arg9[%swap3A_256] {strides = array<i32>} : memref<3072xf32, #tpu.memory_space<vmem>>, vector<16xf32>,
    tpu.vector_store %arg9[%swap3A_256], %broadcast_in_dim3A_14 {strides = array<i32>} : memref<3072xf32, #tpu.memory_space<vmem>>, vector<16xf32>,
    %swap3A_258 = arith.constant 1952 : index
    %swap3A_259 = tpu.vector_load %arg9[%swap3A_258] {strides = array<i32>} : memref<3072xf32, #tpu.memory_space<vmem>>, vector<16xf32>,
    tpu.vector_store %arg9[%swap3A_258], %broadcast_in_dim3A_14 {strides = array<i32>} : memref<3072xf32, #tpu.memory_space<vmem>>, vector<16xf32>,
    %swap3A_260 = arith.constant 1968 : index
    %swap3A_261 = tpu.vector_load %arg9[%swap3A_260] {strides = array<i32>} : memref<3072xf32, #tpu.memory_space<vmem>>, vector<16xf32>,
    tpu.vector_store %arg9[%swap3A_260], %broadcast_in_dim3A_14 {strides = array<i32>} : memref<3072xf32, #tpu.memory_space<vmem>>, vector<16xf32>,
    %swap3A_262 = arith.constant 1984 : index
    %swap3A_263 = tpu.vector_load %arg9[%swap3A_262] {strides = array<i32>} : memref<3072xf32, #tpu.memory_space<vmem>>, vector<16xf32>,
    tpu.vector_store %arg9[%swap3A_262], %broadcast_in_dim3A_14 {strides = array<i32>} : memref<3072xf32, #tpu.memory_space<vmem>>, vector<16xf32>,
    %swap3A_264 = arith.constant 2000 : index
    %swap3A_265 = tpu.vector_load %arg9[%swap3A_264] {strides = array<i32>} : memref<3072xf32, #tpu.memory_space<vmem>>, vector<16xf32>,
    tpu.vector_store %arg9[%swap3A_264], %broadcast_in_dim3A_14 {strides = array<i32>} : memref<3072xf32, #tpu.memory_space<vmem>>, vector<16xf32>,
    %swap3A_266 = arith.constant 2016 : index
    %swap3A_267 = tpu.vector_load %arg9[%swap3A_266] {strides = array<i32>} : memref<3072xf32, #tpu.memory_space<vmem>>, vector<16xf32>,
    tpu.vector_store %arg9[%swap3A_266], %broadcast_in_dim3A_14 {strides = array<i32>} : memref<3072xf32, #tpu.memory_space<vmem>>, vector<16xf32>,
    %swap3A_268 = arith.constant 2032 : index
    %swap3A_269 = tpu.vector_load %arg9[%swap3A_268] {strides = array<i32>} : memref<3072xf32, #tpu.memory_space<vmem>>, vector<16xf32>,
    tpu.vector_store %arg9[%swap3A_268], %broadcast_in_dim3A_14 {strides = array<i32>} : memref<3072xf32, #tpu.memory_space<vmem>>, vector<16xf32>,
    %swap3A_270 = arith.constant 2048 : index
    %swap3A_271 = tpu.vector_load %arg9[%swap3A_270] {strides = array<i32>} : memref<3072xf32, #tpu.memory_space<vmem>>, vector<16xf32>,
    tpu.vector_store %arg9[%swap3A_270], %broadcast_in_dim3A_14 {strides = array<i32>} : memref<3072xf32, #tpu.memory_space<vmem>>, vector<16xf32>,
    %swap3A_272 = arith.constant 2064 : index
    %swap3A_273 = tpu.vector_load %arg9[%swap3A_272] {strides = array<i32>} : memref<3072xf32, #tpu.memory_space<vmem>>, vector<16xf32>,
    tpu.vector_store %arg9[%swap3A_272], %broadcast_in_dim3A_14 {strides = array<i32>} : memref<3072xf32, #tpu.memory_space<vmem>>, vector<16xf32>,
    %swap3A_274 = arith.constant 2080 : index
    %swap3A_275 = tpu.vector_load %arg9[%swap3A_274] {strides = array<i32>} : memref<3072xf32, #tpu.memory_space<vmem>>, vector<16xf32>,
    tpu.vector_store %arg9[%swap3A_274], %broadcast_in_dim3A_14 {strides = array<i32>} : memref<3072xf32, #tpu.memory_space<vmem>>, vector<16xf32>,
    %swap3A_276 = arith.constant 2096 : index
    %swap3A_277 = tpu.vector_load %arg9[%swap3A_276] {strides = array<i32>} : memref<3072xf32, #tpu.memory_space<vmem>>, vector<16xf32>,
    tpu.vector_store %arg9[%swap3A_276], %broadcast_in_dim3A_14 {strides = array<i32>} : memref<3072xf32, #tpu.memory_space<vmem>>, vector<16xf32>,
    %swap3A_278 = arith.constant 2112 : index
    %swap3A_279 = tpu.vector_load %arg9[%swap3A_278] {strides = array<i32>} : memref<3072xf32, #tpu.memory_space<vmem>>, vector<16xf32>,
    tpu.vector_store %arg9[%swap3A_278], %broadcast_in_dim3A_14 {strides = array<i32>} : memref<3072xf32, #tpu.memory_space<vmem>>, vector<16xf32>,
    %swap3A_280 = arith.constant 2128 : index
    %swap3A_281 = tpu.vector_load %arg9[%swap3A_280] {strides = array<i32>} : memref<3072xf32, #tpu.memory_space<vmem>>, vector<16xf32>,
    tpu.vector_store %arg9[%swap3A_280], %broadcast_in_dim3A_14 {strides = array<i32>} : memref<3072xf32, #tpu.memory_space<vmem>>, vector<16xf32>,
    %swap3A_282 = arith.constant 2144 : index
    %swap3A_283 = tpu.vector_load %arg9[%swap3A_282] {strides = array<i32>} : memref<3072xf32, #tpu.memory_space<vmem>>, vector<16xf32>,
    tpu.vector_store %arg9[%swap3A_282], %broadcast_in_dim3A_14 {strides = array<i32>} : memref<3072xf32, #tpu.memory_space<vmem>>, vector<16xf32>,
    %swap3A_284 = arith.constant 2160 : index
    %swap3A_285 = tpu.vector_load %arg9[%swap3A_284] {strides = array<i32>} : memref<3072xf32, #tpu.memory_space<vmem>>, vector<16xf32>,
    tpu.vector_store %arg9[%swap3A_284], %broadcast_in_dim3A_14 {strides = array<i32>} : memref<3072xf32, #tpu.memory_space<vmem>>, vector<16xf32>,
    %swap3A_286 = arith.constant 2176 : index
    %swap3A_287 = tpu.vector_load %arg9[%swap3A_286] {strides = array<i32>} : memref<3072xf32, #tpu.memory_space<vmem>>, vector<16xf32>,
    tpu.vector_store %arg9[%swap3A_286], %broadcast_in_dim3A_14 {strides = array<i32>} : memref<3072xf32, #tpu.memory_space<vmem>>, vector<16xf32>,
    %swap3A_288 = arith.constant 2192 : index
    %swap3A_289 = tpu.vector_load %arg9[%swap3A_288] {strides = array<i32>} : memref<3072xf32, #tpu.memory_space<vmem>>, vector<16xf32>,
    tpu.vector_store %arg9[%swap3A_288], %broadcast_in_dim3A_14 {strides = array<i32>} : memref<3072xf32, #tpu.memory_space<vmem>>, vector<16xf32>,
    %swap3A_290 = arith.constant 2208 : index
    %swap3A_291 = tpu.vector_load %arg9[%swap3A_290] {strides = array<i32>} : memref<3072xf32, #tpu.memory_space<vmem>>, vector<16xf32>,
    tpu.vector_store %arg9[%swap3A_290], %broadcast_in_dim3A_14 {strides = array<i32>} : memref<3072xf32, #tpu.memory_space<vmem>>, vector<16xf32>,
    %swap3A_292 = arith.constant 2224 : index
    %swap3A_293 = tpu.vector_load %arg9[%swap3A_292] {strides = array<i32>} : memref<3072xf32, #tpu.memory_space<vmem>>, vector<16xf32>,
    tpu.vector_store %arg9[%swap3A_292], %broadcast_in_dim3A_14 {strides = array<i32>} : memref<3072xf32, #tpu.memory_space<vmem>>, vector<16xf32>,
    %swap3A_294 = arith.constant 2240 : index
    %swap3A_295 = tpu.vector_load %arg9[%swap3A_294] {strides = array<i32>} : memref<3072xf32, #tpu.memory_space<vmem>>, vector<16xf32>,
    tpu.vector_store %arg9[%swap3A_294], %broadcast_in_dim3A_14 {strides = array<i32>} : memref<3072xf32, #tpu.memory_space<vmem>>, vector<16xf32>,
    %swap3A_296 = arith.constant 2256 : index
    %swap3A_297 = tpu.vector_load %arg9[%swap3A_296] {strides = array<i32>} : memref<3072xf32, #tpu.memory_space<vmem>>, vector<16xf32>,
    tpu.vector_store %arg9[%swap3A_296], %broadcast_in_dim3A_14 {strides = array<i32>} : memref<3072xf32, #tpu.memory_space<vmem>>, vector<16xf32>,
    %swap3A_298 = arith.constant 2272 : index
    %swap3A_299 = tpu.vector_load %arg9[%swap3A_298] {strides = array<i32>} : memref<3072xf32, #tpu.memory_space<vmem>>, vector<16xf32>,
    tpu.vector_store %arg9[%swap3A_298], %broadcast_in_dim3A_14 {strides = array<i32>} : memref<3072xf32, #tpu.memory_space<vmem>>, vector<16xf32>,
    %swap3A_300 = arith.constant 2288 : index
    %swap3A_301 = tpu.vector_load %arg9[%swap3A_300] {strides = array<i32>} : memref<3072xf32, #tpu.memory_space<vmem>>, vector<16xf32>,
    tpu.vector_store %arg9[%swap3A_300], %broadcast_in_dim3A_14 {strides = array<i32>} : memref<3072xf32, #tpu.memory_space<vmem>>, vector<16xf32>,
    %swap3A_302 = arith.constant 2304 : index
    %swap3A_303 = tpu.vector_load %arg9[%swap3A_302] {strides = array<i32>} : memref<3072xf32, #tpu.memory_space<vmem>>, vector<16xf32>,
    tpu.vector_store %arg9[%swap3A_302], %broadcast_in_dim3A_14 {strides = array<i32>} : memref<3072xf32, #tpu.memory_space<vmem>>, vector<16xf32>,
    %swap3A_304 = arith.constant 2320 : index
    %swap3A_305 = tpu.vector_load %arg9[%swap3A_304] {strides = array<i32>} : memref<3072xf32, #tpu.memory_space<vmem>>, vector<16xf32>,
    tpu.vector_store %arg9[%swap3A_304], %broadcast_in_dim3A_14 {strides = array<i32>} : memref<3072xf32, #tpu.memory_space<vmem>>, vector<16xf32>,
    %swap3A_306 = arith.constant 2336 : index
    %swap3A_307 = tpu.vector_load %arg9[%swap3A_306] {strides = array<i32>} : memref<3072xf32, #tpu.memory_space<vmem>>, vector<16xf32>,
    tpu.vector_store %arg9[%swap3A_306], %broadcast_in_dim3A_14 {strides = array<i32>} : memref<3072xf32, #tpu.memory_space<vmem>>, vector<16xf32>,
    %swap3A_308 = arith.constant 2352 : index
    %swap3A_309 = tpu.vector_load %arg9[%swap3A_308] {strides = array<i32>} : memref<3072xf32, #tpu.memory_space<vmem>>, vector<16xf32>,
    tpu.vector_store %arg9[%swap3A_308], %broadcast_in_dim3A_14 {strides = array<i32>} : memref<3072xf32, #tpu.memory_space<vmem>>, vector<16xf32>,
    %swap3A_310 = arith.constant 2368 : index
    %swap3A_311 = tpu.vector_load %arg9[%swap3A_310] {strides = array<i32>} : memref<3072xf32, #tpu.memory_space<vmem>>, vector<16xf32>,
    tpu.vector_store %arg9[%swap3A_310], %broadcast_in_dim3A_14 {strides = array<i32>} : memref<3072xf32, #tpu.memory_space<vmem>>, vector<16xf32>,
    %swap3A_312 = arith.constant 2384 : index
    %swap3A_313 = tpu.vector_load %arg9[%swap3A_312] {strides = array<i32>} : memref<3072xf32, #tpu.memory_space<vmem>>, vector<16xf32>,
    tpu.vector_store %arg9[%swap3A_312], %broadcast_in_dim3A_14 {strides = array<i32>} : memref<3072xf32, #tpu.memory_space<vmem>>, vector<16xf32>,
    %swap3A_314 = arith.constant 2400 : index
    %swap3A_315 = tpu.vector_load %arg9[%swap3A_314] {strides = array<i32>} : memref<3072xf32, #tpu.memory_space<vmem>>, vector<16xf32>,
    tpu.vector_store %arg9[%swap3A_314], %broadcast_in_dim3A_14 {strides = array<i32>} : memref<3072xf32, #tpu.memory_space<vmem>>, vector<16xf32>,
    %swap3A_316 = arith.constant 2416 : index
    %swap3A_317 = tpu.vector_load %arg9[%swap3A_316] {strides = array<i32>} : memref<3072xf32, #tpu.memory_space<vmem>>, vector<16xf32>,
    tpu.vector_store %arg9[%swap3A_316], %broadcast_in_dim3A_14 {strides = array<i32>} : memref<3072xf32, #tpu.memory_space<vmem>>, vector<16xf32>,
    %swap3A_318 = arith.constant 2432 : index
    %swap3A_319 = tpu.vector_load %arg9[%swap3A_318] {strides = array<i32>} : memref<3072xf32, #tpu.memory_space<vmem>>, vector<16xf32>,
    tpu.vector_store %arg9[%swap3A_318], %broadcast_in_dim3A_14 {strides = array<i32>} : memref<3072xf32, #tpu.memory_space<vmem>>, vector<16xf32>,
    %swap3A_320 = arith.constant 2448 : index
    %swap3A_321 = tpu.vector_load %arg9[%swap3A_320] {strides = array<i32>} : memref<3072xf32, #tpu.memory_space<vmem>>, vector<16xf32>,
    tpu.vector_store %arg9[%swap3A_320], %broadcast_in_dim3A_14 {strides = array<i32>} : memref<3072xf32, #tpu.memory_space<vmem>>, vector<16xf32>,
    %swap3A_322 = arith.constant 2464 : index
    %swap3A_323 = tpu.vector_load %arg9[%swap3A_322] {strides = array<i32>} : memref<3072xf32, #tpu.memory_space<vmem>>, vector<16xf32>,
    tpu.vector_store %arg9[%swap3A_322], %broadcast_in_dim3A_14 {strides = array<i32>} : memref<3072xf32, #tpu.memory_space<vmem>>, vector<16xf32>,
    %swap3A_324 = arith.constant 2480 : index
    %swap3A_325 = tpu.vector_load %arg9[%swap3A_324] {strides = array<i32>} : memref<3072xf32, #tpu.memory_space<vmem>>, vector<16xf32>,
    tpu.vector_store %arg9[%swap3A_324], %broadcast_in_dim3A_14 {strides = array<i32>} : memref<3072xf32, #tpu.memory_space<vmem>>, vector<16xf32>,
    %swap3A_326 = arith.constant 2496 : index
    %swap3A_327 = tpu.vector_load %arg9[%swap3A_326] {strides = array<i32>} : memref<3072xf32, #tpu.memory_space<vmem>>, vector<16xf32>,
    tpu.vector_store %arg9[%swap3A_326], %broadcast_in_dim3A_14 {strides = array<i32>} : memref<3072xf32, #tpu.memory_space<vmem>>, vector<16xf32>,
    %swap3A_328 = arith.constant 2512 : index
    %swap3A_329 = tpu.vector_load %arg9[%swap3A_328] {strides = array<i32>} : memref<3072xf32, #tpu.memory_space<vmem>>, vector<16xf32>,
    tpu.vector_store %arg9[%swap3A_328], %broadcast_in_dim3A_14 {strides = array<i32>} : memref<3072xf32, #tpu.memory_space<vmem>>, vector<16xf32>,
    %swap3A_330 = arith.constant 2528 : index
    %swap3A_331 = tpu.vector_load %arg9[%swap3A_330] {strides = array<i32>} : memref<3072xf32, #tpu.memory_space<vmem>>, vector<16xf32>,
    tpu.vector_store %arg9[%swap3A_330], %broadcast_in_dim3A_14 {strides = array<i32>} : memref<3072xf32, #tpu.memory_space<vmem>>, vector<16xf32>,
    %swap3A_332 = arith.constant 2544 : index
    %swap3A_333 = tpu.vector_load %arg9[%swap3A_332] {strides = array<i32>} : memref<3072xf32, #tpu.memory_space<vmem>>, vector<16xf32>,
    tpu.vector_store %arg9[%swap3A_332], %broadcast_in_dim3A_14 {strides = array<i32>} : memref<3072xf32, #tpu.memory_space<vmem>>, vector<16xf32>,
    %swap3A_334 = arith.constant 2560 : index
    %swap3A_335 = tpu.vector_load %arg9[%swap3A_334] {strides = array<i32>} : memref<3072xf32, #tpu.memory_space<vmem>>, vector<16xf32>,
    tpu.vector_store %arg9[%swap3A_334], %broadcast_in_dim3A_14 {strides = array<i32>} : memref<3072xf32, #tpu.memory_space<vmem>>, vector<16xf32>,
    %swap3A_336 = arith.constant 2576 : index
    %swap3A_337 = tpu.vector_load %arg9[%swap3A_336] {strides = array<i32>} : memref<3072xf32, #tpu.memory_space<vmem>>, vector<16xf32>,
    tpu.vector_store %arg9[%swap3A_336], %broadcast_in_dim3A_14 {strides = array<i32>} : memref<3072xf32, #tpu.memory_space<vmem>>, vector<16xf32>,
    %swap3A_338 = arith.constant 2592 : index
    %swap3A_339 = tpu.vector_load %arg9[%swap3A_338] {strides = array<i32>} : memref<3072xf32, #tpu.memory_space<vmem>>, vector<16xf32>,
    tpu.vector_store %arg9[%swap3A_338], %broadcast_in_dim3A_14 {strides = array<i32>} : memref<3072xf32, #tpu.memory_space<vmem>>, vector<16xf32>,
    %swap3A_340 = arith.constant 2608 : index
    %swap3A_341 = tpu.vector_load %arg9[%swap3A_340] {strides = array<i32>} : memref<3072xf32, #tpu.memory_space<vmem>>, vector<16xf32>,
    tpu.vector_store %arg9[%swap3A_340], %broadcast_in_dim3A_14 {strides = array<i32>} : memref<3072xf32, #tpu.memory_space<vmem>>, vector<16xf32>,
    %swap3A_342 = arith.constant 2624 : index
    %swap3A_343 = tpu.vector_load %arg9[%swap3A_342] {strides = array<i32>} : memref<3072xf32, #tpu.memory_space<vmem>>, vector<16xf32>,
    tpu.vector_store %arg9[%swap3A_342], %broadcast_in_dim3A_14 {strides = array<i32>} : memref<3072xf32, #tpu.memory_space<vmem>>, vector<16xf32>,
    %swap3A_344 = arith.constant 2640 : index
    %swap3A_345 = tpu.vector_load %arg9[%swap3A_344] {strides = array<i32>} : memref<3072xf32, #tpu.memory_space<vmem>>, vector<16xf32>,
    tpu.vector_store %arg9[%swap3A_344], %broadcast_in_dim3A_14 {strides = array<i32>} : memref<3072xf32, #tpu.memory_space<vmem>>, vector<16xf32>,
    %swap3A_346 = arith.constant 2656 : index
    %swap3A_347 = tpu.vector_load %arg9[%swap3A_346] {strides = array<i32>} : memref<3072xf32, #tpu.memory_space<vmem>>, vector<16xf32>,
    tpu.vector_store %arg9[%swap3A_346], %broadcast_in_dim3A_14 {strides = array<i32>} : memref<3072xf32, #tpu.memory_space<vmem>>, vector<16xf32>,
    %swap3A_348 = arith.constant 2672 : index
    %swap3A_349 = tpu.vector_load %arg9[%swap3A_348] {strides = array<i32>} : memref<3072xf32, #tpu.memory_space<vmem>>, vector<16xf32>,
    tpu.vector_store %arg9[%swap3A_348], %broadcast_in_dim3A_14 {strides = array<i32>} : memref<3072xf32, #tpu.memory_space<vmem>>, vector<16xf32>,
    %swap3A_350 = arith.constant 2688 : index
    %swap3A_351 = tpu.vector_load %arg9[%swap3A_350] {strides = array<i32>} : memref<3072xf32, #tpu.memory_space<vmem>>, vector<16xf32>,
    tpu.vector_store %arg9[%swap3A_350], %broadcast_in_dim3A_14 {strides = array<i32>} : memref<3072xf32, #tpu.memory_space<vmem>>, vector<16xf32>,
    %swap3A_352 = arith.constant 2704 : index
    %swap3A_353 = tpu.vector_load %arg9[%swap3A_352] {strides = array<i32>} : memref<3072xf32, #tpu.memory_space<vmem>>, vector<16xf32>,
    tpu.vector_store %arg9[%swap3A_352], %broadcast_in_dim3A_14 {strides = array<i32>} : memref<3072xf32, #tpu.memory_space<vmem>>, vector<16xf32>,
    %swap3A_354 = arith.constant 2720 : index
    %swap3A_355 = tpu.vector_load %arg9[%swap3A_354] {strides = array<i32>} : memref<3072xf32, #tpu.memory_space<vmem>>, vector<16xf32>,
    tpu.vector_store %arg9[%swap3A_354], %broadcast_in_dim3A_14 {strides = array<i32>} : memref<3072xf32, #tpu.memory_space<vmem>>, vector<16xf32>,
    %swap3A_356 = arith.constant 2736 : index
    %swap3A_357 = tpu.vector_load %arg9[%swap3A_356] {strides = array<i32>} : memref<3072xf32, #tpu.memory_space<vmem>>, vector<16xf32>,
    tpu.vector_store %arg9[%swap3A_356], %broadcast_in_dim3A_14 {strides = array<i32>} : memref<3072xf32, #tpu.memory_space<vmem>>, vector<16xf32>,
    %swap3A_358 = arith.constant 2752 : index
    %swap3A_359 = tpu.vector_load %arg9[%swap3A_358] {strides = array<i32>} : memref<3072xf32, #tpu.memory_space<vmem>>, vector<16xf32>,
    tpu.vector_store %arg9[%swap3A_358], %broadcast_in_dim3A_14 {strides = array<i32>} : memref<3072xf32, #tpu.memory_space<vmem>>, vector<16xf32>,
    %swap3A_360 = arith.constant 2768 : index
    %swap3A_361 = tpu.vector_load %arg9[%swap3A_360] {strides = array<i32>} : memref<3072xf32, #tpu.memory_space<vmem>>, vector<16xf32>,
    tpu.vector_store %arg9[%swap3A_360], %broadcast_in_dim3A_14 {strides = array<i32>} : memref<3072xf32, #tpu.memory_space<vmem>>, vector<16xf32>,
    %swap3A_362 = arith.constant 2784 : index
    %swap3A_363 = tpu.vector_load %arg9[%swap3A_362] {strides = array<i32>} : memref<3072xf32, #tpu.memory_space<vmem>>, vector<16xf32>,
    tpu.vector_store %arg9[%swap3A_362], %broadcast_in_dim3A_14 {strides = array<i32>} : memref<3072xf32, #tpu.memory_space<vmem>>, vector<16xf32>,
    %swap3A_364 = arith.constant 2800 : index
    %swap3A_365 = tpu.vector_load %arg9[%swap3A_364] {strides = array<i32>} : memref<3072xf32, #tpu.memory_space<vmem>>, vector<16xf32>,
    tpu.vector_store %arg9[%swap3A_364], %broadcast_in_dim3A_14 {strides = array<i32>} : memref<3072xf32, #tpu.memory_space<vmem>>, vector<16xf32>,
    %swap3A_366 = arith.constant 2816 : index
    %swap3A_367 = tpu.vector_load %arg9[%swap3A_366] {strides = array<i32>} : memref<3072xf32, #tpu.memory_space<vmem>>, vector<16xf32>,
    tpu.vector_store %arg9[%swap3A_366], %broadcast_in_dim3A_14 {strides = array<i32>} : memref<3072xf32, #tpu.memory_space<vmem>>, vector<16xf32>,
    %swap3A_368 = arith.constant 2832 : index
    %swap3A_369 = tpu.vector_load %arg9[%swap3A_368] {strides = array<i32>} : memref<3072xf32, #tpu.memory_space<vmem>>, vector<16xf32>,
    tpu.vector_store %arg9[%swap3A_368], %broadcast_in_dim3A_14 {strides = array<i32>} : memref<3072xf32, #tpu.memory_space<vmem>>, vector<16xf32>,
    %swap3A_370 = arith.constant 2848 : index
    %swap3A_371 = tpu.vector_load %arg9[%swap3A_370] {strides = array<i32>} : memref<3072xf32, #tpu.memory_space<vmem>>, vector<16xf32>,
    tpu.vector_store %arg9[%swap3A_370], %broadcast_in_dim3A_14 {strides = array<i32>} : memref<3072xf32, #tpu.memory_space<vmem>>, vector<16xf32>,
    %swap3A_372 = arith.constant 2864 : index
    %swap3A_373 = tpu.vector_load %arg9[%swap3A_372] {strides = array<i32>} : memref<3072xf32, #tpu.memory_space<vmem>>, vector<16xf32>,
    tpu.vector_store %arg9[%swap3A_372], %broadcast_in_dim3A_14 {strides = array<i32>} : memref<3072xf32, #tpu.memory_space<vmem>>, vector<16xf32>,
    %swap3A_374 = arith.constant 2880 : index
    %swap3A_375 = tpu.vector_load %arg9[%swap3A_374] {strides = array<i32>} : memref<3072xf32, #tpu.memory_space<vmem>>, vector<16xf32>,
    tpu.vector_store %arg9[%swap3A_374], %broadcast_in_dim3A_14 {strides = array<i32>} : memref<3072xf32, #tpu.memory_space<vmem>>, vector<16xf32>,
    %swap3A_376 = arith.constant 2896 : index
    %swap3A_377 = tpu.vector_load %arg9[%swap3A_376] {strides = array<i32>} : memref<3072xf32, #tpu.memory_space<vmem>>, vector<16xf32>,
    tpu.vector_store %arg9[%swap3A_376], %broadcast_in_dim3A_14 {strides = array<i32>} : memref<3072xf32, #tpu.memory_space<vmem>>, vector<16xf32>,
    %swap3A_378 = arith.constant 2912 : index
    %swap3A_379 = tpu.vector_load %arg9[%swap3A_378] {strides = array<i32>} : memref<3072xf32, #tpu.memory_space<vmem>>, vector<16xf32>,
    tpu.vector_store %arg9[%swap3A_378], %broadcast_in_dim3A_14 {strides = array<i32>} : memref<3072xf32, #tpu.memory_space<vmem>>, vector<16xf32>,
    %swap3A_380 = arith.constant 2928 : index
    %swap3A_381 = tpu.vector_load %arg9[%swap3A_380] {strides = array<i32>} : memref<3072xf32, #tpu.memory_space<vmem>>, vector<16xf32>,
    tpu.vector_store %arg9[%swap3A_380], %broadcast_in_dim3A_14 {strides = array<i32>} : memref<3072xf32, #tpu.memory_space<vmem>>, vector<16xf32>,
    %swap3A_382 = arith.constant 2944 : index
    %swap3A_383 = tpu.vector_load %arg9[%swap3A_382] {strides = array<i32>} : memref<3072xf32, #tpu.memory_space<vmem>>, vector<16xf32>,
    tpu.vector_store %arg9[%swap3A_382], %broadcast_in_dim3A_14 {strides = array<i32>} : memref<3072xf32, #tpu.memory_space<vmem>>, vector<16xf32>,
    %swap3A_384 = arith.constant 2960 : index
    %swap3A_385 = tpu.vector_load %arg9[%swap3A_384] {strides = array<i32>} : memref<3072xf32, #tpu.memory_space<vmem>>, vector<16xf32>,
    tpu.vector_store %arg9[%swap3A_384], %broadcast_in_dim3A_14 {strides = array<i32>} : memref<3072xf32, #tpu.memory_space<vmem>>, vector<16xf32>,
    %swap3A_386 = arith.constant 2976 : index
    %swap3A_387 = tpu.vector_load %arg9[%swap3A_386] {strides = array<i32>} : memref<3072xf32, #tpu.memory_space<vmem>>, vector<16xf32>,
    tpu.vector_store %arg9[%swap3A_386], %broadcast_in_dim3A_14 {strides = array<i32>} : memref<3072xf32, #tpu.memory_space<vmem>>, vector<16xf32>,
    %swap3A_388 = arith.constant 2992 : index
    %swap3A_389 = tpu.vector_load %arg9[%swap3A_388] {strides = array<i32>} : memref<3072xf32, #tpu.memory_space<vmem>>, vector<16xf32>,
    tpu.vector_store %arg9[%swap3A_388], %broadcast_in_dim3A_14 {strides = array<i32>} : memref<3072xf32, #tpu.memory_space<vmem>>, vector<16xf32>,
    %swap3A_390 = arith.constant 3008 : index
    %swap3A_391 = tpu.vector_load %arg9[%swap3A_390] {strides = array<i32>} : memref<3072xf32, #tpu.memory_space<vmem>>, vector<16xf32>,
    tpu.vector_store %arg9[%swap3A_390], %broadcast_in_dim3A_14 {strides = array<i32>} : memref<3072xf32, #tpu.memory_space<vmem>>, vector<16xf32>,
    %swap3A_392 = arith.constant 3024 : index
    %swap3A_393 = tpu.vector_load %arg9[%swap3A_392] {strides = array<i32>} : memref<3072xf32, #tpu.memory_space<vmem>>, vector<16xf32>,
    tpu.vector_store %arg9[%swap3A_392], %broadcast_in_dim3A_14 {strides = array<i32>} : memref<3072xf32, #tpu.memory_space<vmem>>, vector<16xf32>,
    %swap3A_394 = arith.constant 3040 : index
    %swap3A_395 = tpu.vector_load %arg9[%swap3A_394] {strides = array<i32>} : memref<3072xf32, #tpu.memory_space<vmem>>, vector<16xf32>,
    tpu.vector_store %arg9[%swap3A_394], %broadcast_in_dim3A_14 {strides = array<i32>} : memref<3072xf32, #tpu.memory_space<vmem>>, vector<16xf32>,
    %swap3A_396 = arith.constant 3056 : index
    %swap3A_397 = tpu.vector_load %arg9[%swap3A_396] {strides = array<i32>} : memref<3072xf32, #tpu.memory_space<vmem>>, vector<16xf32>,
    tpu.vector_store %arg9[%swap3A_396], %broadcast_in_dim3A_14 {strides = array<i32>} : memref<3072xf32, #tpu.memory_space<vmem>>, vector<16xf32>,
    %dma_wait3A = arith.constant 0 : i32
    %dma_wait3A_398 = tpu.memref_slice %arg2[%mul3A_2, %dma_wait3A] : memref<1024x512xf32, #tpu.memory_space<hbm>> -> memref<32x512xf32, #tpu.memory_space<hbm>>
    %dma_wait3A_399 = arith.constant 0 : i32
    %dma_wait3A_400 = tpu.memref_slice %arg2[%mul3A_2, %dma_wait3A_399] : memref<1024x512xf32, #tpu.memory_space<hbm>> -> memref<32x512xf32, #tpu.memory_space<hbm>>
    tpu.wait_dma2 semaphore(%arg10 : memref<!tpu.dma_semaphore, #tpu.memory_space<semaphore_mem>>) src(%dma_wait3A_400 : memref<32x512xf32, #tpu.memory_space<hbm>>) dst(%arg6 : memref<32x512xf32, #tpu.memory_space<vmem>>)
    %dma_wait3A_401 = arith.constant 0 : i32
    %dma_wait3A_402 = tpu.memref_slice %arg3[%mul3A_2, %dma_wait3A_401] : memref<1024x512xf32, #tpu.memory_space<hbm>> -> memref<32x512xf32, #tpu.memory_space<hbm>>
    %dma_wait3A_403 = arith.constant 0 : i32
    %dma_wait3A_404 = tpu.memref_slice %arg3[%mul3A_2, %dma_wait3A_403] : memref<1024x512xf32, #tpu.memory_space<hbm>> -> memref<32x512xf32, #tpu.memory_space<hbm>>
    tpu.wait_dma2 semaphore(%arg10 : memref<!tpu.dma_semaphore, #tpu.memory_space<semaphore_mem>>) src(%dma_wait3A_404 : memref<32x512xf32, #tpu.memory_space<hbm>>) dst(%arg7 : memref<32x512xf32, #tpu.memory_space<vmem>>)
    %dma_wait3A_405 = arith.constant 0 : i32
    %dma_wait3A_406 = tpu.memref_slice %arg4[%mul3A_2, %dma_wait3A_405] : memref<1024x128xf32, #tpu.memory_space<hbm>> -> memref<32x128xf32, #tpu.memory_space<hbm>>
    %dma_wait3A_407 = arith.constant 0 : i32
    %dma_wait3A_408 = tpu.memref_slice %arg4[%mul3A_2, %dma_wait3A_407] : memref<1024x128xf32, #tpu.memory_space<hbm>> -> memref<32x128xf32, #tpu.memory_space<hbm>>
    tpu.wait_dma2 semaphore(%arg10 : memref<!tpu.dma_semaphore, #tpu.memory_space<semaphore_mem>>) src(%dma_wait3A_408 : memref<32x128xf32, #tpu.memory_space<hbm>>) dst(%arg8 : memref<32x128xf32, #tpu.memory_space<vmem>>)
    %iota3A = tpu.iota {dimensions = array<i32: 0>} : vector<16xi32>
    %broadcast_in_dim3A_409 = arith.constant 1.000000e+00 : f32
    %broadcast_in_dim3A_410 = vector.broadcast %broadcast_in_dim3A_409 : f32 to vector<16xf32>
    %parallel_loop3A = arith.constant 0 : i32
    %parallel_loop3A_411 = arith.constant 32 : i32
    %parallel_loop3A_412 = arith.constant 1 : i32
    scf.for %parallel_loop3A_413 = %parallel_loop3A to %parallel_loop3A_411 step %parallel_loop3A_412  : i32 {
      %parallel_loop3A_414 = vector.broadcast %parallel_loop3A_413 : i32 to vector<16xi32>
      %parallel_loop3A_415 = arith.constant 4 : i32
      %parallel_loop3A_416 = vector.broadcast %parallel_loop3A_415 : i32 to vector<16xi32>
      %parallel_loop3A_417 = arith.muli %iota3A, %parallel_loop3A_416 : vector<16xi32>
      %parallel_loop3A_418 = arith.constant 0 : i32
      %parallel_loop3A_419 = vector.broadcast %parallel_loop3A_418 : i32 to vector<16xi32>
      %parallel_loop3A_420 = arith.addi %parallel_loop3A_417, %parallel_loop3A_419 : vector<16xi32>
      %parallel_loop3A_421 = tpu.vector_load_idx %arg6[%parallel_loop3A_414, %parallel_loop3A_420] : memref<32x512xf32, #tpu.memory_space<vmem>>[vector<16xi32>, vector<16xi32>], vector<16xf32>,
      %parallel_loop3A_422 = arith.fptosi %parallel_loop3A_421 : vector<16xf32> to vector<16xi32>
      %parallel_loop3A_423 = tpu.vector_load_idx %arg7[%parallel_loop3A_414, %parallel_loop3A_420] : memref<32x512xf32, #tpu.memory_space<vmem>>[vector<16xi32>, vector<16xi32>], vector<16xf32>,
      %parallel_loop3A_424 = arith.index_cast %parallel_loop3A_413 : i32 to index
      %parallel_loop3A_425 = arith.constant 0 : index
      %parallel_loop3A_426 = tpu.vector_load %arg8[%parallel_loop3A_424, %parallel_loop3A_425] {strides = array<i32>} : memref<32x128xf32, #tpu.memory_space<vmem>>, vector<16xf32>,
      %parallel_loop3A_427 = arith.constant 0.000000e+00 : f32
      %parallel_loop3A_428 = vector.broadcast %parallel_loop3A_427 : f32 to vector<16xf32>
      %parallel_loop3A_429 = arith.cmpf ogt, %parallel_loop3A_423, %parallel_loop3A_428 : vector<16xf32>
      %parallel_loop3A_430 = arith.constant 5.000000e-01 : f32
      %parallel_loop3A_431 = vector.broadcast %parallel_loop3A_430 : f32 to vector<16xf32>
      %parallel_loop3A_432 = arith.cmpf olt, %parallel_loop3A_423, %parallel_loop3A_431 : vector<16xf32>
      %parallel_loop3A_433 = arith.andi %parallel_loop3A_429, %parallel_loop3A_432 : vector<16xi1>
      %parallel_loop3A_434 = arith.constant 1.000000e+00 : f32
      %parallel_loop3A_435 = arith.constant 0.000000e+00 : f32
      %parallel_loop3A_436 = vector.broadcast %parallel_loop3A_434 : f32 to vector<16xf32>
      %parallel_loop3A_437 = vector.broadcast %parallel_loop3A_435 : f32 to vector<16xf32>
      %parallel_loop3A_438 = arith.select %parallel_loop3A_433, %parallel_loop3A_436, %parallel_loop3A_437 : vector<16xi1>, vector<16xf32>
      %parallel_loop3A_439 = arith.constant 16 : i32
      %parallel_loop3A_440 = vector.broadcast %parallel_loop3A_439 : i32 to vector<16xi32>
      %parallel_loop3A_441 = arith.muli %parallel_loop3A_422, %parallel_loop3A_440 : vector<16xi32>
      %parallel_loop3A_442 = arith.addi %parallel_loop3A_441, %iota3A : vector<16xi32>
      tpu.vector_store_idx %arg9[%parallel_loop3A_442], %broadcast_in_dim3A_410 {add = true} : memref<3072xf32, #tpu.memory_space<vmem>>[vector<16xi32>], vector<16xf32>,
      %parallel_loop3A_443 = arith.constant 1024 : i32
      %parallel_loop3A_444 = vector.broadcast %parallel_loop3A_443 : i32 to vector<16xi32>
      %parallel_loop3A_445 = arith.addi %parallel_loop3A_442, %parallel_loop3A_444 : vector<16xi32>
      tpu.vector_store_idx %arg9[%parallel_loop3A_445], %parallel_loop3A_426 {add = true} : memref<3072xf32, #tpu.memory_space<vmem>>[vector<16xi32>], vector<16xf32>,
      %parallel_loop3A_446 = arith.constant 2048 : i32
      %parallel_loop3A_447 = vector.broadcast %parallel_loop3A_446 : i32 to vector<16xi32>
      %parallel_loop3A_448 = arith.addi %parallel_loop3A_442, %parallel_loop3A_447 : vector<16xi32>
      tpu.vector_store_idx %arg9[%parallel_loop3A_448], %parallel_loop3A_438 {add = true} : memref<3072xf32, #tpu.memory_space<vmem>>[vector<16xi32>], vector<16xf32>,
      %parallel_loop3A_449 = vector.broadcast %parallel_loop3A_413 : i32 to vector<16xi32>
      %parallel_loop3A_450 = arith.constant 4 : i32
      %parallel_loop3A_451 = vector.broadcast %parallel_loop3A_450 : i32 to vector<16xi32>
      %parallel_loop3A_452 = arith.muli %iota3A, %parallel_loop3A_451 : vector<16xi32>
      %parallel_loop3A_453 = arith.constant 64 : i32
      %parallel_loop3A_454 = vector.broadcast %parallel_loop3A_453 : i32 to vector<16xi32>
      %parallel_loop3A_455 = arith.addi %parallel_loop3A_452, %parallel_loop3A_454 : vector<16xi32>
      %parallel_loop3A_456 = tpu.vector_load_idx %arg6[%parallel_loop3A_449, %parallel_loop3A_455] : memref<32x512xf32, #tpu.memory_space<vmem>>[vector<16xi32>, vector<16xi32>], vector<16xf32>,
      %parallel_loop3A_457 = arith.fptosi %parallel_loop3A_456 : vector<16xf32> to vector<16xi32>
      %parallel_loop3A_458 = tpu.vector_load_idx %arg7[%parallel_loop3A_449, %parallel_loop3A_455] : memref<32x512xf32, #tpu.memory_space<vmem>>[vector<16xi32>, vector<16xi32>], vector<16xf32>,
      %parallel_loop3A_459 = arith.index_cast %parallel_loop3A_413 : i32 to index
      %parallel_loop3A_460 = arith.constant 16 : index
      %parallel_loop3A_461 = tpu.vector_load %arg8[%parallel_loop3A_459, %parallel_loop3A_460] {strides = array<i32>} : memref<32x128xf32, #tpu.memory_space<vmem>>, vector<16xf32>,
      %parallel_loop3A_462 = arith.constant 0.000000e+00 : f32
      %parallel_loop3A_463 = vector.broadcast %parallel_loop3A_462 : f32 to vector<16xf32>
      %parallel_loop3A_464 = arith.cmpf ogt, %parallel_loop3A_458, %parallel_loop3A_463 : vector<16xf32>
      %parallel_loop3A_465 = arith.constant 5.000000e-01 : f32
      %parallel_loop3A_466 = vector.broadcast %parallel_loop3A_465 : f32 to vector<16xf32>
      %parallel_loop3A_467 = arith.cmpf olt, %parallel_loop3A_458, %parallel_loop3A_466 : vector<16xf32>
      %parallel_loop3A_468 = arith.andi %parallel_loop3A_464, %parallel_loop3A_467 : vector<16xi1>
      %parallel_loop3A_469 = arith.constant 1.000000e+00 : f32
      %parallel_loop3A_470 = arith.constant 0.000000e+00 : f32
      %parallel_loop3A_471 = vector.broadcast %parallel_loop3A_469 : f32 to vector<16xf32>
      %parallel_loop3A_472 = vector.broadcast %parallel_loop3A_470 : f32 to vector<16xf32>
      %parallel_loop3A_473 = arith.select %parallel_loop3A_468, %parallel_loop3A_471, %parallel_loop3A_472 : vector<16xi1>, vector<16xf32>
      %parallel_loop3A_474 = arith.constant 16 : i32
      %parallel_loop3A_475 = vector.broadcast %parallel_loop3A_474 : i32 to vector<16xi32>
      %parallel_loop3A_476 = arith.muli %parallel_loop3A_457, %parallel_loop3A_475 : vector<16xi32>
      %parallel_loop3A_477 = arith.addi %parallel_loop3A_476, %iota3A : vector<16xi32>
      tpu.vector_store_idx %arg9[%parallel_loop3A_477], %broadcast_in_dim3A_410 {add = true} : memref<3072xf32, #tpu.memory_space<vmem>>[vector<16xi32>], vector<16xf32>,
      %parallel_loop3A_478 = arith.constant 1024 : i32
      %parallel_loop3A_479 = vector.broadcast %parallel_loop3A_478 : i32 to vector<16xi32>
      %parallel_loop3A_480 = arith.addi %parallel_loop3A_477, %parallel_loop3A_479 : vector<16xi32>
      tpu.vector_store_idx %arg9[%parallel_loop3A_480], %parallel_loop3A_461 {add = true} : memref<3072xf32, #tpu.memory_space<vmem>>[vector<16xi32>], vector<16xf32>,
      %parallel_loop3A_481 = arith.constant 2048 : i32
      %parallel_loop3A_482 = vector.broadcast %parallel_loop3A_481 : i32 to vector<16xi32>
      %parallel_loop3A_483 = arith.addi %parallel_loop3A_477, %parallel_loop3A_482 : vector<16xi32>
      tpu.vector_store_idx %arg9[%parallel_loop3A_483], %parallel_loop3A_473 {add = true} : memref<3072xf32, #tpu.memory_space<vmem>>[vector<16xi32>], vector<16xf32>,
      %parallel_loop3A_484 = vector.broadcast %parallel_loop3A_413 : i32 to vector<16xi32>
      %parallel_loop3A_485 = arith.constant 4 : i32
      %parallel_loop3A_486 = vector.broadcast %parallel_loop3A_485 : i32 to vector<16xi32>
      %parallel_loop3A_487 = arith.muli %iota3A, %parallel_loop3A_486 : vector<16xi32>
      %parallel_loop3A_488 = arith.constant 128 : i32
      %parallel_loop3A_489 = vector.broadcast %parallel_loop3A_488 : i32 to vector<16xi32>
      %parallel_loop3A_490 = arith.addi %parallel_loop3A_487, %parallel_loop3A_489 : vector<16xi32>
      %parallel_loop3A_491 = tpu.vector_load_idx %arg6[%parallel_loop3A_484, %parallel_loop3A_490] : memref<32x512xf32, #tpu.memory_space<vmem>>[vector<16xi32>, vector<16xi32>], vector<16xf32>,
      %parallel_loop3A_492 = arith.fptosi %parallel_loop3A_491 : vector<16xf32> to vector<16xi32>
      %parallel_loop3A_493 = tpu.vector_load_idx %arg7[%parallel_loop3A_484, %parallel_loop3A_490] : memref<32x512xf32, #tpu.memory_space<vmem>>[vector<16xi32>, vector<16xi32>], vector<16xf32>,
      %parallel_loop3A_494 = arith.index_cast %parallel_loop3A_413 : i32 to index
      %parallel_loop3A_495 = arith.constant 32 : index
      %parallel_loop3A_496 = tpu.vector_load %arg8[%parallel_loop3A_494, %parallel_loop3A_495] {strides = array<i32>} : memref<32x128xf32, #tpu.memory_space<vmem>>, vector<16xf32>,
      %parallel_loop3A_497 = arith.constant 0.000000e+00 : f32
      %parallel_loop3A_498 = vector.broadcast %parallel_loop3A_497 : f32 to vector<16xf32>
      %parallel_loop3A_499 = arith.cmpf ogt, %parallel_loop3A_493, %parallel_loop3A_498 : vector<16xf32>
      %parallel_loop3A_500 = arith.constant 5.000000e-01 : f32
      %parallel_loop3A_501 = vector.broadcast %parallel_loop3A_500 : f32 to vector<16xf32>
      %parallel_loop3A_502 = arith.cmpf olt, %parallel_loop3A_493, %parallel_loop3A_501 : vector<16xf32>
      %parallel_loop3A_503 = arith.andi %parallel_loop3A_499, %parallel_loop3A_502 : vector<16xi1>
      %parallel_loop3A_504 = arith.constant 1.000000e+00 : f32
      %parallel_loop3A_505 = arith.constant 0.000000e+00 : f32
      %parallel_loop3A_506 = vector.broadcast %parallel_loop3A_504 : f32 to vector<16xf32>
      %parallel_loop3A_507 = vector.broadcast %parallel_loop3A_505 : f32 to vector<16xf32>
      %parallel_loop3A_508 = arith.select %parallel_loop3A_503, %parallel_loop3A_506, %parallel_loop3A_507 : vector<16xi1>, vector<16xf32>
      %parallel_loop3A_509 = arith.constant 16 : i32
      %parallel_loop3A_510 = vector.broadcast %parallel_loop3A_509 : i32 to vector<16xi32>
      %parallel_loop3A_511 = arith.muli %parallel_loop3A_492, %parallel_loop3A_510 : vector<16xi32>
      %parallel_loop3A_512 = arith.addi %parallel_loop3A_511, %iota3A : vector<16xi32>
      tpu.vector_store_idx %arg9[%parallel_loop3A_512], %broadcast_in_dim3A_410 {add = true} : memref<3072xf32, #tpu.memory_space<vmem>>[vector<16xi32>], vector<16xf32>,
      %parallel_loop3A_513 = arith.constant 1024 : i32
      %parallel_loop3A_514 = vector.broadcast %parallel_loop3A_513 : i32 to vector<16xi32>
      %parallel_loop3A_515 = arith.addi %parallel_loop3A_512, %parallel_loop3A_514 : vector<16xi32>
      tpu.vector_store_idx %arg9[%parallel_loop3A_515], %parallel_loop3A_496 {add = true} : memref<3072xf32, #tpu.memory_space<vmem>>[vector<16xi32>], vector<16xf32>,
      %parallel_loop3A_516 = arith.constant 2048 : i32
      %parallel_loop3A_517 = vector.broadcast %parallel_loop3A_516 : i32 to vector<16xi32>
      %parallel_loop3A_518 = arith.addi %parallel_loop3A_512, %parallel_loop3A_517 : vector<16xi32>
      tpu.vector_store_idx %arg9[%parallel_loop3A_518], %parallel_loop3A_508 {add = true} : memref<3072xf32, #tpu.memory_space<vmem>>[vector<16xi32>], vector<16xf32>,
      %parallel_loop3A_519 = vector.broadcast %parallel_loop3A_413 : i32 to vector<16xi32>
      %parallel_loop3A_520 = arith.constant 4 : i32
      %parallel_loop3A_521 = vector.broadcast %parallel_loop3A_520 : i32 to vector<16xi32>
      %parallel_loop3A_522 = arith.muli %iota3A, %parallel_loop3A_521 : vector<16xi32>
      %parallel_loop3A_523 = arith.constant 192 : i32
      %parallel_loop3A_524 = vector.broadcast %parallel_loop3A_523 : i32 to vector<16xi32>
      %parallel_loop3A_525 = arith.addi %parallel_loop3A_522, %parallel_loop3A_524 : vector<16xi32>
      %parallel_loop3A_526 = tpu.vector_load_idx %arg6[%parallel_loop3A_519, %parallel_loop3A_525] : memref<32x512xf32, #tpu.memory_space<vmem>>[vector<16xi32>, vector<16xi32>], vector<16xf32>,
      %parallel_loop3A_527 = arith.fptosi %parallel_loop3A_526 : vector<16xf32> to vector<16xi32>
      %parallel_loop3A_528 = tpu.vector_load_idx %arg7[%parallel_loop3A_519, %parallel_loop3A_525] : memref<32x512xf32, #tpu.memory_space<vmem>>[vector<16xi32>, vector<16xi32>], vector<16xf32>,
      %parallel_loop3A_529 = arith.index_cast %parallel_loop3A_413 : i32 to index
      %parallel_loop3A_530 = arith.constant 48 : index
      %parallel_loop3A_531 = tpu.vector_load %arg8[%parallel_loop3A_529, %parallel_loop3A_530] {strides = array<i32>} : memref<32x128xf32, #tpu.memory_space<vmem>>, vector<16xf32>,
      %parallel_loop3A_532 = arith.constant 0.000000e+00 : f32
      %parallel_loop3A_533 = vector.broadcast %parallel_loop3A_532 : f32 to vector<16xf32>
      %parallel_loop3A_534 = arith.cmpf ogt, %parallel_loop3A_528, %parallel_loop3A_533 : vector<16xf32>
      %parallel_loop3A_535 = arith.constant 5.000000e-01 : f32
      %parallel_loop3A_536 = vector.broadcast %parallel_loop3A_535 : f32 to vector<16xf32>
      %parallel_loop3A_537 = arith.cmpf olt, %parallel_loop3A_528, %parallel_loop3A_536 : vector<16xf32>
      %parallel_loop3A_538 = arith.andi %parallel_loop3A_534, %parallel_loop3A_537 : vector<16xi1>
      %parallel_loop3A_539 = arith.constant 1.000000e+00 : f32
      %parallel_loop3A_540 = arith.constant 0.000000e+00 : f32
      %parallel_loop3A_541 = vector.broadcast %parallel_loop3A_539 : f32 to vector<16xf32>
      %parallel_loop3A_542 = vector.broadcast %parallel_loop3A_540 : f32 to vector<16xf32>
      %parallel_loop3A_543 = arith.select %parallel_loop3A_538, %parallel_loop3A_541, %parallel_loop3A_542 : vector<16xi1>, vector<16xf32>
      %parallel_loop3A_544 = arith.constant 16 : i32
      %parallel_loop3A_545 = vector.broadcast %parallel_loop3A_544 : i32 to vector<16xi32>
      %parallel_loop3A_546 = arith.muli %parallel_loop3A_527, %parallel_loop3A_545 : vector<16xi32>
      %parallel_loop3A_547 = arith.addi %parallel_loop3A_546, %iota3A : vector<16xi32>
      tpu.vector_store_idx %arg9[%parallel_loop3A_547], %broadcast_in_dim3A_410 {add = true} : memref<3072xf32, #tpu.memory_space<vmem>>[vector<16xi32>], vector<16xf32>,
      %parallel_loop3A_548 = arith.constant 1024 : i32
      %parallel_loop3A_549 = vector.broadcast %parallel_loop3A_548 : i32 to vector<16xi32>
      %parallel_loop3A_550 = arith.addi %parallel_loop3A_547, %parallel_loop3A_549 : vector<16xi32>
      tpu.vector_store_idx %arg9[%parallel_loop3A_550], %parallel_loop3A_531 {add = true} : memref<3072xf32, #tpu.memory_space<vmem>>[vector<16xi32>], vector<16xf32>,
      %parallel_loop3A_551 = arith.constant 2048 : i32
      %parallel_loop3A_552 = vector.broadcast %parallel_loop3A_551 : i32 to vector<16xi32>
      %parallel_loop3A_553 = arith.addi %parallel_loop3A_547, %parallel_loop3A_552 : vector<16xi32>
      tpu.vector_store_idx %arg9[%parallel_loop3A_553], %parallel_loop3A_543 {add = true} : memref<3072xf32, #tpu.memory_space<vmem>>[vector<16xi32>], vector<16xf32>,
      %parallel_loop3A_554 = vector.broadcast %parallel_loop3A_413 : i32 to vector<16xi32>
      %parallel_loop3A_555 = arith.constant 4 : i32
      %parallel_loop3A_556 = vector.broadcast %parallel_loop3A_555 : i32 to vector<16xi32>
      %parallel_loop3A_557 = arith.muli %iota3A, %parallel_loop3A_556 : vector<16xi32>
      %parallel_loop3A_558 = arith.constant 256 : i32
      %parallel_loop3A_559 = vector.broadcast %parallel_loop3A_558 : i32 to vector<16xi32>
      %parallel_loop3A_560 = arith.addi %parallel_loop3A_557, %parallel_loop3A_559 : vector<16xi32>
      %parallel_loop3A_561 = tpu.vector_load_idx %arg6[%parallel_loop3A_554, %parallel_loop3A_560] : memref<32x512xf32, #tpu.memory_space<vmem>>[vector<16xi32>, vector<16xi32>], vector<16xf32>,
      %parallel_loop3A_562 = arith.fptosi %parallel_loop3A_561 : vector<16xf32> to vector<16xi32>
      %parallel_loop3A_563 = tpu.vector_load_idx %arg7[%parallel_loop3A_554, %parallel_loop3A_560] : memref<32x512xf32, #tpu.memory_space<vmem>>[vector<16xi32>, vector<16xi32>], vector<16xf32>,
      %parallel_loop3A_564 = arith.index_cast %parallel_loop3A_413 : i32 to index
      %parallel_loop3A_565 = arith.constant 64 : index
      %parallel_loop3A_566 = tpu.vector_load %arg8[%parallel_loop3A_564, %parallel_loop3A_565] {strides = array<i32>} : memref<32x128xf32, #tpu.memory_space<vmem>>, vector<16xf32>,
      %parallel_loop3A_567 = arith.constant 0.000000e+00 : f32
      %parallel_loop3A_568 = vector.broadcast %parallel_loop3A_567 : f32 to vector<16xf32>
      %parallel_loop3A_569 = arith.cmpf ogt, %parallel_loop3A_563, %parallel_loop3A_568 : vector<16xf32>
      %parallel_loop3A_570 = arith.constant 5.000000e-01 : f32
      %parallel_loop3A_571 = vector.broadcast %parallel_loop3A_570 : f32 to vector<16xf32>
      %parallel_loop3A_572 = arith.cmpf olt, %parallel_loop3A_563, %parallel_loop3A_571 : vector<16xf32>
      %parallel_loop3A_573 = arith.andi %parallel_loop3A_569, %parallel_loop3A_572 : vector<16xi1>
      %parallel_loop3A_574 = arith.constant 1.000000e+00 : f32
      %parallel_loop3A_575 = arith.constant 0.000000e+00 : f32
      %parallel_loop3A_576 = vector.broadcast %parallel_loop3A_574 : f32 to vector<16xf32>
      %parallel_loop3A_577 = vector.broadcast %parallel_loop3A_575 : f32 to vector<16xf32>
      %parallel_loop3A_578 = arith.select %parallel_loop3A_573, %parallel_loop3A_576, %parallel_loop3A_577 : vector<16xi1>, vector<16xf32>
      %parallel_loop3A_579 = arith.constant 16 : i32
      %parallel_loop3A_580 = vector.broadcast %parallel_loop3A_579 : i32 to vector<16xi32>
      %parallel_loop3A_581 = arith.muli %parallel_loop3A_562, %parallel_loop3A_580 : vector<16xi32>
      %parallel_loop3A_582 = arith.addi %parallel_loop3A_581, %iota3A : vector<16xi32>
      tpu.vector_store_idx %arg9[%parallel_loop3A_582], %broadcast_in_dim3A_410 {add = true} : memref<3072xf32, #tpu.memory_space<vmem>>[vector<16xi32>], vector<16xf32>,
      %parallel_loop3A_583 = arith.constant 1024 : i32
      %parallel_loop3A_584 = vector.broadcast %parallel_loop3A_583 : i32 to vector<16xi32>
      %parallel_loop3A_585 = arith.addi %parallel_loop3A_582, %parallel_loop3A_584 : vector<16xi32>
      tpu.vector_store_idx %arg9[%parallel_loop3A_585], %parallel_loop3A_566 {add = true} : memref<3072xf32, #tpu.memory_space<vmem>>[vector<16xi32>], vector<16xf32>,
      %parallel_loop3A_586 = arith.constant 2048 : i32
      %parallel_loop3A_587 = vector.broadcast %parallel_loop3A_586 : i32 to vector<16xi32>
      %parallel_loop3A_588 = arith.addi %parallel_loop3A_582, %parallel_loop3A_587 : vector<16xi32>
      tpu.vector_store_idx %arg9[%parallel_loop3A_588], %parallel_loop3A_578 {add = true} : memref<3072xf32, #tpu.memory_space<vmem>>[vector<16xi32>], vector<16xf32>,
      %parallel_loop3A_589 = vector.broadcast %parallel_loop3A_413 : i32 to vector<16xi32>
      %parallel_loop3A_590 = arith.constant 4 : i32
      %parallel_loop3A_591 = vector.broadcast %parallel_loop3A_590 : i32 to vector<16xi32>
      %parallel_loop3A_592 = arith.muli %iota3A, %parallel_loop3A_591 : vector<16xi32>
      %parallel_loop3A_593 = arith.constant 320 : i32
      %parallel_loop3A_594 = vector.broadcast %parallel_loop3A_593 : i32 to vector<16xi32>
      %parallel_loop3A_595 = arith.addi %parallel_loop3A_592, %parallel_loop3A_594 : vector<16xi32>
      %parallel_loop3A_596 = tpu.vector_load_idx %arg6[%parallel_loop3A_589, %parallel_loop3A_595] : memref<32x512xf32, #tpu.memory_space<vmem>>[vector<16xi32>, vector<16xi32>], vector<16xf32>,
      %parallel_loop3A_597 = arith.fptosi %parallel_loop3A_596 : vector<16xf32> to vector<16xi32>
      %parallel_loop3A_598 = tpu.vector_load_idx %arg7[%parallel_loop3A_589, %parallel_loop3A_595] : memref<32x512xf32, #tpu.memory_space<vmem>>[vector<16xi32>, vector<16xi32>], vector<16xf32>,
      %parallel_loop3A_599 = arith.index_cast %parallel_loop3A_413 : i32 to index
      %parallel_loop3A_600 = arith.constant 80 : index
      %parallel_loop3A_601 = tpu.vector_load %arg8[%parallel_loop3A_599, %parallel_loop3A_600] {strides = array<i32>} : memref<32x128xf32, #tpu.memory_space<vmem>>, vector<16xf32>,
      %parallel_loop3A_602 = arith.constant 0.000000e+00 : f32
      %parallel_loop3A_603 = vector.broadcast %parallel_loop3A_602 : f32 to vector<16xf32>
      %parallel_loop3A_604 = arith.cmpf ogt, %parallel_loop3A_598, %parallel_loop3A_603 : vector<16xf32>
      %parallel_loop3A_605 = arith.constant 5.000000e-01 : f32
      %parallel_loop3A_606 = vector.broadcast %parallel_loop3A_605 : f32 to vector<16xf32>
      %parallel_loop3A_607 = arith.cmpf olt, %parallel_loop3A_598, %parallel_loop3A_606 : vector<16xf32>
      %parallel_loop3A_608 = arith.andi %parallel_loop3A_604, %parallel_loop3A_607 : vector<16xi1>
      %parallel_loop3A_609 = arith.constant 1.000000e+00 : f32
      %parallel_loop3A_610 = arith.constant 0.000000e+00 : f32
      %parallel_loop3A_611 = vector.broadcast %parallel_loop3A_609 : f32 to vector<16xf32>
      %parallel_loop3A_612 = vector.broadcast %parallel_loop3A_610 : f32 to vector<16xf32>
      %parallel_loop3A_613 = arith.select %parallel_loop3A_608, %parallel_loop3A_611, %parallel_loop3A_612 : vector<16xi1>, vector<16xf32>
      %parallel_loop3A_614 = arith.constant 16 : i32
      %parallel_loop3A_615 = vector.broadcast %parallel_loop3A_614 : i32 to vector<16xi32>
      %parallel_loop3A_616 = arith.muli %parallel_loop3A_597, %parallel_loop3A_615 : vector<16xi32>
      %parallel_loop3A_617 = arith.addi %parallel_loop3A_616, %iota3A : vector<16xi32>
      tpu.vector_store_idx %arg9[%parallel_loop3A_617], %broadcast_in_dim3A_410 {add = true} : memref<3072xf32, #tpu.memory_space<vmem>>[vector<16xi32>], vector<16xf32>,
      %parallel_loop3A_618 = arith.constant 1024 : i32
      %parallel_loop3A_619 = vector.broadcast %parallel_loop3A_618 : i32 to vector<16xi32>
      %parallel_loop3A_620 = arith.addi %parallel_loop3A_617, %parallel_loop3A_619 : vector<16xi32>
      tpu.vector_store_idx %arg9[%parallel_loop3A_620], %parallel_loop3A_601 {add = true} : memref<3072xf32, #tpu.memory_space<vmem>>[vector<16xi32>], vector<16xf32>,
      %parallel_loop3A_621 = arith.constant 2048 : i32
      %parallel_loop3A_622 = vector.broadcast %parallel_loop3A_621 : i32 to vector<16xi32>
      %parallel_loop3A_623 = arith.addi %parallel_loop3A_617, %parallel_loop3A_622 : vector<16xi32>
      tpu.vector_store_idx %arg9[%parallel_loop3A_623], %parallel_loop3A_613 {add = true} : memref<3072xf32, #tpu.memory_space<vmem>>[vector<16xi32>], vector<16xf32>,
      %parallel_loop3A_624 = vector.broadcast %parallel_loop3A_413 : i32 to vector<16xi32>
      %parallel_loop3A_625 = arith.constant 4 : i32
      %parallel_loop3A_626 = vector.broadcast %parallel_loop3A_625 : i32 to vector<16xi32>
      %parallel_loop3A_627 = arith.muli %iota3A, %parallel_loop3A_626 : vector<16xi32>
      %parallel_loop3A_628 = arith.constant 384 : i32
      %parallel_loop3A_629 = vector.broadcast %parallel_loop3A_628 : i32 to vector<16xi32>
      %parallel_loop3A_630 = arith.addi %parallel_loop3A_627, %parallel_loop3A_629 : vector<16xi32>
      %parallel_loop3A_631 = tpu.vector_load_idx %arg6[%parallel_loop3A_624, %parallel_loop3A_630] : memref<32x512xf32, #tpu.memory_space<vmem>>[vector<16xi32>, vector<16xi32>], vector<16xf32>,
      %parallel_loop3A_632 = arith.fptosi %parallel_loop3A_631 : vector<16xf32> to vector<16xi32>
      %parallel_loop3A_633 = tpu.vector_load_idx %arg7[%parallel_loop3A_624, %parallel_loop3A_630] : memref<32x512xf32, #tpu.memory_space<vmem>>[vector<16xi32>, vector<16xi32>], vector<16xf32>,
      %parallel_loop3A_634 = arith.index_cast %parallel_loop3A_413 : i32 to index
      %parallel_loop3A_635 = arith.constant 96 : index
      %parallel_loop3A_636 = tpu.vector_load %arg8[%parallel_loop3A_634, %parallel_loop3A_635] {strides = array<i32>} : memref<32x128xf32, #tpu.memory_space<vmem>>, vector<16xf32>,
      %parallel_loop3A_637 = arith.constant 0.000000e+00 : f32
      %parallel_loop3A_638 = vector.broadcast %parallel_loop3A_637 : f32 to vector<16xf32>
      %parallel_loop3A_639 = arith.cmpf ogt, %parallel_loop3A_633, %parallel_loop3A_638 : vector<16xf32>
      %parallel_loop3A_640 = arith.constant 5.000000e-01 : f32
      %parallel_loop3A_641 = vector.broadcast %parallel_loop3A_640 : f32 to vector<16xf32>
      %parallel_loop3A_642 = arith.cmpf olt, %parallel_loop3A_633, %parallel_loop3A_641 : vector<16xf32>
      %parallel_loop3A_643 = arith.andi %parallel_loop3A_639, %parallel_loop3A_642 : vector<16xi1>
      %parallel_loop3A_644 = arith.constant 1.000000e+00 : f32
      %parallel_loop3A_645 = arith.constant 0.000000e+00 : f32
      %parallel_loop3A_646 = vector.broadcast %parallel_loop3A_644 : f32 to vector<16xf32>
      %parallel_loop3A_647 = vector.broadcast %parallel_loop3A_645 : f32 to vector<16xf32>
      %parallel_loop3A_648 = arith.select %parallel_loop3A_643, %parallel_loop3A_646, %parallel_loop3A_647 : vector<16xi1>, vector<16xf32>
      %parallel_loop3A_649 = arith.constant 16 : i32
      %parallel_loop3A_650 = vector.broadcast %parallel_loop3A_649 : i32 to vector<16xi32>
      %parallel_loop3A_651 = arith.muli %parallel_loop3A_632, %parallel_loop3A_650 : vector<16xi32>
      %parallel_loop3A_652 = arith.addi %parallel_loop3A_651, %iota3A : vector<16xi32>
      tpu.vector_store_idx %arg9[%parallel_loop3A_652], %broadcast_in_dim3A_410 {add = true} : memref<3072xf32, #tpu.memory_space<vmem>>[vector<16xi32>], vector<16xf32>,
      %parallel_loop3A_653 = arith.constant 1024 : i32
      %parallel_loop3A_654 = vector.broadcast %parallel_loop3A_653 : i32 to vector<16xi32>
      %parallel_loop3A_655 = arith.addi %parallel_loop3A_652, %parallel_loop3A_654 : vector<16xi32>
      tpu.vector_store_idx %arg9[%parallel_loop3A_655], %parallel_loop3A_636 {add = true} : memref<3072xf32, #tpu.memory_space<vmem>>[vector<16xi32>], vector<16xf32>,
      %parallel_loop3A_656 = arith.constant 2048 : i32
      %parallel_loop3A_657 = vector.broadcast %parallel_loop3A_656 : i32 to vector<16xi32>
      %parallel_loop3A_658 = arith.addi %parallel_loop3A_652, %parallel_loop3A_657 : vector<16xi32>
      tpu.vector_store_idx %arg9[%parallel_loop3A_658], %parallel_loop3A_648 {add = true} : memref<3072xf32, #tpu.memory_space<vmem>>[vector<16xi32>], vector<16xf32>,
      %parallel_loop3A_659 = vector.broadcast %parallel_loop3A_413 : i32 to vector<16xi32>
      %parallel_loop3A_660 = arith.constant 4 : i32
      %parallel_loop3A_661 = vector.broadcast %parallel_loop3A_660 : i32 to vector<16xi32>
      %parallel_loop3A_662 = arith.muli %iota3A, %parallel_loop3A_661 : vector<16xi32>
      %parallel_loop3A_663 = arith.constant 448 : i32
      %parallel_loop3A_664 = vector.broadcast %parallel_loop3A_663 : i32 to vector<16xi32>
      %parallel_loop3A_665 = arith.addi %parallel_loop3A_662, %parallel_loop3A_664 : vector<16xi32>
      %parallel_loop3A_666 = tpu.vector_load_idx %arg6[%parallel_loop3A_659, %parallel_loop3A_665] : memref<32x512xf32, #tpu.memory_space<vmem>>[vector<16xi32>, vector<16xi32>], vector<16xf32>,
      %parallel_loop3A_667 = arith.fptosi %parallel_loop3A_666 : vector<16xf32> to vector<16xi32>
      %parallel_loop3A_668 = tpu.vector_load_idx %arg7[%parallel_loop3A_659, %parallel_loop3A_665] : memref<32x512xf32, #tpu.memory_space<vmem>>[vector<16xi32>, vector<16xi32>], vector<16xf32>,
      %parallel_loop3A_669 = arith.index_cast %parallel_loop3A_413 : i32 to index
      %parallel_loop3A_670 = arith.constant 112 : index
      %parallel_loop3A_671 = tpu.vector_load %arg8[%parallel_loop3A_669, %parallel_loop3A_670] {strides = array<i32>} : memref<32x128xf32, #tpu.memory_space<vmem>>, vector<16xf32>,
      %parallel_loop3A_672 = arith.constant 0.000000e+00 : f32
      %parallel_loop3A_673 = vector.broadcast %parallel_loop3A_672 : f32 to vector<16xf32>
      %parallel_loop3A_674 = arith.cmpf ogt, %parallel_loop3A_668, %parallel_loop3A_673 : vector<16xf32>
      %parallel_loop3A_675 = arith.constant 5.000000e-01 : f32
      %parallel_loop3A_676 = vector.broadcast %parallel_loop3A_675 : f32 to vector<16xf32>
      %parallel_loop3A_677 = arith.cmpf olt, %parallel_loop3A_668, %parallel_loop3A_676 : vector<16xf32>
      %parallel_loop3A_678 = arith.andi %parallel_loop3A_674, %parallel_loop3A_677 : vector<16xi1>
      %parallel_loop3A_679 = arith.constant 1.000000e+00 : f32
      %parallel_loop3A_680 = arith.constant 0.000000e+00 : f32
      %parallel_loop3A_681 = vector.broadcast %parallel_loop3A_679 : f32 to vector<16xf32>
      %parallel_loop3A_682 = vector.broadcast %parallel_loop3A_680 : f32 to vector<16xf32>
      %parallel_loop3A_683 = arith.select %parallel_loop3A_678, %parallel_loop3A_681, %parallel_loop3A_682 : vector<16xi1>, vector<16xf32>
      %parallel_loop3A_684 = arith.constant 16 : i32
      %parallel_loop3A_685 = vector.broadcast %parallel_loop3A_684 : i32 to vector<16xi32>
      %parallel_loop3A_686 = arith.muli %parallel_loop3A_667, %parallel_loop3A_685 : vector<16xi32>
      %parallel_loop3A_687 = arith.addi %parallel_loop3A_686, %iota3A : vector<16xi32>
      tpu.vector_store_idx %arg9[%parallel_loop3A_687], %broadcast_in_dim3A_410 {add = true} : memref<3072xf32, #tpu.memory_space<vmem>>[vector<16xi32>], vector<16xf32>,
      %parallel_loop3A_688 = arith.constant 1024 : i32
      %parallel_loop3A_689 = vector.broadcast %parallel_loop3A_688 : i32 to vector<16xi32>
      %parallel_loop3A_690 = arith.addi %parallel_loop3A_687, %parallel_loop3A_689 : vector<16xi32>
      tpu.vector_store_idx %arg9[%parallel_loop3A_690], %parallel_loop3A_671 {add = true} : memref<3072xf32, #tpu.memory_space<vmem>>[vector<16xi32>], vector<16xf32>,
      %parallel_loop3A_691 = arith.constant 2048 : i32
      %parallel_loop3A_692 = vector.broadcast %parallel_loop3A_691 : i32 to vector<16xi32>
      %parallel_loop3A_693 = arith.addi %parallel_loop3A_687, %parallel_loop3A_692 : vector<16xi32>
      tpu.vector_store_idx %arg9[%parallel_loop3A_693], %parallel_loop3A_683 {add = true} : memref<3072xf32, #tpu.memory_space<vmem>>[vector<16xi32>], vector<16xf32>,
    } {sc.loop_unroll_factor = 2 : i64, sc.parallel_access}
    "tpu.region"() ({
      %run_scoped3A = tpu.sem_alloc : memref<!tpu.dma_semaphore, #tpu.memory_space<semaphore_mem>>
      %dma_start3A_413 = arith.constant 0 : i32
      %dma_start3A_414 = tpu.memref_slice %arg5[%add3A, %dma_start3A_413] : memref<32x3072xf32, #tpu.memory_space<hbm>> -> memref<1x3072xf32, #tpu.memory_space<hbm>>
      %dma_start3A_415 = tpu.memref_squeeze %dma_start3A_414 : memref<1x3072xf32, #tpu.memory_space<hbm>> -> memref<3072xf32, #tpu.memory_space<hbm>>
      %dma_start3A_416 = arith.constant 0 : i32
      %dma_start3A_417 = tpu.memref_slice %arg5[%add3A, %dma_start3A_416] : memref<32x3072xf32, #tpu.memory_space<hbm>> -> memref<1x3072xf32, #tpu.memory_space<hbm>>
      %dma_start3A_418 = tpu.memref_squeeze %dma_start3A_417 : memref<1x3072xf32, #tpu.memory_space<hbm>> -> memref<3072xf32, #tpu.memory_space<hbm>>
      tpu.enqueue_dma source(%arg9 : memref<3072xf32, #tpu.memory_space<vmem>>) target(%dma_start3A_418 : memref<3072xf32, #tpu.memory_space<hbm>>) target_semaphore(%run_scoped3A : memref<!tpu.dma_semaphore, #tpu.memory_space<semaphore_mem>>)
      %dma_wait3A_419 = arith.constant 0 : i32
      %dma_wait3A_420 = tpu.memref_slice %arg5[%add3A, %dma_wait3A_419] : memref<32x3072xf32, #tpu.memory_space<hbm>> -> memref<1x3072xf32, #tpu.memory_space<hbm>>
      %dma_wait3A_421 = tpu.memref_squeeze %dma_wait3A_420 : memref<1x3072xf32, #tpu.memory_space<hbm>> -> memref<3072xf32, #tpu.memory_space<hbm>>
      %dma_wait3A_422 = arith.constant 0 : i32
      %dma_wait3A_423 = tpu.memref_slice %arg5[%add3A, %dma_wait3A_422] : memref<32x3072xf32, #tpu.memory_space<hbm>> -> memref<1x3072xf32, #tpu.memory_space<hbm>>
      %dma_wait3A_424 = tpu.memref_squeeze %dma_wait3A_423 : memref<1x3072xf32, #tpu.memory_space<hbm>> -> memref<3072xf32, #tpu.memory_space<hbm>>
      tpu.wait_dma2 semaphore(%run_scoped3A : memref<!tpu.dma_semaphore, #tpu.memory_space<semaphore_mem>>) src(%arg9 : memref<3072xf32, #tpu.memory_space<vmem>>) dst(%dma_wait3A_424 : memref<3072xf32, #tpu.memory_space<hbm>>)
      tpu.yield
    }) : () -> ()
    return
  }
}

module attributes {stable_mosaic.version = 14 : i64} {
  func.func @_d_body(%arg0: i32, %arg1: i32, %arg2: memref<1x4x64x512xf32, #tpu.memory_space<vmem>>, %arg3: memref<1x4x64x512xf32, #tpu.memory_space<vmem>>, %arg4: memref<1x1x64x512xf32, #tpu.memory_space<vmem>>, %arg5: memref<1x128x16x128xf32, #tpu.memory_space<vmem>>, %arg6: memref<1x128x16x128xf32, #tpu.memory_space<vmem>>, %arg7: memref<1x1x64x512xf32, #tpu.memory_space<vmem>>, %arg8: memref<1x16x128xf32, #tpu.memory_space<vmem>>, %arg9: memref<1x16x512xf32, #tpu.memory_space<vmem>>, %arg10: memref<1x16x512xf32, #tpu.memory_space<vmem>>, %arg11: memref<2xf32, #tpu.memory_space<smem>>, %arg12: memref<2xf32, #tpu.memory_space<smem>>) attributes {dimension_semantics = [#tpu.dimension_semantics<arbitrary>, #tpu.dimension_semantics<arbitrary>], iteration_bounds = array<i64: 8, 8>, scalar_prefetch = 0 : i64, scratch_operands = 1 : i64, tpu.core_type = #tpu.core_type<tc>, window_params = [{transform_indices = @transform_0, window_bounds = array<i64: 1, 4, 64, 512>}, {transform_indices = @transform_1, window_bounds = array<i64: 1, 4, 64, 512>}, {transform_indices = @transform_2, window_bounds = array<i64: 1, 1, 64, 512>}, {transform_indices = @transform_3, window_bounds = array<i64: 1, 128, 16, 128>}, {transform_indices = @transform_4, window_bounds = array<i64: 1, 128, 16, 128>}, {transform_indices = @transform_5, window_bounds = array<i64: 1, 1, 64, 512>}, {transform_indices = @transform_6, window_bounds = array<i64: 1, 16, 128>}, {transform_indices = @transform_7, window_bounds = array<i64: 1, 16, 512>}, {transform_indices = @transform_8, window_bounds = array<i64: 1, 16, 512>}, {transform_indices = @transform_9, window_bounds = array<i64: 2>}]} {
    %eq3A = arith.constant 0 : i32
    %eq3A_0 = arith.cmpi eq, %arg0, %eq3A : i32
    %eq3A_1 = arith.constant 0 : i32
    %eq3A_2 = arith.cmpi eq, %arg1, %eq3A_1 : i32
    %and3A = arith.andi %eq3A_0, %eq3A_2 : i1
    %convert_element_type3A = arith.extui %and3A : i1 to i32
    %cond3A = arith.constant 0 : i32
    %cond3A_3 = arith.cmpi ne, %convert_element_type3A, %cond3A : i32
    scf.if %cond3A_3 {
      %swap3A_104 = arith.constant 0.000000e+00 : f32
      %swap3A_105 = arith.constant 0 : index
      %swap3A_106 = memref.load %arg12[%swap3A_105] : memref<2xf32, #tpu.memory_space<smem>>
      memref.store %swap3A_104, %arg12[%swap3A_105] : memref<2xf32, #tpu.memory_space<smem>>
      %swap3A_107 = arith.constant 0.000000e+00 : f32
      %swap3A_108 = arith.constant 1 : index
      %swap3A_109 = memref.load %arg12[%swap3A_108] : memref<2xf32, #tpu.memory_space<smem>>
      memref.store %swap3A_107, %arg12[%swap3A_108] : memref<2xf32, #tpu.memory_space<smem>>
    } else {
    }
    %get3A = arith.constant 0 : index
    %get3A_4 = arith.constant 0 : index
    %get3A_5 = arith.constant 0 : index
    %get3A_6 = arith.constant 0 : index
    %get3A_7 = vector.load %arg4[%get3A, %get3A_4, %get3A_5, %get3A_6] : memref<1x1x64x512xf32, #tpu.memory_space<vmem>>, vector<1x1x64x512xf32>
    %get3A_8 = vector.shape_cast %get3A_7 : vector<1x1x64x512xf32> to vector<64x512xf32>
    %get3A_9 = arith.constant 0 : index
    %get3A_10 = arith.constant 0 : index
    %get3A_11 = arith.constant 0 : index
    %get3A_12 = arith.constant 0 : index
    %get3A_13 = vector.load %arg2[%get3A_9, %get3A_10, %get3A_11, %get3A_12] : memref<1x4x64x512xf32, #tpu.memory_space<vmem>>, vector<1x4x64x512xf32>
    %get3A_14 = vector.shape_cast %get3A_13 : vector<1x4x64x512xf32> to vector<4x64x512xf32>
    %get3A_15 = arith.constant 0 : index
    %get3A_16 = arith.constant 0 : index
    %get3A_17 = arith.constant 0 : index
    %get3A_18 = arith.constant 0 : index
    %get3A_19 = vector.load %arg3[%get3A_15, %get3A_16, %get3A_17, %get3A_18] : memref<1x4x64x512xf32, #tpu.memory_space<vmem>>, vector<1x4x64x512xf32>
    %get3A_20 = vector.shape_cast %get3A_19 : vector<1x4x64x512xf32> to vector<4x64x512xf32>
    %broadcast_in_dim3A = vector.shape_cast %get3A_8 : vector<64x512xf32> to vector<1x64x512xf32>
    %ge3A = arith.constant 5.000000e-01 : f32
    %ge3A_21 = vector.broadcast %ge3A : f32 to vector<1x64x512xf32>
    %ge3A_22 = arith.cmpf oge, %broadcast_in_dim3A, %ge3A_21 : vector<1x64x512xf32>
    %jit3A = arith.constant 0.000000e+00 : f32
    %broadcast_in_dim3A_23 = vector.shape_cast %ge3A_22 : vector<1x64x512xi1> to vector<1x64x512xi1>
    %broadcast_in_dim3A_24 = vector.broadcast %broadcast_in_dim3A_23 : vector<1x64x512xi1> to vector<4x64x512xi1>
    %broadcast_in_dim3A_25 = vector.broadcast %jit3A : f32 to vector<4x64x512xf32>
    %select_n3A = arith.select %broadcast_in_dim3A_24, %broadcast_in_dim3A_25, %get3A_20 : vector<4x64x512xi1>, vector<4x64x512xf32>
    %sub3A = arith.subf %get3A_14, %select_n3A : vector<4x64x512xf32>
    %mul3A = arith.mulf %sub3A, %sub3A : vector<4x64x512xf32>
    %reduce_sum3A = arith.constant dense<0.000000e+00> : vector<64x512xf32>
    %reduce_sum3A_26 = vector.multi_reduction <add>, %mul3A, %reduce_sum3A [0] : vector<4x64x512xf32> to vector<64x512xf32>
    %gt3A = arith.constant 0.000000e+00 : f32
    %gt3A_27 = vector.broadcast %gt3A : f32 to vector<64x512xf32>
    %gt3A_28 = arith.cmpf ogt, %get3A_8, %gt3A_27 : vector<64x512xf32>
    %convert_element_type3A_29 = arith.extui %gt3A_28 : vector<64x512xi1> to vector<64x512xi32>
    %convert_element_type3A_30 = arith.sitofp %convert_element_type3A_29 : vector<64x512xi32> to vector<64x512xf32>
    %get3A_31 = arith.constant 0 : index
    %get3A_32 = memref.load %arg12[%get3A_31] : memref<2xf32, #tpu.memory_space<smem>>
    %mul3A_33 = arith.mulf %reduce_sum3A_26, %convert_element_type3A_30 : vector<64x512xf32>
    %reduce_sum3A_34 = vector.shape_cast %mul3A_33 : vector<64x512xf32> to vector<1x64x512xf32>
    %reduce_sum3A_35 = arith.constant dense<0.000000e+00> : vector<1xf32>
    %reduce_sum3A_36 = vector.multi_reduction <add>, %reduce_sum3A_34, %reduce_sum3A_35 [1, 2] : vector<1x64x512xf32> to vector<1xf32>
    %reduce_sum3A_37 = vector.shape_cast %reduce_sum3A_36 : vector<1xf32> to vector<1x1x1xf32>
    %reduce_sum3A_38 = vector.extract %reduce_sum3A_37[0, 0, 0] : f32 from vector<1x1x1xf32>
    %add3A = arith.addf %get3A_32, %reduce_sum3A_38 : f32
    %swap3A = arith.constant 0 : index
    %swap3A_39 = memref.load %arg12[%swap3A] : memref<2xf32, #tpu.memory_space<smem>>
    memref.store %add3A, %arg12[%swap3A] : memref<2xf32, #tpu.memory_space<smem>>
    %get3A_40 = arith.constant 1 : index
    %get3A_41 = memref.load %arg12[%get3A_40] : memref<2xf32, #tpu.memory_space<smem>>
    %reduce_sum3A_42 = vector.shape_cast %convert_element_type3A_30 : vector<64x512xf32> to vector<1x64x512xf32>
    %reduce_sum3A_43 = arith.constant dense<0.000000e+00> : vector<1xf32>
    %reduce_sum3A_44 = vector.multi_reduction <add>, %reduce_sum3A_42, %reduce_sum3A_43 [1, 2] : vector<1x64x512xf32> to vector<1xf32>
    %reduce_sum3A_45 = vector.shape_cast %reduce_sum3A_44 : vector<1xf32> to vector<1x1x1xf32>
    %reduce_sum3A_46 = vector.extract %reduce_sum3A_45[0, 0, 0] : f32 from vector<1x1x1xf32>
    %add3A_47 = arith.addf %get3A_41, %reduce_sum3A_46 : f32
    %swap3A_48 = arith.constant 1 : index
    %swap3A_49 = memref.load %arg12[%swap3A_48] : memref<2xf32, #tpu.memory_space<smem>>
    memref.store %add3A_47, %arg12[%swap3A_48] : memref<2xf32, #tpu.memory_space<smem>>
    %get3A_50 = arith.constant 0 : index
    %get3A_51 = arith.constant 0 : index
    %get3A_52 = arith.constant 0 : index
    %get3A_53 = arith.constant 0 : index
    %get3A_54 = vector.load %arg5[%get3A_50, %get3A_51, %get3A_52, %get3A_53] : memref<1x128x16x128xf32, #tpu.memory_space<vmem>>, vector<1x128x16x128xf32>
    %get3A_55 = vector.shape_cast %get3A_54 : vector<1x128x16x128xf32> to vector<128x16x128xf32>
    %get3A_56 = arith.constant 0 : index
    %get3A_57 = arith.constant 0 : index
    %get3A_58 = arith.constant 0 : index
    %get3A_59 = arith.constant 0 : index
    %get3A_60 = vector.load %arg6[%get3A_56, %get3A_57, %get3A_58, %get3A_59] : memref<1x128x16x128xf32, #tpu.memory_space<vmem>>, vector<1x128x16x128xf32>
    %get3A_61 = vector.shape_cast %get3A_60 : vector<1x128x16x128xf32> to vector<128x16x128xf32>
    %sub3A_62 = arith.subf %get3A_55, %get3A_61 : vector<128x16x128xf32>
    %mul3A_63 = arith.mulf %sub3A_62, %sub3A_62 : vector<128x16x128xf32>
    %reduce_sum3A_64 = arith.constant dense<0.000000e+00> : vector<16x128xf32>
    %reduce_sum3A_65 = vector.multi_reduction <add>, %mul3A_63, %reduce_sum3A_64 [0] : vector<128x16x128xf32> to vector<16x128xf32>
    %mul3A_66 = arith.constant 7.812500e-03 : f32
    %mul3A_67 = vector.broadcast %mul3A_66 : f32 to vector<16x128xf32>
    %mul3A_68 = arith.mulf %reduce_sum3A_65, %mul3A_67 : vector<16x128xf32>
    %swap3A_69 = arith.constant 0 : index
    %swap3A_70 = arith.constant 0 : index
    %swap3A_71 = arith.constant 0 : index
    %swap3A_72 = vector.load %arg8[%swap3A_69, %swap3A_70, %swap3A_71] : memref<1x16x128xf32, #tpu.memory_space<vmem>>, vector<1x16x128xf32>
    %swap3A_73 = vector.shape_cast %swap3A_72 : vector<1x16x128xf32> to vector<16x128xf32>
    %swap3A_74 = vector.shape_cast %mul3A_68 : vector<16x128xf32> to vector<1x16x128xf32>
    tpu.vector_store %arg8[%swap3A_69, %swap3A_70, %swap3A_71], %swap3A_74 {strides = array<i32>} : memref<1x16x128xf32, #tpu.memory_space<vmem>>, vector<1x16x128xf32>,
    %get3A_75 = arith.constant 0 : index
    %get3A_76 = arith.constant 0 : index
    %get3A_77 = arith.constant 0 : index
    %get3A_78 = arith.constant 0 : index
    %get3A_79 = vector.load %arg7[%get3A_75, %get3A_76, %get3A_77, %get3A_78] : memref<1x1x64x512xf32, #tpu.memory_space<vmem>>, vector<1x1x64x512xf32>
    %get3A_80 = vector.shape_cast %get3A_79 : vector<1x1x64x512xf32> to vector<64x512xf32>
    %reshape3A = vector.shape_cast %get3A_80 : vector<64x512xf32> to vector<16x4x512xf32>
    %slice3A = vector.extract_strided_slice %reshape3A {offsets = [0, 0, 0], sizes = [16, 1, 512], strides = [1, 1, 1]} : vector<16x4x512xf32> to vector<16x1x512xf32>
    %squeeze3A = vector.shape_cast %slice3A : vector<16x1x512xf32> to vector<16x512xf32>
    %swap3A_81 = arith.constant 0 : index
    %swap3A_82 = arith.constant 0 : index
    %swap3A_83 = arith.constant 0 : index
    %swap3A_84 = vector.load %arg9[%swap3A_81, %swap3A_82, %swap3A_83] : memref<1x16x512xf32, #tpu.memory_space<vmem>>, vector<1x16x512xf32>
    %swap3A_85 = vector.shape_cast %swap3A_84 : vector<1x16x512xf32> to vector<16x512xf32>
    %swap3A_86 = vector.shape_cast %squeeze3A : vector<16x512xf32> to vector<1x16x512xf32>
    tpu.vector_store %arg9[%swap3A_81, %swap3A_82, %swap3A_83], %swap3A_86 {strides = array<i32>} : memref<1x16x512xf32, #tpu.memory_space<vmem>>, vector<1x16x512xf32>,
    %reshape3A_87 = vector.shape_cast %get3A_8 : vector<64x512xf32> to vector<16x4x512xf32>
    %slice3A_88 = vector.extract_strided_slice %reshape3A_87 {offsets = [0, 0, 0], sizes = [16, 1, 512], strides = [1, 1, 1]} : vector<16x4x512xf32> to vector<16x1x512xf32>
    %squeeze3A_89 = vector.shape_cast %slice3A_88 : vector<16x1x512xf32> to vector<16x512xf32>
    %swap3A_90 = arith.constant 0 : index
    %swap3A_91 = arith.constant 0 : index
    %swap3A_92 = arith.constant 0 : index
    %swap3A_93 = vector.load %arg10[%swap3A_90, %swap3A_91, %swap3A_92] : memref<1x16x512xf32, #tpu.memory_space<vmem>>, vector<1x16x512xf32>
    %swap3A_94 = vector.shape_cast %swap3A_93 : vector<1x16x512xf32> to vector<16x512xf32>
    %swap3A_95 = vector.shape_cast %squeeze3A_89 : vector<16x512xf32> to vector<1x16x512xf32>
    tpu.vector_store %arg10[%swap3A_90, %swap3A_91, %swap3A_92], %swap3A_95 {strides = array<i32>} : memref<1x16x512xf32, #tpu.memory_space<vmem>>, vector<1x16x512xf32>,
    %eq3A_96 = arith.constant 7 : i32
    %eq3A_97 = arith.cmpi eq, %arg0, %eq3A_96 : i32
    %eq3A_98 = arith.constant 7 : i32
    %eq3A_99 = arith.cmpi eq, %arg1, %eq3A_98 : i32
    %and3A_100 = arith.andi %eq3A_97, %eq3A_99 : i1
    %convert_element_type3A_101 = arith.extui %and3A_100 : i1 to i32
    %cond3A_102 = arith.constant 0 : i32
    %cond3A_103 = arith.cmpi ne, %convert_element_type3A_101, %cond3A_102 : i32
    scf.if %cond3A_103 {
      %get3A_104 = arith.constant 0 : index
      %get3A_105 = memref.load %arg12[%get3A_104] : memref<2xf32, #tpu.memory_space<smem>>
      %swap3A_106 = arith.constant 0 : index
      %swap3A_107 = memref.load %arg11[%swap3A_106] : memref<2xf32, #tpu.memory_space<smem>>
      memref.store %get3A_105, %arg11[%swap3A_106] : memref<2xf32, #tpu.memory_space<smem>>
      %get3A_108 = arith.constant 1 : index
      %get3A_109 = memref.load %arg12[%get3A_108] : memref<2xf32, #tpu.memory_space<smem>>
      %swap3A_110 = arith.constant 1 : index
      %swap3A_111 = memref.load %arg11[%swap3A_110] : memref<2xf32, #tpu.memory_space<smem>>
      memref.store %get3A_109, %arg11[%swap3A_110] : memref<2xf32, #tpu.memory_space<smem>>
    } else {
    }
    return
  }
  func.func @transform_0(%arg0: i32, %arg1: i32) -> (i32, i32, i32, i32) {
    %c0_i32 = arith.constant 0 : i32
    %c0_i32_0 = arith.constant 0 : i32
    %c0_i32_1 = arith.constant 0 : i32
    return %arg0, %c0_i32, %arg1, %c0_i32_0 : i32, i32, i32, i32
  }
  func.func @transform_1(%arg0: i32, %arg1: i32) -> (i32, i32, i32, i32) {
    %c0_i32 = arith.constant 0 : i32
    %c0_i32_0 = arith.constant 0 : i32
    %c0_i32_1 = arith.constant 0 : i32
    return %arg0, %c0_i32, %arg1, %c0_i32_0 : i32, i32, i32, i32
  }
  func.func @transform_2(%arg0: i32, %arg1: i32) -> (i32, i32, i32, i32) {
    %c0_i32 = arith.constant 0 : i32
    %c0_i32_0 = arith.constant 0 : i32
    %c0_i32_1 = arith.constant 0 : i32
    return %arg0, %c0_i32, %arg1, %c0_i32_0 : i32, i32, i32, i32
  }
  func.func @transform_3(%arg0: i32, %arg1: i32) -> (i32, i32, i32, i32) {
    %c0_i32 = arith.constant 0 : i32
    %c0_i32_0 = arith.constant 0 : i32
    %c0_i32_1 = arith.constant 0 : i32
    return %arg0, %c0_i32, %arg1, %c0_i32_0 : i32, i32, i32, i32
  }
  func.func @transform_4(%arg0: i32, %arg1: i32) -> (i32, i32, i32, i32) {
    %c0_i32 = arith.constant 0 : i32
    %c0_i32_0 = arith.constant 0 : i32
    %c0_i32_1 = arith.constant 0 : i32
    return %arg0, %c0_i32, %arg1, %c0_i32_0 : i32, i32, i32, i32
  }
  func.func @transform_5(%arg0: i32, %arg1: i32) -> (i32, i32, i32, i32) {
    %c0_i32 = arith.constant 0 : i32
    %c0_i32_0 = arith.constant 0 : i32
    %c0_i32_1 = arith.constant 0 : i32
    return %arg0, %c0_i32, %arg1, %c0_i32_0 : i32, i32, i32, i32
  }
  func.func @transform_6(%arg0: i32, %arg1: i32) -> (i32, i32, i32) {
    %c0_i32 = arith.constant 0 : i32
    %c0_i32_0 = arith.constant 0 : i32
    return %arg0, %arg1, %c0_i32 : i32, i32, i32
  }
  func.func @transform_7(%arg0: i32, %arg1: i32) -> (i32, i32, i32) {
    %c0_i32 = arith.constant 0 : i32
    %c0_i32_0 = arith.constant 0 : i32
    return %arg0, %arg1, %c0_i32 : i32, i32, i32
  }
  func.func @transform_8(%arg0: i32, %arg1: i32) -> (i32, i32, i32) {
    %c0_i32 = arith.constant 0 : i32
    %c0_i32_0 = arith.constant 0 : i32
    return %arg0, %arg1, %c0_i32 : i32, i32, i32
  }
  func.func @transform_9(%arg0: i32, %arg1: i32) -> i32 {
    %c0_i32 = arith.constant 0 : i32
    %c0_i32_0 = arith.constant 0 : i32
    return %c0_i32 : i32
  }
}

module attributes {stable_mosaic.version = 14 : i64} {
  func.func @_epi_body(%arg0: memref<32x3072xf32, #tpu.memory_space<vmem>>, %arg1: memref<2xf32, #tpu.memory_space<smem>>, %arg2: memref<1xf32, #tpu.memory_space<smem>>) attributes {dimension_semantics = [], scalar_prefetch = 0 : i64, scratch_operands = 0 : i64, tpu.core_type = #tpu.core_type<tc>} {
    %get3A = arith.constant 0 : index
    %get3A_0 = arith.constant 0 : index
    %get3A_1 = vector.load %arg0[%get3A, %get3A_0] : memref<32x3072xf32, #tpu.memory_space<vmem>>, vector<32x3072xf32>
    %iota3A = tpu.iota {dimensions = array<i32: 0>} : vector<3072x192xi32>
    %iota3A_2 = tpu.iota {dimensions = array<i32: 1>} : vector<3072x192xi32>
    %jit3A = arith.constant 16 : i32
    %div3A = vector.broadcast %jit3A : i32 to vector<3072x192xi32>
    %div3A_3 = arith.divsi %iota3A, %div3A : vector<3072x192xi32>
    %sign3A = arith.constant 0 : i32
    %sign3A_4 = vector.broadcast %sign3A : i32 to vector<3072x192xi32>
    %sign3A_5 = arith.cmpi sgt, %iota3A, %sign3A_4 : vector<3072x192xi32>
    %sign3A_6 = arith.extui %sign3A_5 : vector<3072x192xi1> to vector<3072x192xi32>
    %sign3A_7 = arith.constant 0 : i32
    %sign3A_8 = vector.broadcast %sign3A_7 : i32 to vector<3072x192xi32>
    %sign3A_9 = arith.cmpi slt, %iota3A, %sign3A_8 : vector<3072x192xi32>
    %sign3A_10 = arith.extui %sign3A_9 : vector<3072x192xi1> to vector<3072x192xi32>
    %sign3A_11 = arith.subi %sign3A_6, %sign3A_10 : vector<3072x192xi32>
    %sign3A_12 = arith.constant 0 : i32
    %sign3A_13 = arith.cmpi sgt, %jit3A, %sign3A_12 : i32
    %sign3A_14 = arith.extui %sign3A_13 : i1 to i32
    %sign3A_15 = arith.constant 0 : i32
    %sign3A_16 = arith.cmpi slt, %jit3A, %sign3A_15 : i32
    %sign3A_17 = arith.extui %sign3A_16 : i1 to i32
    %sign3A_18 = arith.subi %sign3A_14, %sign3A_17 : i32
    %ne3A = vector.broadcast %sign3A_18 : i32 to vector<3072x192xi32>
    %ne3A_19 = arith.cmpi ne, %sign3A_11, %ne3A : vector<3072x192xi32>
    %rem3A = vector.broadcast %jit3A : i32 to vector<3072x192xi32>
    %rem3A_20 = arith.remsi %iota3A, %rem3A : vector<3072x192xi32>
    %ne3A_21 = arith.constant 0 : i32
    %ne3A_22 = vector.broadcast %ne3A_21 : i32 to vector<3072x192xi32>
    %ne3A_23 = arith.cmpi ne, %rem3A_20, %ne3A_22 : vector<3072x192xi32>
    %and3A = arith.andi %ne3A_19, %ne3A_23 : vector<3072x192xi1>
    %sub3A = arith.constant 1 : i32
    %sub3A_24 = vector.broadcast %sub3A : i32 to vector<3072x192xi32>
    %sub3A_25 = arith.subi %div3A_3, %sub3A_24 : vector<3072x192xi32>
    %select_n3A = arith.select %and3A, %sub3A_25, %div3A_3 : vector<3072x192xi1>, vector<3072x192xi32>
    %eq3A = arith.cmpi eq, %select_n3A, %iota3A_2 : vector<3072x192xi32>
    %convert_element_type3A = arith.extui %eq3A : vector<3072x192xi1> to vector<3072x192xi32>
    %convert_element_type3A_26 = arith.sitofp %convert_element_type3A : vector<3072x192xi32> to vector<3072x192xf32>
    %dot_general3A = arith.constant dense<0.000000e+00> : vector<32x192xf32>
    %dot_general3A_27 = tpu.matmul %get3A_1, %convert_element_type3A_26, %dot_general3A {dimension_numbers = #tpu.dot_dimension_numbers<[1], [0], [0], [1], [0, 0, 1, 1], [], []>, precision = #tpu.contract_precision<fp32>, transpose_lhs_hint = false} : vector<32x3072xf32>, vector<3072x192xf32>, vector<32x192xf32> -> vector<32x192xf32>
    %slice3A = vector.extract_strided_slice %dot_general3A_27 {offsets = [0, 0], sizes = [1, 192], strides = [1, 1]} : vector<32x192xf32> to vector<1x192xf32>
    %squeeze3A = vector.shape_cast %slice3A : vector<1x192xf32> to vector<192xf32>
    %slice3A_28 = vector.extract_strided_slice %dot_general3A_27 {offsets = [1, 0], sizes = [1, 192], strides = [1, 1]} : vector<32x192xf32> to vector<1x192xf32>
    %squeeze3A_29 = vector.shape_cast %slice3A_28 : vector<1x192xf32> to vector<192xf32>
    %add3A = arith.addf %squeeze3A, %squeeze3A_29 : vector<192xf32>
    %slice3A_30 = vector.extract_strided_slice %dot_general3A_27 {offsets = [2, 0], sizes = [1, 192], strides = [1, 1]} : vector<32x192xf32> to vector<1x192xf32>
    %squeeze3A_31 = vector.shape_cast %slice3A_30 : vector<1x192xf32> to vector<192xf32>
    %add3A_32 = arith.addf %add3A, %squeeze3A_31 : vector<192xf32>
    %slice3A_33 = vector.extract_strided_slice %dot_general3A_27 {offsets = [3, 0], sizes = [1, 192], strides = [1, 1]} : vector<32x192xf32> to vector<1x192xf32>
    %squeeze3A_34 = vector.shape_cast %slice3A_33 : vector<1x192xf32> to vector<192xf32>
    %add3A_35 = arith.addf %add3A_32, %squeeze3A_34 : vector<192xf32>
    %slice3A_36 = vector.extract_strided_slice %add3A_35 {offsets = [0], sizes = [64], strides = [1]} : vector<192xf32> to vector<64xf32>
    %slice3A_37 = vector.extract_strided_slice %add3A_35 {offsets = [64], sizes = [64], strides = [1]} : vector<192xf32> to vector<64xf32>
    %slice3A_38 = vector.extract_strided_slice %add3A_35 {offsets = [128], sizes = [64], strides = [1]} : vector<192xf32> to vector<64xf32>
    %max3A = arith.constant 1.000000e+00 : f32
    %max3A_39 = vector.broadcast %max3A : f32 to vector<64xf32>
    %max3A_40 = arith.maximumf %slice3A_36, %max3A_39 : vector<64xf32>
    %div3A_41 = arith.divf %slice3A_37, %max3A_40 : vector<64xf32>
    %div3A_42 = arith.constant 1.638400e+04 : f32
    %div3A_43 = vector.broadcast %div3A_42 : f32 to vector<64xf32>
    %div3A_44 = arith.divf %slice3A_36, %div3A_43 : vector<64xf32>
    %ge3A = arith.constant 0.00999999977 : f32
    %ge3A_45 = vector.broadcast %ge3A : f32 to vector<64xf32>
    %ge3A_46 = arith.cmpf oge, %div3A_44, %ge3A_45 : vector<64xf32>
    %div3A_47 = arith.divf %slice3A_38, %max3A_40 : vector<64xf32>
    %gt3A = arith.constant 0.00999999977 : f32
    %gt3A_48 = vector.broadcast %gt3A : f32 to vector<64xf32>
    %gt3A_49 = arith.cmpf ogt, %div3A_47, %gt3A_48 : vector<64xf32>
    %and3A_50 = arith.andi %ge3A_46, %gt3A_49 : vector<64xi1>
    %jit3A_51 = arith.constant 1.000000e+00 : f32
    %jit3A_52 = arith.constant 0.000000e+00 : f32
    %broadcast_in_dim3A = vector.broadcast %jit3A_51 : f32 to vector<64xf32>
    %broadcast_in_dim3A_53 = vector.broadcast %jit3A_52 : f32 to vector<64xf32>
    %select_n3A_54 = arith.select %and3A_50, %broadcast_in_dim3A, %broadcast_in_dim3A_53 : vector<64xi1>, vector<64xf32>
    %mul3A = arith.mulf %div3A_41, %select_n3A_54 : vector<64xf32>
    %reduce_sum3A = vector.shape_cast %mul3A : vector<64xf32> to vector<1x64xf32>
    %reduce_sum3A_55 = arith.constant dense<0.000000e+00> : vector<1xf32>
    %reduce_sum3A_56 = vector.multi_reduction <add>, %reduce_sum3A, %reduce_sum3A_55 [1] : vector<1x64xf32> to vector<1xf32>
    %reduce_sum3A_57 = vector.shape_cast %reduce_sum3A_56 : vector<1xf32> to vector<1x1xf32>
    %reduce_sum3A_58 = vector.extract %reduce_sum3A_57[0, 0] : f32 from vector<1x1xf32>
    %add3A_59 = arith.constant 0.000000e+00 : f32
    %add3A_60 = arith.addf %add3A_59, %reduce_sum3A_58 : f32
    %reduce_sum3A_61 = vector.shape_cast %select_n3A_54 : vector<64xf32> to vector<1x64xf32>
    %reduce_sum3A_62 = arith.constant dense<0.000000e+00> : vector<1xf32>
    %reduce_sum3A_63 = vector.multi_reduction <add>, %reduce_sum3A_61, %reduce_sum3A_62 [1] : vector<1x64xf32> to vector<1xf32>
    %reduce_sum3A_64 = vector.shape_cast %reduce_sum3A_63 : vector<1xf32> to vector<1x1xf32>
    %reduce_sum3A_65 = vector.extract %reduce_sum3A_64[0, 0] : f32 from vector<1x1xf32>
    %add3A_66 = arith.constant 0.000000e+00 : f32
    %add3A_67 = arith.addf %add3A_66, %reduce_sum3A_65 : f32
    %slice3A_68 = vector.extract_strided_slice %dot_general3A_27 {offsets = [4, 0], sizes = [1, 192], strides = [1, 1]} : vector<32x192xf32> to vector<1x192xf32>
    %squeeze3A_69 = vector.shape_cast %slice3A_68 : vector<1x192xf32> to vector<192xf32>
    %slice3A_70 = vector.extract_strided_slice %dot_general3A_27 {offsets = [5, 0], sizes = [1, 192], strides = [1, 1]} : vector<32x192xf32> to vector<1x192xf32>
    %squeeze3A_71 = vector.shape_cast %slice3A_70 : vector<1x192xf32> to vector<192xf32>
    %add3A_72 = arith.addf %squeeze3A_69, %squeeze3A_71 : vector<192xf32>
    %slice3A_73 = vector.extract_strided_slice %dot_general3A_27 {offsets = [6, 0], sizes = [1, 192], strides = [1, 1]} : vector<32x192xf32> to vector<1x192xf32>
    %squeeze3A_74 = vector.shape_cast %slice3A_73 : vector<1x192xf32> to vector<192xf32>
    %add3A_75 = arith.addf %add3A_72, %squeeze3A_74 : vector<192xf32>
    %slice3A_76 = vector.extract_strided_slice %dot_general3A_27 {offsets = [7, 0], sizes = [1, 192], strides = [1, 1]} : vector<32x192xf32> to vector<1x192xf32>
    %squeeze3A_77 = vector.shape_cast %slice3A_76 : vector<1x192xf32> to vector<192xf32>
    %add3A_78 = arith.addf %add3A_75, %squeeze3A_77 : vector<192xf32>
    %slice3A_79 = vector.extract_strided_slice %add3A_78 {offsets = [0], sizes = [64], strides = [1]} : vector<192xf32> to vector<64xf32>
    %slice3A_80 = vector.extract_strided_slice %add3A_78 {offsets = [64], sizes = [64], strides = [1]} : vector<192xf32> to vector<64xf32>
    %slice3A_81 = vector.extract_strided_slice %add3A_78 {offsets = [128], sizes = [64], strides = [1]} : vector<192xf32> to vector<64xf32>
    %max3A_82 = arith.constant 1.000000e+00 : f32
    %max3A_83 = vector.broadcast %max3A_82 : f32 to vector<64xf32>
    %max3A_84 = arith.maximumf %slice3A_79, %max3A_83 : vector<64xf32>
    %div3A_85 = arith.divf %slice3A_80, %max3A_84 : vector<64xf32>
    %div3A_86 = arith.constant 1.638400e+04 : f32
    %div3A_87 = vector.broadcast %div3A_86 : f32 to vector<64xf32>
    %div3A_88 = arith.divf %slice3A_79, %div3A_87 : vector<64xf32>
    %ge3A_89 = arith.constant 0.00999999977 : f32
    %ge3A_90 = vector.broadcast %ge3A_89 : f32 to vector<64xf32>
    %ge3A_91 = arith.cmpf oge, %div3A_88, %ge3A_90 : vector<64xf32>
    %div3A_92 = arith.divf %slice3A_81, %max3A_84 : vector<64xf32>
    %gt3A_93 = arith.constant 0.00999999977 : f32
    %gt3A_94 = vector.broadcast %gt3A_93 : f32 to vector<64xf32>
    %gt3A_95 = arith.cmpf ogt, %div3A_92, %gt3A_94 : vector<64xf32>
    %and3A_96 = arith.andi %ge3A_91, %gt3A_95 : vector<64xi1>
    %jit3A_97 = arith.constant 1.000000e+00 : f32
    %jit3A_98 = arith.constant 0.000000e+00 : f32
    %broadcast_in_dim3A_99 = vector.broadcast %jit3A_97 : f32 to vector<64xf32>
    %broadcast_in_dim3A_100 = vector.broadcast %jit3A_98 : f32 to vector<64xf32>
    %select_n3A_101 = arith.select %and3A_96, %broadcast_in_dim3A_99, %broadcast_in_dim3A_100 : vector<64xi1>, vector<64xf32>
    %mul3A_102 = arith.mulf %div3A_85, %select_n3A_101 : vector<64xf32>
    %reduce_sum3A_103 = vector.shape_cast %mul3A_102 : vector<64xf32> to vector<1x64xf32>
    %reduce_sum3A_104 = arith.constant dense<0.000000e+00> : vector<1xf32>
    %reduce_sum3A_105 = vector.multi_reduction <add>, %reduce_sum3A_103, %reduce_sum3A_104 [1] : vector<1x64xf32> to vector<1xf32>
    %reduce_sum3A_106 = vector.shape_cast %reduce_sum3A_105 : vector<1xf32> to vector<1x1xf32>
    %reduce_sum3A_107 = vector.extract %reduce_sum3A_106[0, 0] : f32 from vector<1x1xf32>
    %add3A_108 = arith.addf %add3A_60, %reduce_sum3A_107 : f32
    %reduce_sum3A_109 = vector.shape_cast %select_n3A_101 : vector<64xf32> to vector<1x64xf32>
    %reduce_sum3A_110 = arith.constant dense<0.000000e+00> : vector<1xf32>
    %reduce_sum3A_111 = vector.multi_reduction <add>, %reduce_sum3A_109, %reduce_sum3A_110 [1] : vector<1x64xf32> to vector<1xf32>
    %reduce_sum3A_112 = vector.shape_cast %reduce_sum3A_111 : vector<1xf32> to vector<1x1xf32>
    %reduce_sum3A_113 = vector.extract %reduce_sum3A_112[0, 0] : f32 from vector<1x1xf32>
    %add3A_114 = arith.addf %add3A_67, %reduce_sum3A_113 : f32
    %slice3A_115 = vector.extract_strided_slice %dot_general3A_27 {offsets = [8, 0], sizes = [1, 192], strides = [1, 1]} : vector<32x192xf32> to vector<1x192xf32>
    %squeeze3A_116 = vector.shape_cast %slice3A_115 : vector<1x192xf32> to vector<192xf32>
    %slice3A_117 = vector.extract_strided_slice %dot_general3A_27 {offsets = [9, 0], sizes = [1, 192], strides = [1, 1]} : vector<32x192xf32> to vector<1x192xf32>
    %squeeze3A_118 = vector.shape_cast %slice3A_117 : vector<1x192xf32> to vector<192xf32>
    %add3A_119 = arith.addf %squeeze3A_116, %squeeze3A_118 : vector<192xf32>
    %slice3A_120 = vector.extract_strided_slice %dot_general3A_27 {offsets = [10, 0], sizes = [1, 192], strides = [1, 1]} : vector<32x192xf32> to vector<1x192xf32>
    %squeeze3A_121 = vector.shape_cast %slice3A_120 : vector<1x192xf32> to vector<192xf32>
    %add3A_122 = arith.addf %add3A_119, %squeeze3A_121 : vector<192xf32>
    %slice3A_123 = vector.extract_strided_slice %dot_general3A_27 {offsets = [11, 0], sizes = [1, 192], strides = [1, 1]} : vector<32x192xf32> to vector<1x192xf32>
    %squeeze3A_124 = vector.shape_cast %slice3A_123 : vector<1x192xf32> to vector<192xf32>
    %add3A_125 = arith.addf %add3A_122, %squeeze3A_124 : vector<192xf32>
    %slice3A_126 = vector.extract_strided_slice %add3A_125 {offsets = [0], sizes = [64], strides = [1]} : vector<192xf32> to vector<64xf32>
    %slice3A_127 = vector.extract_strided_slice %add3A_125 {offsets = [64], sizes = [64], strides = [1]} : vector<192xf32> to vector<64xf32>
    %slice3A_128 = vector.extract_strided_slice %add3A_125 {offsets = [128], sizes = [64], strides = [1]} : vector<192xf32> to vector<64xf32>
    %max3A_129 = arith.constant 1.000000e+00 : f32
    %max3A_130 = vector.broadcast %max3A_129 : f32 to vector<64xf32>
    %max3A_131 = arith.maximumf %slice3A_126, %max3A_130 : vector<64xf32>
    %div3A_132 = arith.divf %slice3A_127, %max3A_131 : vector<64xf32>
    %div3A_133 = arith.constant 1.638400e+04 : f32
    %div3A_134 = vector.broadcast %div3A_133 : f32 to vector<64xf32>
    %div3A_135 = arith.divf %slice3A_126, %div3A_134 : vector<64xf32>
    %ge3A_136 = arith.constant 0.00999999977 : f32
    %ge3A_137 = vector.broadcast %ge3A_136 : f32 to vector<64xf32>
    %ge3A_138 = arith.cmpf oge, %div3A_135, %ge3A_137 : vector<64xf32>
    %div3A_139 = arith.divf %slice3A_128, %max3A_131 : vector<64xf32>
    %gt3A_140 = arith.constant 0.00999999977 : f32
    %gt3A_141 = vector.broadcast %gt3A_140 : f32 to vector<64xf32>
    %gt3A_142 = arith.cmpf ogt, %div3A_139, %gt3A_141 : vector<64xf32>
    %and3A_143 = arith.andi %ge3A_138, %gt3A_142 : vector<64xi1>
    %jit3A_144 = arith.constant 1.000000e+00 : f32
    %jit3A_145 = arith.constant 0.000000e+00 : f32
    %broadcast_in_dim3A_146 = vector.broadcast %jit3A_144 : f32 to vector<64xf32>
    %broadcast_in_dim3A_147 = vector.broadcast %jit3A_145 : f32 to vector<64xf32>
    %select_n3A_148 = arith.select %and3A_143, %broadcast_in_dim3A_146, %broadcast_in_dim3A_147 : vector<64xi1>, vector<64xf32>
    %mul3A_149 = arith.mulf %div3A_132, %select_n3A_148 : vector<64xf32>
    %reduce_sum3A_150 = vector.shape_cast %mul3A_149 : vector<64xf32> to vector<1x64xf32>
    %reduce_sum3A_151 = arith.constant dense<0.000000e+00> : vector<1xf32>
    %reduce_sum3A_152 = vector.multi_reduction <add>, %reduce_sum3A_150, %reduce_sum3A_151 [1] : vector<1x64xf32> to vector<1xf32>
    %reduce_sum3A_153 = vector.shape_cast %reduce_sum3A_152 : vector<1xf32> to vector<1x1xf32>
    %reduce_sum3A_154 = vector.extract %reduce_sum3A_153[0, 0] : f32 from vector<1x1xf32>
    %add3A_155 = arith.addf %add3A_108, %reduce_sum3A_154 : f32
    %reduce_sum3A_156 = vector.shape_cast %select_n3A_148 : vector<64xf32> to vector<1x64xf32>
    %reduce_sum3A_157 = arith.constant dense<0.000000e+00> : vector<1xf32>
    %reduce_sum3A_158 = vector.multi_reduction <add>, %reduce_sum3A_156, %reduce_sum3A_157 [1] : vector<1x64xf32> to vector<1xf32>
    %reduce_sum3A_159 = vector.shape_cast %reduce_sum3A_158 : vector<1xf32> to vector<1x1xf32>
    %reduce_sum3A_160 = vector.extract %reduce_sum3A_159[0, 0] : f32 from vector<1x1xf32>
    %add3A_161 = arith.addf %add3A_114, %reduce_sum3A_160 : f32
    %slice3A_162 = vector.extract_strided_slice %dot_general3A_27 {offsets = [12, 0], sizes = [1, 192], strides = [1, 1]} : vector<32x192xf32> to vector<1x192xf32>
    %squeeze3A_163 = vector.shape_cast %slice3A_162 : vector<1x192xf32> to vector<192xf32>
    %slice3A_164 = vector.extract_strided_slice %dot_general3A_27 {offsets = [13, 0], sizes = [1, 192], strides = [1, 1]} : vector<32x192xf32> to vector<1x192xf32>
    %squeeze3A_165 = vector.shape_cast %slice3A_164 : vector<1x192xf32> to vector<192xf32>
    %add3A_166 = arith.addf %squeeze3A_163, %squeeze3A_165 : vector<192xf32>
    %slice3A_167 = vector.extract_strided_slice %dot_general3A_27 {offsets = [14, 0], sizes = [1, 192], strides = [1, 1]} : vector<32x192xf32> to vector<1x192xf32>
    %squeeze3A_168 = vector.shape_cast %slice3A_167 : vector<1x192xf32> to vector<192xf32>
    %add3A_169 = arith.addf %add3A_166, %squeeze3A_168 : vector<192xf32>
    %slice3A_170 = vector.extract_strided_slice %dot_general3A_27 {offsets = [15, 0], sizes = [1, 192], strides = [1, 1]} : vector<32x192xf32> to vector<1x192xf32>
    %squeeze3A_171 = vector.shape_cast %slice3A_170 : vector<1x192xf32> to vector<192xf32>
    %add3A_172 = arith.addf %add3A_169, %squeeze3A_171 : vector<192xf32>
    %slice3A_173 = vector.extract_strided_slice %add3A_172 {offsets = [0], sizes = [64], strides = [1]} : vector<192xf32> to vector<64xf32>
    %slice3A_174 = vector.extract_strided_slice %add3A_172 {offsets = [64], sizes = [64], strides = [1]} : vector<192xf32> to vector<64xf32>
    %slice3A_175 = vector.extract_strided_slice %add3A_172 {offsets = [128], sizes = [64], strides = [1]} : vector<192xf32> to vector<64xf32>
    %max3A_176 = arith.constant 1.000000e+00 : f32
    %max3A_177 = vector.broadcast %max3A_176 : f32 to vector<64xf32>
    %max3A_178 = arith.maximumf %slice3A_173, %max3A_177 : vector<64xf32>
    %div3A_179 = arith.divf %slice3A_174, %max3A_178 : vector<64xf32>
    %div3A_180 = arith.constant 1.638400e+04 : f32
    %div3A_181 = vector.broadcast %div3A_180 : f32 to vector<64xf32>
    %div3A_182 = arith.divf %slice3A_173, %div3A_181 : vector<64xf32>
    %ge3A_183 = arith.constant 0.00999999977 : f32
    %ge3A_184 = vector.broadcast %ge3A_183 : f32 to vector<64xf32>
    %ge3A_185 = arith.cmpf oge, %div3A_182, %ge3A_184 : vector<64xf32>
    %div3A_186 = arith.divf %slice3A_175, %max3A_178 : vector<64xf32>
    %gt3A_187 = arith.constant 0.00999999977 : f32
    %gt3A_188 = vector.broadcast %gt3A_187 : f32 to vector<64xf32>
    %gt3A_189 = arith.cmpf ogt, %div3A_186, %gt3A_188 : vector<64xf32>
    %and3A_190 = arith.andi %ge3A_185, %gt3A_189 : vector<64xi1>
    %jit3A_191 = arith.constant 1.000000e+00 : f32
    %jit3A_192 = arith.constant 0.000000e+00 : f32
    %broadcast_in_dim3A_193 = vector.broadcast %jit3A_191 : f32 to vector<64xf32>
    %broadcast_in_dim3A_194 = vector.broadcast %jit3A_192 : f32 to vector<64xf32>
    %select_n3A_195 = arith.select %and3A_190, %broadcast_in_dim3A_193, %broadcast_in_dim3A_194 : vector<64xi1>, vector<64xf32>
    %mul3A_196 = arith.mulf %div3A_179, %select_n3A_195 : vector<64xf32>
    %reduce_sum3A_197 = vector.shape_cast %mul3A_196 : vector<64xf32> to vector<1x64xf32>
    %reduce_sum3A_198 = arith.constant dense<0.000000e+00> : vector<1xf32>
    %reduce_sum3A_199 = vector.multi_reduction <add>, %reduce_sum3A_197, %reduce_sum3A_198 [1] : vector<1x64xf32> to vector<1xf32>
    %reduce_sum3A_200 = vector.shape_cast %reduce_sum3A_199 : vector<1xf32> to vector<1x1xf32>
    %reduce_sum3A_201 = vector.extract %reduce_sum3A_200[0, 0] : f32 from vector<1x1xf32>
    %add3A_202 = arith.addf %add3A_155, %reduce_sum3A_201 : f32
    %reduce_sum3A_203 = vector.shape_cast %select_n3A_195 : vector<64xf32> to vector<1x64xf32>
    %reduce_sum3A_204 = arith.constant dense<0.000000e+00> : vector<1xf32>
    %reduce_sum3A_205 = vector.multi_reduction <add>, %reduce_sum3A_203, %reduce_sum3A_204 [1] : vector<1x64xf32> to vector<1xf32>
    %reduce_sum3A_206 = vector.shape_cast %reduce_sum3A_205 : vector<1xf32> to vector<1x1xf32>
    %reduce_sum3A_207 = vector.extract %reduce_sum3A_206[0, 0] : f32 from vector<1x1xf32>
    %add3A_208 = arith.addf %add3A_161, %reduce_sum3A_207 : f32
    %slice3A_209 = vector.extract_strided_slice %dot_general3A_27 {offsets = [16, 0], sizes = [1, 192], strides = [1, 1]} : vector<32x192xf32> to vector<1x192xf32>
    %squeeze3A_210 = vector.shape_cast %slice3A_209 : vector<1x192xf32> to vector<192xf32>
    %slice3A_211 = vector.extract_strided_slice %dot_general3A_27 {offsets = [17, 0], sizes = [1, 192], strides = [1, 1]} : vector<32x192xf32> to vector<1x192xf32>
    %squeeze3A_212 = vector.shape_cast %slice3A_211 : vector<1x192xf32> to vector<192xf32>
    %add3A_213 = arith.addf %squeeze3A_210, %squeeze3A_212 : vector<192xf32>
    %slice3A_214 = vector.extract_strided_slice %dot_general3A_27 {offsets = [18, 0], sizes = [1, 192], strides = [1, 1]} : vector<32x192xf32> to vector<1x192xf32>
    %squeeze3A_215 = vector.shape_cast %slice3A_214 : vector<1x192xf32> to vector<192xf32>
    %add3A_216 = arith.addf %add3A_213, %squeeze3A_215 : vector<192xf32>
    %slice3A_217 = vector.extract_strided_slice %dot_general3A_27 {offsets = [19, 0], sizes = [1, 192], strides = [1, 1]} : vector<32x192xf32> to vector<1x192xf32>
    %squeeze3A_218 = vector.shape_cast %slice3A_217 : vector<1x192xf32> to vector<192xf32>
    %add3A_219 = arith.addf %add3A_216, %squeeze3A_218 : vector<192xf32>
    %slice3A_220 = vector.extract_strided_slice %add3A_219 {offsets = [0], sizes = [64], strides = [1]} : vector<192xf32> to vector<64xf32>
    %slice3A_221 = vector.extract_strided_slice %add3A_219 {offsets = [64], sizes = [64], strides = [1]} : vector<192xf32> to vector<64xf32>
    %slice3A_222 = vector.extract_strided_slice %add3A_219 {offsets = [128], sizes = [64], strides = [1]} : vector<192xf32> to vector<64xf32>
    %max3A_223 = arith.constant 1.000000e+00 : f32
    %max3A_224 = vector.broadcast %max3A_223 : f32 to vector<64xf32>
    %max3A_225 = arith.maximumf %slice3A_220, %max3A_224 : vector<64xf32>
    %div3A_226 = arith.divf %slice3A_221, %max3A_225 : vector<64xf32>
    %div3A_227 = arith.constant 1.638400e+04 : f32
    %div3A_228 = vector.broadcast %div3A_227 : f32 to vector<64xf32>
    %div3A_229 = arith.divf %slice3A_220, %div3A_228 : vector<64xf32>
    %ge3A_230 = arith.constant 0.00999999977 : f32
    %ge3A_231 = vector.broadcast %ge3A_230 : f32 to vector<64xf32>
    %ge3A_232 = arith.cmpf oge, %div3A_229, %ge3A_231 : vector<64xf32>
    %div3A_233 = arith.divf %slice3A_222, %max3A_225 : vector<64xf32>
    %gt3A_234 = arith.constant 0.00999999977 : f32
    %gt3A_235 = vector.broadcast %gt3A_234 : f32 to vector<64xf32>
    %gt3A_236 = arith.cmpf ogt, %div3A_233, %gt3A_235 : vector<64xf32>
    %and3A_237 = arith.andi %ge3A_232, %gt3A_236 : vector<64xi1>
    %jit3A_238 = arith.constant 1.000000e+00 : f32
    %jit3A_239 = arith.constant 0.000000e+00 : f32
    %broadcast_in_dim3A_240 = vector.broadcast %jit3A_238 : f32 to vector<64xf32>
    %broadcast_in_dim3A_241 = vector.broadcast %jit3A_239 : f32 to vector<64xf32>
    %select_n3A_242 = arith.select %and3A_237, %broadcast_in_dim3A_240, %broadcast_in_dim3A_241 : vector<64xi1>, vector<64xf32>
    %mul3A_243 = arith.mulf %div3A_226, %select_n3A_242 : vector<64xf32>
    %reduce_sum3A_244 = vector.shape_cast %mul3A_243 : vector<64xf32> to vector<1x64xf32>
    %reduce_sum3A_245 = arith.constant dense<0.000000e+00> : vector<1xf32>
    %reduce_sum3A_246 = vector.multi_reduction <add>, %reduce_sum3A_244, %reduce_sum3A_245 [1] : vector<1x64xf32> to vector<1xf32>
    %reduce_sum3A_247 = vector.shape_cast %reduce_sum3A_246 : vector<1xf32> to vector<1x1xf32>
    %reduce_sum3A_248 = vector.extract %reduce_sum3A_247[0, 0] : f32 from vector<1x1xf32>
    %add3A_249 = arith.addf %add3A_202, %reduce_sum3A_248 : f32
    %reduce_sum3A_250 = vector.shape_cast %select_n3A_242 : vector<64xf32> to vector<1x64xf32>
    %reduce_sum3A_251 = arith.constant dense<0.000000e+00> : vector<1xf32>
    %reduce_sum3A_252 = vector.multi_reduction <add>, %reduce_sum3A_250, %reduce_sum3A_251 [1] : vector<1x64xf32> to vector<1xf32>
    %reduce_sum3A_253 = vector.shape_cast %reduce_sum3A_252 : vector<1xf32> to vector<1x1xf32>
    %reduce_sum3A_254 = vector.extract %reduce_sum3A_253[0, 0] : f32 from vector<1x1xf32>
    %add3A_255 = arith.addf %add3A_208, %reduce_sum3A_254 : f32
    %slice3A_256 = vector.extract_strided_slice %dot_general3A_27 {offsets = [20, 0], sizes = [1, 192], strides = [1, 1]} : vector<32x192xf32> to vector<1x192xf32>
    %squeeze3A_257 = vector.shape_cast %slice3A_256 : vector<1x192xf32> to vector<192xf32>
    %slice3A_258 = vector.extract_strided_slice %dot_general3A_27 {offsets = [21, 0], sizes = [1, 192], strides = [1, 1]} : vector<32x192xf32> to vector<1x192xf32>
    %squeeze3A_259 = vector.shape_cast %slice3A_258 : vector<1x192xf32> to vector<192xf32>
    %add3A_260 = arith.addf %squeeze3A_257, %squeeze3A_259 : vector<192xf32>
    %slice3A_261 = vector.extract_strided_slice %dot_general3A_27 {offsets = [22, 0], sizes = [1, 192], strides = [1, 1]} : vector<32x192xf32> to vector<1x192xf32>
    %squeeze3A_262 = vector.shape_cast %slice3A_261 : vector<1x192xf32> to vector<192xf32>
    %add3A_263 = arith.addf %add3A_260, %squeeze3A_262 : vector<192xf32>
    %slice3A_264 = vector.extract_strided_slice %dot_general3A_27 {offsets = [23, 0], sizes = [1, 192], strides = [1, 1]} : vector<32x192xf32> to vector<1x192xf32>
    %squeeze3A_265 = vector.shape_cast %slice3A_264 : vector<1x192xf32> to vector<192xf32>
    %add3A_266 = arith.addf %add3A_263, %squeeze3A_265 : vector<192xf32>
    %slice3A_267 = vector.extract_strided_slice %add3A_266 {offsets = [0], sizes = [64], strides = [1]} : vector<192xf32> to vector<64xf32>
    %slice3A_268 = vector.extract_strided_slice %add3A_266 {offsets = [64], sizes = [64], strides = [1]} : vector<192xf32> to vector<64xf32>
    %slice3A_269 = vector.extract_strided_slice %add3A_266 {offsets = [128], sizes = [64], strides = [1]} : vector<192xf32> to vector<64xf32>
    %max3A_270 = arith.constant 1.000000e+00 : f32
    %max3A_271 = vector.broadcast %max3A_270 : f32 to vector<64xf32>
    %max3A_272 = arith.maximumf %slice3A_267, %max3A_271 : vector<64xf32>
    %div3A_273 = arith.divf %slice3A_268, %max3A_272 : vector<64xf32>
    %div3A_274 = arith.constant 1.638400e+04 : f32
    %div3A_275 = vector.broadcast %div3A_274 : f32 to vector<64xf32>
    %div3A_276 = arith.divf %slice3A_267, %div3A_275 : vector<64xf32>
    %ge3A_277 = arith.constant 0.00999999977 : f32
    %ge3A_278 = vector.broadcast %ge3A_277 : f32 to vector<64xf32>
    %ge3A_279 = arith.cmpf oge, %div3A_276, %ge3A_278 : vector<64xf32>
    %div3A_280 = arith.divf %slice3A_269, %max3A_272 : vector<64xf32>
    %gt3A_281 = arith.constant 0.00999999977 : f32
    %gt3A_282 = vector.broadcast %gt3A_281 : f32 to vector<64xf32>
    %gt3A_283 = arith.cmpf ogt, %div3A_280, %gt3A_282 : vector<64xf32>
    %and3A_284 = arith.andi %ge3A_279, %gt3A_283 : vector<64xi1>
    %jit3A_285 = arith.constant 1.000000e+00 : f32
    %jit3A_286 = arith.constant 0.000000e+00 : f32
    %broadcast_in_dim3A_287 = vector.broadcast %jit3A_285 : f32 to vector<64xf32>
    %broadcast_in_dim3A_288 = vector.broadcast %jit3A_286 : f32 to vector<64xf32>
    %select_n3A_289 = arith.select %and3A_284, %broadcast_in_dim3A_287, %broadcast_in_dim3A_288 : vector<64xi1>, vector<64xf32>
    %mul3A_290 = arith.mulf %div3A_273, %select_n3A_289 : vector<64xf32>
    %reduce_sum3A_291 = vector.shape_cast %mul3A_290 : vector<64xf32> to vector<1x64xf32>
    %reduce_sum3A_292 = arith.constant dense<0.000000e+00> : vector<1xf32>
    %reduce_sum3A_293 = vector.multi_reduction <add>, %reduce_sum3A_291, %reduce_sum3A_292 [1] : vector<1x64xf32> to vector<1xf32>
    %reduce_sum3A_294 = vector.shape_cast %reduce_sum3A_293 : vector<1xf32> to vector<1x1xf32>
    %reduce_sum3A_295 = vector.extract %reduce_sum3A_294[0, 0] : f32 from vector<1x1xf32>
    %add3A_296 = arith.addf %add3A_249, %reduce_sum3A_295 : f32
    %reduce_sum3A_297 = vector.shape_cast %select_n3A_289 : vector<64xf32> to vector<1x64xf32>
    %reduce_sum3A_298 = arith.constant dense<0.000000e+00> : vector<1xf32>
    %reduce_sum3A_299 = vector.multi_reduction <add>, %reduce_sum3A_297, %reduce_sum3A_298 [1] : vector<1x64xf32> to vector<1xf32>
    %reduce_sum3A_300 = vector.shape_cast %reduce_sum3A_299 : vector<1xf32> to vector<1x1xf32>
    %reduce_sum3A_301 = vector.extract %reduce_sum3A_300[0, 0] : f32 from vector<1x1xf32>
    %add3A_302 = arith.addf %add3A_255, %reduce_sum3A_301 : f32
    %slice3A_303 = vector.extract_strided_slice %dot_general3A_27 {offsets = [24, 0], sizes = [1, 192], strides = [1, 1]} : vector<32x192xf32> to vector<1x192xf32>
    %squeeze3A_304 = vector.shape_cast %slice3A_303 : vector<1x192xf32> to vector<192xf32>
    %slice3A_305 = vector.extract_strided_slice %dot_general3A_27 {offsets = [25, 0], sizes = [1, 192], strides = [1, 1]} : vector<32x192xf32> to vector<1x192xf32>
    %squeeze3A_306 = vector.shape_cast %slice3A_305 : vector<1x192xf32> to vector<192xf32>
    %add3A_307 = arith.addf %squeeze3A_304, %squeeze3A_306 : vector<192xf32>
    %slice3A_308 = vector.extract_strided_slice %dot_general3A_27 {offsets = [26, 0], sizes = [1, 192], strides = [1, 1]} : vector<32x192xf32> to vector<1x192xf32>
    %squeeze3A_309 = vector.shape_cast %slice3A_308 : vector<1x192xf32> to vector<192xf32>
    %add3A_310 = arith.addf %add3A_307, %squeeze3A_309 : vector<192xf32>
    %slice3A_311 = vector.extract_strided_slice %dot_general3A_27 {offsets = [27, 0], sizes = [1, 192], strides = [1, 1]} : vector<32x192xf32> to vector<1x192xf32>
    %squeeze3A_312 = vector.shape_cast %slice3A_311 : vector<1x192xf32> to vector<192xf32>
    %add3A_313 = arith.addf %add3A_310, %squeeze3A_312 : vector<192xf32>
    %slice3A_314 = vector.extract_strided_slice %add3A_313 {offsets = [0], sizes = [64], strides = [1]} : vector<192xf32> to vector<64xf32>
    %slice3A_315 = vector.extract_strided_slice %add3A_313 {offsets = [64], sizes = [64], strides = [1]} : vector<192xf32> to vector<64xf32>
    %slice3A_316 = vector.extract_strided_slice %add3A_313 {offsets = [128], sizes = [64], strides = [1]} : vector<192xf32> to vector<64xf32>
    %max3A_317 = arith.constant 1.000000e+00 : f32
    %max3A_318 = vector.broadcast %max3A_317 : f32 to vector<64xf32>
    %max3A_319 = arith.maximumf %slice3A_314, %max3A_318 : vector<64xf32>
    %div3A_320 = arith.divf %slice3A_315, %max3A_319 : vector<64xf32>
    %div3A_321 = arith.constant 1.638400e+04 : f32
    %div3A_322 = vector.broadcast %div3A_321 : f32 to vector<64xf32>
    %div3A_323 = arith.divf %slice3A_314, %div3A_322 : vector<64xf32>
    %ge3A_324 = arith.constant 0.00999999977 : f32
    %ge3A_325 = vector.broadcast %ge3A_324 : f32 to vector<64xf32>
    %ge3A_326 = arith.cmpf oge, %div3A_323, %ge3A_325 : vector<64xf32>
    %div3A_327 = arith.divf %slice3A_316, %max3A_319 : vector<64xf32>
    %gt3A_328 = arith.constant 0.00999999977 : f32
    %gt3A_329 = vector.broadcast %gt3A_328 : f32 to vector<64xf32>
    %gt3A_330 = arith.cmpf ogt, %div3A_327, %gt3A_329 : vector<64xf32>
    %and3A_331 = arith.andi %ge3A_326, %gt3A_330 : vector<64xi1>
    %jit3A_332 = arith.constant 1.000000e+00 : f32
    %jit3A_333 = arith.constant 0.000000e+00 : f32
    %broadcast_in_dim3A_334 = vector.broadcast %jit3A_332 : f32 to vector<64xf32>
    %broadcast_in_dim3A_335 = vector.broadcast %jit3A_333 : f32 to vector<64xf32>
    %select_n3A_336 = arith.select %and3A_331, %broadcast_in_dim3A_334, %broadcast_in_dim3A_335 : vector<64xi1>, vector<64xf32>
    %mul3A_337 = arith.mulf %div3A_320, %select_n3A_336 : vector<64xf32>
    %reduce_sum3A_338 = vector.shape_cast %mul3A_337 : vector<64xf32> to vector<1x64xf32>
    %reduce_sum3A_339 = arith.constant dense<0.000000e+00> : vector<1xf32>
    %reduce_sum3A_340 = vector.multi_reduction <add>, %reduce_sum3A_338, %reduce_sum3A_339 [1] : vector<1x64xf32> to vector<1xf32>
    %reduce_sum3A_341 = vector.shape_cast %reduce_sum3A_340 : vector<1xf32> to vector<1x1xf32>
    %reduce_sum3A_342 = vector.extract %reduce_sum3A_341[0, 0] : f32 from vector<1x1xf32>
    %add3A_343 = arith.addf %add3A_296, %reduce_sum3A_342 : f32
    %reduce_sum3A_344 = vector.shape_cast %select_n3A_336 : vector<64xf32> to vector<1x64xf32>
    %reduce_sum3A_345 = arith.constant dense<0.000000e+00> : vector<1xf32>
    %reduce_sum3A_346 = vector.multi_reduction <add>, %reduce_sum3A_344, %reduce_sum3A_345 [1] : vector<1x64xf32> to vector<1xf32>
    %reduce_sum3A_347 = vector.shape_cast %reduce_sum3A_346 : vector<1xf32> to vector<1x1xf32>
    %reduce_sum3A_348 = vector.extract %reduce_sum3A_347[0, 0] : f32 from vector<1x1xf32>
    %add3A_349 = arith.addf %add3A_302, %reduce_sum3A_348 : f32
    %slice3A_350 = vector.extract_strided_slice %dot_general3A_27 {offsets = [28, 0], sizes = [1, 192], strides = [1, 1]} : vector<32x192xf32> to vector<1x192xf32>
    %squeeze3A_351 = vector.shape_cast %slice3A_350 : vector<1x192xf32> to vector<192xf32>
    %slice3A_352 = vector.extract_strided_slice %dot_general3A_27 {offsets = [29, 0], sizes = [1, 192], strides = [1, 1]} : vector<32x192xf32> to vector<1x192xf32>
    %squeeze3A_353 = vector.shape_cast %slice3A_352 : vector<1x192xf32> to vector<192xf32>
    %add3A_354 = arith.addf %squeeze3A_351, %squeeze3A_353 : vector<192xf32>
    %slice3A_355 = vector.extract_strided_slice %dot_general3A_27 {offsets = [30, 0], sizes = [1, 192], strides = [1, 1]} : vector<32x192xf32> to vector<1x192xf32>
    %squeeze3A_356 = vector.shape_cast %slice3A_355 : vector<1x192xf32> to vector<192xf32>
    %add3A_357 = arith.addf %add3A_354, %squeeze3A_356 : vector<192xf32>
    %slice3A_358 = vector.extract_strided_slice %dot_general3A_27 {offsets = [31, 0], sizes = [1, 192], strides = [1, 1]} : vector<32x192xf32> to vector<1x192xf32>
    %squeeze3A_359 = vector.shape_cast %slice3A_358 : vector<1x192xf32> to vector<192xf32>
    %add3A_360 = arith.addf %add3A_357, %squeeze3A_359 : vector<192xf32>
    %slice3A_361 = vector.extract_strided_slice %add3A_360 {offsets = [0], sizes = [64], strides = [1]} : vector<192xf32> to vector<64xf32>
    %slice3A_362 = vector.extract_strided_slice %add3A_360 {offsets = [64], sizes = [64], strides = [1]} : vector<192xf32> to vector<64xf32>
    %slice3A_363 = vector.extract_strided_slice %add3A_360 {offsets = [128], sizes = [64], strides = [1]} : vector<192xf32> to vector<64xf32>
    %max3A_364 = arith.constant 1.000000e+00 : f32
    %max3A_365 = vector.broadcast %max3A_364 : f32 to vector<64xf32>
    %max3A_366 = arith.maximumf %slice3A_361, %max3A_365 : vector<64xf32>
    %div3A_367 = arith.divf %slice3A_362, %max3A_366 : vector<64xf32>
    %div3A_368 = arith.constant 1.638400e+04 : f32
    %div3A_369 = vector.broadcast %div3A_368 : f32 to vector<64xf32>
    %div3A_370 = arith.divf %slice3A_361, %div3A_369 : vector<64xf32>
    %ge3A_371 = arith.constant 0.00999999977 : f32
    %ge3A_372 = vector.broadcast %ge3A_371 : f32 to vector<64xf32>
    %ge3A_373 = arith.cmpf oge, %div3A_370, %ge3A_372 : vector<64xf32>
    %div3A_374 = arith.divf %slice3A_363, %max3A_366 : vector<64xf32>
    %gt3A_375 = arith.constant 0.00999999977 : f32
    %gt3A_376 = vector.broadcast %gt3A_375 : f32 to vector<64xf32>
    %gt3A_377 = arith.cmpf ogt, %div3A_374, %gt3A_376 : vector<64xf32>
    %and3A_378 = arith.andi %ge3A_373, %gt3A_377 : vector<64xi1>
    %jit3A_379 = arith.constant 1.000000e+00 : f32
    %jit3A_380 = arith.constant 0.000000e+00 : f32
    %broadcast_in_dim3A_381 = vector.broadcast %jit3A_379 : f32 to vector<64xf32>
    %broadcast_in_dim3A_382 = vector.broadcast %jit3A_380 : f32 to vector<64xf32>
    %select_n3A_383 = arith.select %and3A_378, %broadcast_in_dim3A_381, %broadcast_in_dim3A_382 : vector<64xi1>, vector<64xf32>
    %mul3A_384 = arith.mulf %div3A_367, %select_n3A_383 : vector<64xf32>
    %reduce_sum3A_385 = vector.shape_cast %mul3A_384 : vector<64xf32> to vector<1x64xf32>
    %reduce_sum3A_386 = arith.constant dense<0.000000e+00> : vector<1xf32>
    %reduce_sum3A_387 = vector.multi_reduction <add>, %reduce_sum3A_385, %reduce_sum3A_386 [1] : vector<1x64xf32> to vector<1xf32>
    %reduce_sum3A_388 = vector.shape_cast %reduce_sum3A_387 : vector<1xf32> to vector<1x1xf32>
    %reduce_sum3A_389 = vector.extract %reduce_sum3A_388[0, 0] : f32 from vector<1x1xf32>
    %add3A_390 = arith.addf %add3A_343, %reduce_sum3A_389 : f32
    %reduce_sum3A_391 = vector.shape_cast %select_n3A_383 : vector<64xf32> to vector<1x64xf32>
    %reduce_sum3A_392 = arith.constant dense<0.000000e+00> : vector<1xf32>
    %reduce_sum3A_393 = vector.multi_reduction <add>, %reduce_sum3A_391, %reduce_sum3A_392 [1] : vector<1x64xf32> to vector<1xf32>
    %reduce_sum3A_394 = vector.shape_cast %reduce_sum3A_393 : vector<1xf32> to vector<1x1xf32>
    %reduce_sum3A_395 = vector.extract %reduce_sum3A_394[0, 0] : f32 from vector<1x1xf32>
    %add3A_396 = arith.addf %add3A_349, %reduce_sum3A_395 : f32
    %get3A_397 = arith.constant 0 : index
    %get3A_398 = memref.load %arg1[%get3A_397] : memref<2xf32, #tpu.memory_space<smem>>
    %get3A_399 = arith.constant 1 : index
    %get3A_400 = memref.load %arg1[%get3A_399] : memref<2xf32, #tpu.memory_space<smem>>
    %max3A_401 = arith.constant 1.000000e+00 : f32
    %max3A_402 = arith.maximumf %get3A_400, %max3A_401 : f32
    %div3A_403 = arith.divf %get3A_398, %max3A_402 : f32
    %max3A_404 = arith.constant 1.000000e+00 : f32
    %max3A_405 = arith.maximumf %add3A_396, %max3A_404 : f32
    %div3A_406 = arith.divf %add3A_390, %max3A_405 : f32
    %add3A_407 = arith.addf %div3A_403, %div3A_406 : f32
    %swap3A = arith.constant 0 : index
    %swap3A_408 = memref.load %arg2[%swap3A] : memref<1xf32, #tpu.memory_space<smem>>
    memref.store %add3A_407, %arg2[%swap3A] : memref<1xf32, #tpu.memory_space<smem>>
    return
  }
}

</mosaic_0001>

<sc_bundles>
// kernel: kernel.5.cloned.1.call-start
scs
__scs_entry_jumppad:
0x0: {  	(pc) =	sbr.rel $0x88, $3  }
0x1: {  	(tag) =	ssettag $0x0;
	lr =	simm.s32 $0x1  }
0x2: {  	[smem:$0x3F9B] =	sst lr;
	_ =	strace $0xD0000000  }
0x3: {  	_ = 	snop  }
0x4: {  	_ = 	snop  }
0x5: {  	_ = 	snop  }
0x6: {  	_ = 	snop  }
0x7: {  	_ = 	snop  }
__scs_overlays_trampoline_lowered:
0x8: {  	[smem:$0x3FAA] =	sst s0  }
0x9: {  	[smem:$0x3FAB] =	sst s1  }
0xa: {  	[smem:$0x3FAC] =	sst s2  }
0xb: {  	[smem:$0x3FAD] =	sst s3  }
0xc: {  	[smem:$0x3FAE] =	sst s4  }
0xd: {  	[smem:$0x3FAF] =	sst s5  }
0xe: {  	[smem:$0x3FB0] =	sst s6  }
0xf: {  	[smem:$0x3FB1] =	sst s7  }
0x10: {  	[smem:$0x3FB2] =	sst s8  }
0x11: {  	[smem:$0x3FB3] =	sst s9;
	s0 =	simm.s32 @!p0 $0x0  }
0x12: {  	s1 =	sld [smem:$0x3F99];
	s0 =	simm.s32 @p0 $0x1  }
0x13: {  	[smem:$0x3FB4] =	sst s0;
	s0 =	simm.s32 @!p1 $0x0  }
0x14: {  	s2 =	sld [smem:$0x3F98];
	s0 =	simm.s32 @p1 $0x1  }
0x15: {  	[smem:$0x3FB5] =	sst s0;
	s0 =	simm.s32 @!p2 $0x0  }
0x16: {  	s3 =	sld [smem:$0x3FDB];
	s0 =	simm.s32 @p2 $0x1  }
0x17: {  	s4 =	simm.s32 $0x1BF5;
	[smem:$0x3FB7] =	sst s0  }
0x18: {  	s0 =	sld [smem:$0x3F9A];
	_ =	swait.ge [sflag:s4], $0x0  }
0x19: {  	s7 =	sld [smem:$0x3F9B]  }
0x1a: {  	s8 =	sadd.s32 $0xFFFFE003, lr  }
0x1b: {  	s9 =	sadd.s32 $0xFFFFFEF7, lr;
	s5 =	simm.s32 $0xFFFFFFFF;
	p2 =	slt.u32 s8, $0xFFFFF086  }
0x1c: {  	p1 =	slt.u32 s9, $0xF7A;
	s5 =	simm.s32 @!p2 $0x0  }
0x1d: {  	s5 =	simm.s32 @p1 $0x1;
	p0 =	seq.s32 s7, s2  }
0x1e: {  	s7 =	smul.u32 @!p0 $0xF7A, s2;
	p2 =	seq.s32 @!p0 s5, $0x0  }
0x1f: {  	s9 =	smul.u32 $0xF7A, s1;
	s8 =	simm.s32 @!p0 $0x1BF5;
	p2 =	por !p2, p0  }
0x20: {  	[sflag:s8] =	ssyncset.s32 @!p0 $0xFFFFF086;
	s6 =	sadd.s32 @!p0 s3, s7;
	s7 =	simm.s32 @!p0 $0x108  }
0x21: {  	s3 =	sadd.s32 s3, s9;
	s6 =	sadd.s32 @!p0 $0x88, s6;
	s7 =	simm.s32 @p2 $0x1082  }
0x22: {  	[simem:s7], [sflag:s8] =	dma.local @!p0 [hbm:s6], $0xF7A  }
0x23: {  	s9 =	sor.u32 $0xD0000000, s2;
	s6 =	simm.s32 $0x108;
	_ =	swait.ge @!p0 [sflag:s8], $0x0  }
0x24: {  	s3 =	sadd.s32 $0x88, s3;
	s6 =	simm.s32 @!p1 $0x1082;
	[sflag:s4] =	ssyncset.s32 $0xFFFFF086  }
0x25: {  	[simem:s6], [sflag:s4] =	dma.local [hbm:s3], $0xF7A  }
0x26: {  	[smem:$0x3F9B] =	sst s1;
	(tag) =	ssettag s2;
	_ =	strace s9  }
0x27: {  	s1 =	sld [smem:$0x3FAB]  }
0x28: {  	s2 =	sld [smem:$0x3FAC]  }
0x29: {  	s4 =	sld [smem:$0x3FAE]  }
0x2a: {  	p0 =	seq.s32 s5, $0x0;
	s5 =	sld [smem:$0x3FAF]  }
0x2b: {  	s6 =	sld [smem:$0x3FB0]  }
0x2c: {  	s7 =	sld [smem:$0x3FB1]  }
0x2d: {  	s3 =	simm.s32 $0x108;
	s8 =	sld [smem:$0x3FB2]  }
0x2e: {  	s3 =	simm.s32 @!p0 $0x1082;
	s9 =	sld [smem:$0x3FB3]  }
0x2f: {  	lr =	sadd.s32 s0, s3;
	s0 =	sld [smem:$0x3FAA]  }
0x30: {  	s3 =	sld [smem:$0x3FAD]  }
0x31: {  	[smem:$0x3FB6] =	sst s10  }
0x32: {  	s10 =	sld [smem:$0x3FB4];
	_ =	sdelay $0x3  }
0x33: {  	p0 =	seq.s32 s10, $0x1;
	s10 =	sld [smem:$0x3FB6];
	_ =	sdelay $0x3  }
0x34: {  	[smem:$0x3FB6] =	sst s10  }
0x35: {  	s10 =	sld [smem:$0x3FB5];
	_ =	sdelay $0x3  }
0x36: {  	p1 =	seq.s32 s10, $0x1;
	s10 =	sld [smem:$0x3FB6];
	_ =	sdelay $0x3  }
0x37: {  	[smem:$0x3FB6] =	sst s10  }
0x38: {  	s10 =	sld [smem:$0x3FB7]  }
0x39: {  	_ = 	snop;
	(pc) =	sbr.ind lr, $3  }
0x3a: {  	_ = 	snop  }
0x3b: {  	_ = 	snop  }
0x3c: {  	p2 =	seq.s32 s10, $0x1;
	s10 =	sld [smem:$0x3FB6]  }
0x3d: {  	_ =	shalt  }
0x3e: {  	_ =	shalt  }
0x3f: {  	_ =	shalt  }
0x40: {  	_ =	shalt  }
0x41: {  	_ =	shalt  }
0x42: {  	_ =	shalt  }
0x43: {  	_ =	shalt  }
0x44: {  	_ =	shalt  }
0x45: {  	_ =	shalt  }
0x46: {  	_ =	shalt  }
0x47: {  	_ =	shalt  }
0x48: {  	_ =	shalt  }
0x49: {  	_ =	shalt  }
0x4a: {  	_ =	shalt  }
0x4b: {  	_ =	shalt  }
0x4c: {  	_ =	shalt  }
0x4d: {  	_ =	shalt  }
0x4e: {  	_ =	shalt  }
0x4f: {  	_ =	shalt  }
0x50: {  	_ =	shalt  }
0x51: {  	_ =	shalt  }
0x52: {  	_ =	shalt  }
0x53: {  	_ =	shalt  }
0x54: {  	_ =	shalt  }
0x55: {  	_ =	shalt  }
0x56: {  	_ =	shalt  }
0x57: {  	_ =	shalt  }
0x58: {  	_ =	shalt  }
0x59: {  	_ =	shalt  }
0x5a: {  	_ =	shalt  }
0x5b: {  	_ =	shalt  }
0x5c: {  	_ =	shalt  }
0x5d: {  	_ =	shalt  }
0x5e: {  	_ =	shalt  }
0x5f: {  	_ =	shalt  }
0x60: {  	_ =	shalt  }
0x61: {  	_ =	shalt  }
0x62: {  	_ =	shalt  }
0x63: {  	_ =	shalt  }
0x64: {  	_ =	shalt  }
0x65: {  	_ =	shalt  }
0x66: {  	_ =	shalt  }
0x67: {  	_ =	shalt  }
0x68: {  	_ =	shalt  }
0x69: {  	_ =	shalt  }
0x6a: {  	_ =	shalt  }
0x6b: {  	_ =	shalt  }
0x6c: {  	_ =	shalt  }
0x6d: {  	_ =	shalt  }
0x6e: {  	_ =	shalt  }
0x6f: {  	_ =	shalt  }
0x70: {  	_ =	shalt  }
0x71: {  	_ =	shalt  }
0x72: {  	_ =	shalt  }
0x73: {  	_ =	shalt  }
0x74: {  	_ =	shalt  }
0x75: {  	_ =	shalt  }
0x76: {  	_ =	shalt  }
0x77: {  	_ =	shalt  }
0x78: {  	_ =	shalt  }
0x79: {  	_ =	shalt  }
0x7a: {  	_ =	shalt  }
0x7b: {  	_ =	shalt  }
0x7c: {  	_ =	shalt  }
0x7d: {  	_ =	shalt  }
0x7e: {  	_ =	shalt  }
0x7f: {  	_ =	shalt  }
0x80: {  	_ =	shalt  }
0x81: {  	_ =	shalt  }
0x82: {  	_ =	shalt  }
0x83: {  	_ =	shalt  }
0x84: {  	_ =	shalt  }
0x85: {  	_ =	shalt  }
0x86: {  	_ =	shalt  }
0x87: {  	_ =	shalt  }
.Lfunc_end0:
.L_simem_size_0:
called_computation_lowered:
.L_overlay_start_0:
0x88: {  	s2 =	sld [smem:$0x3FD9]  }
0x89: {  	s3 =	sld [smem:$0x3FFE];
	_ =	sdelay $0x1  }
0x8a: {  	s1 =	srdreg.scid  }
0x8b: {  	s0 =	sand.u32 $0x1, s1  }
0x8c: {  	s16 =	sshll.u32 s0, $0xA;
	s2 =	sadd.s32 s3, s2  }
0x8d: {  	s2 =	sadd.s32 s2, s16  }
0x8e: {  	[smem:$0x3FC2] =	sst s2  }
0x8f: {  	_ = 	snop  }
0x90: {  	(tm) =	ssettm $0x1  }
0x91: {  	s17 =	sld [smem:$0x3FFB];
	_ =	sdelay $0x3  }
0x92: {  	_ =	strace s17  }
0x93: {  	s2 =	sld [smem:$0x3FFC];
	_ =	sdelay $0x3  }
0x94: {  	_ =	strace s2  }
0x95: {  	s2 =	sld [smem:$0x3FFD];
	_ =	sdelay $0x3  }
0x96: {  	_ =	strace s2  }
0x97: {  	_ =	strace $0x8FFFFFFF  }
0x98: {  	s18 =	sld [smem:$0x3FDB];
	_ =	sdelay $0x1  }
0x99: {  	s19 =	simm.s32 $_scs_section_size  }
0x9a: {  	s4 =	simm.s32 $_size__tile_overlayer_lowered;
	s5 =	simm.s32 $_tile_overlayer_lowered  }
0x9b: {  	s22 =	simm.s32 $0x1BFF;
	s21 =	sshll.u32 s5, $0x1;
	s2 =	sadd.s32 s19, s18  }
0x9c: {  	s6 =	simm.s32 $0x0;
	s20 =	sshll.u32 s4, $0x1;
	s4 =	sadd.s32 s21, s2  }
0x9d: {  	[timem:s6], [sflag:s22] =	dma.local [hbm:s4], s20  }
0x9e: {  	_ =	swait.ge [sflag:s22], s20  }
0x9f: {  	s3 =	ssub.s32 $0x0, s20;
	[sflag:s22] =	ssyncset.done $0x0  }
0xa0: {  	[sflag:s22] =	ssyncadd.s32 s3;
	_ =	sdelay $0x1  }
0xa1: {  	s23 =	simm.s32 $0x1B8B  }
0xa2: {  	_ =	swait.ge [sflag:s23], $0x1  }
0xa3: {  	[sflag:s23] =	ssyncset.done $0x0  }
0xa4: {  	s25 =	simm.s32 $0x1B8E;
	s24 =	sld [smem:$0x3FFE];
	[sflag:s23] =	ssyncadd.s32 $0xFFFFFFFF  }
0xa5: {  	s26 =	simm.s32 $execute0_lowered;
	[smem:$0x3FD2] =	sst s25  }
0xa6: {  	s4 =	sshll.u32 s26, $0x1;
	_ =	strace $0x80000046;
	[dreg:$0x1] =	wrdreg $0xFFFFFFFF  }
0xa7: {  	s28 =	simm.s32 $_size_execute0_lowered;
	s2 =	sadd.s32 s2, s4;
	[dreg:$0x0] =	wrdreg $0x0  }
0xa8: {  	s4 =	sshll.u32 s28, $0x1;
	[dreg:$0x2] =	wrdreg s2  }
0xa9: {  	[dreg:$0x3] =	wrdreg s4  }
0xaa: {  	[dreg:$0x4] =	wrdreg $0xC0  }
0xab: {  	_ =	task [dreg:s6], $0x5FFFF  }
0xac: {  	[dreg:$0x1] =	wrdreg $0xFFFFFFFF  }
0xad: {  	[dreg:$0x0] =	wrdreg $0x60  }
0xae: {  	[dreg:$0x2] =	wrdreg s24  }
0xaf: {  	[dreg:$0x3] =	wrdreg $0x9  }
0xb0: {  	_ =	task.clear_ibuf [dreg:s6], $0x4FFFF;
	_ =	strace $0x90000046  }
0xb1: {  	s29 =	simm.s32 $0x9;
	_ =	strace $0x80000048  }
0xb2: {  	_ =	swait.ge [sflag:s29], $0x1  }
0xb3: {  	[sflag:s29] =	ssyncadd.s32 $0xFFFFFFFF  }
0xb4: {  	_ =	strace $0x90000048  }
0xb5: {  	_ =	sfence  }
0xb6: {  	s30 =	sld [smem:$0x0];
	_ =	sdelay $0x2  }
0xb7: {  	s31 =	sshll.u32 s1, $0xD;
	s1 =	sshrl.u32 s1, $0x2  }
0xb8: {  	s3 =	sand.u32 $0x4000, s31;
	s1 =	sadd.s32 s1, s30  }
0xb9: {  	s0 =	sor.u32 s3, s0;
	s1 =	sshll.u32 s1, $0x11  }
0xba: {  	s0 =	sor.u32 s1, s0  }
0xbb: {  	s0 =	sadd.s32 $0x8F2B, s0  }
0xbc: {  	[sflag:s0] =	ssyncadd.remote.s32 $0x1  }
0xbd: {  	_ =	sfence.sel $0xFFFF  }
0xbe: {  	[dreg:$0x0] =	wrdreg $0xFFFFFFFF;
	(pc) =	sbr.abs _section_cstart, $3  }
0xbf: {  	[dreg:$0x1] =	wrdreg $0xFFFFFFFF  }
0xc0: {  	_ =	task.clear_ibuf [dreg:s6], $0x2FFFF;
	_ =	strace $0x9FFFFFFF  }
0xc1: {  	(tm) =	ssettm $0x7FFFFFFF  }
tec
execute0_lowered:
.L_overlay_start_1:
0x0: {  	(tag) =	ssettag $0x1  }
0x1: {  	s3 =	rddreg [dreg:$0x0]  }
0x2: {  	s0 =	rddreg [dreg:$0x1]  }
0x3: {  	s4 =	srdreg.scid;
	s1 =	stileid.u32  }
0x4: {  	s2 =	simm.s32 $0x0;
	s9 =	simm.s32 $0x8000;
	s10 =	simm.s32 $0x1  }
0x5: {  	s11 =	simm.s32 $0x9000;
	s12 =	simm.s32 $0x80;
	s13 =	simm.s32 $0x400  }
0x6: {  	s14 =	simm.s32 $0x2;
	s15 =	simm.s32 $0x0;
	s4 =	sand.u32 $0x1, s4  }
0x7: {  	s5 =	sshll.u32 s1, $0x1;
	[smem:$0x7FF] =	sst s2;
	s6 =	sshrl.u32 s1, $0x2  }
0x8: {  	s5 =	sor.u32 s4, s5;
	s6 =	smul.u32 $0x6000, s6;
	_ =	strace $0x80000047  }
0x9: {  	v0 =	vlaneseq.u32;
	s4 =	ssub.s32 $0x2, s4;
	s7 =	sshll.u32 s5, $0xB;
	s8 =	sshll.u32 s5, $0x7  }
0xa: {  	v1 =	vmul.u32 $0x4, v0;
	s5 =	sshll.u32 s5, $0x9;
	s31 =	sshrl.u32 s4, $0x1;
	s8 =	sand.u32 $0x380, s8  }
0xb: {  	v2 =	vimm.f32 $0.0e+00;
	v3 =	vimm.f32 $1.000000000e+00;
	s7 =	sadd.s32 s7, s3;
	s5 =	sadd.s32 s5, s3;
	s6 =	sor.u32 s6, s8  }
0xc: {  	v4 =	vor.u32 $0x400, v0;
	v5 =	vor.u32 $0x800, v0;
	v6 =	vor.u32 $0x40, v1;
	s8 =	ssub.s32 s4, s31;
	s4 =	sadd.s32 $0x11200, s7;
	s6 =	sshrl.u32 s6, $0x3  }
0xd: {  	v7 =	vor.u32 $0x400, v1;
	v8 =	vor.u32 $0x440, v1;
	v9 =	vor.u32 $0x800, v1;
	s5 =	sadd.s32 $0x21200, s5;
	s6 =	sadd.s32 s6, s3;
	s3 =	sadd.s32 $0x1200, s7  }
0xe: {  	v10 =	vor.u32 $0x840, v1;
	v11 =	vor.u32 $0xC00, v1;
	v12 =	vor.u32 $0xC40, v1;
	s7 =	smax.u32 s8, $0x1;
	s8 =	simm.s32 $0x4000;
	s6 =	sadd.s32 $0x25200, s6  }
.LBB2_1:
0xf: {  	[tilespmem:s2], [sflag:$0x1] =	stream.linear.gather [hbm4b:s3+s2], $0x4000, $0x38;
	[tilespmem:$0x9C00] =	vst v63  }
0x10: {  	_ = 	snop  }
0x11: {  	[tilespmem:s8], [sflag:$0x1] =	stream.linear.gather [hbm4b:s4+s2], $0x4000, $0x38;
	[tilespmem:$0x9C00] =	vst v63  }
0x12: {  	_ = 	snop  }
0x13: {  	[tilespmem:s9], [sflag:$0x1] =	stream.linear.gather [hbm4b:s5+s2], $0x1000, $0x38;
	[tilespmem:$0x9C00] =	vst v63  }
0x14: {  	[tilespmem:$0x9000] =	vst v2  }
0x15: {  	[tilespmem:$0x9010] =	vst v2  }
0x16: {  	[tilespmem:$0x9020] =	vst v2  }
0x17: {  	[tilespmem:$0x9030] =	vst v2  }
0x18: {  	[tilespmem:$0x9040] =	vst v2  }
0x19: {  	[tilespmem:$0x9050] =	vst v2  }
0x1a: {  	[tilespmem:$0x9060] =	vst v2  }
0x1b: {  	[tilespmem:$0x9070] =	vst v2  }
0x1c: {  	[tilespmem:$0x9080] =	vst v2  }
0x1d: {  	[tilespmem:$0x9090] =	vst v2  }
0x1e: {  	[tilespmem:$0x90A0] =	vst v2  }
0x1f: {  	[tilespmem:$0x90B0] =	vst v2  }
0x20: {  	[tilespmem:$0x90C0] =	vst v2  }
0x21: {  	[tilespmem:$0x90D0] =	vst v2  }
0x22: {  	[tilespmem:$0x90E0] =	vst v2  }
0x23: {  	[tilespmem:$0x90F0] =	vst v2  }
0x24: {  	[tilespmem:$0x9100] =	vst v2  }
0x25: {  	[tilespmem:$0x9110] =	vst v2  }
0x26: {  	[tilespmem:$0x9120] =	vst v2  }
0x27: {  	[tilespmem:$0x9130] =	vst v2  }
0x28: {  	[tilespmem:$0x9140] =	vst v2  }
0x29: {  	[tilespmem:$0x9150] =	vst v2  }
0x2a: {  	[tilespmem:$0x9160] =	vst v2  }
0x2b: {  	[tilespmem:$0x9170] =	vst v2  }
0x2c: {  	[tilespmem:$0x9180] =	vst v2  }
0x2d: {  	[tilespmem:$0x9190] =	vst v2  }
0x2e: {  	[tilespmem:$0x91A0] =	vst v2  }
0x2f: {  	[tilespmem:$0x91B0] =	vst v2  }
0x30: {  	[tilespmem:$0x91C0] =	vst v2  }
0x31: {  	[tilespmem:$0x91D0] =	vst v2  }
0x32: {  	[tilespmem:$0x91E0] =	vst v2  }
0x33: {  	[tilespmem:$0x91F0] =	vst v2  }
0x34: {  	[tilespmem:$0x9200] =	vst v2  }
0x35: {  	[tilespmem:$0x9210] =	vst v2  }
0x36: {  	[tilespmem:$0x9220] =	vst v2  }
0x37: {  	[tilespmem:$0x9230] =	vst v2  }
0x38: {  	[tilespmem:$0x9240] =	vst v2  }
0x39: {  	[tilespmem:$0x9250] =	vst v2  }
0x3a: {  	[tilespmem:$0x9260] =	vst v2  }
0x3b: {  	[tilespmem:$0x9270] =	vst v2  }
0x3c: {  	[tilespmem:$0x9280] =	vst v2  }
0x3d: {  	[tilespmem:$0x9290] =	vst v2  }
0x3e: {  	[tilespmem:$0x92A0] =	vst v2  }
0x3f: {  	[tilespmem:$0x92B0] =	vst v2  }
0x40: {  	[tilespmem:$0x92C0] =	vst v2  }
0x41: {  	[tilespmem:$0x92D0] =	vst v2  }
0x42: {  	[tilespmem:$0x92E0] =	vst v2  }
0x43: {  	[tilespmem:$0x92F0] =	vst v2  }
0x44: {  	[tilespmem:$0x9300] =	vst v2  }
0x45: {  	[tilespmem:$0x9310] =	vst v2  }
0x46: {  	[tilespmem:$0x9320] =	vst v2  }
0x47: {  	[tilespmem:$0x9330] =	vst v2  }
0x48: {  	[tilespmem:$0x9340] =	vst v2  }
0x49: {  	[tilespmem:$0x9350] =	vst v2  }
0x4a: {  	[tilespmem:$0x9360] =	vst v2  }
0x4b: {  	[tilespmem:$0x9370] =	vst v2  }
0x4c: {  	[tilespmem:$0x9380] =	vst v2  }
0x4d: {  	[tilespmem:$0x9390] =	vst v2  }
0x4e: {  	[tilespmem:$0x93A0] =	vst v2  }
0x4f: {  	[tilespmem:$0x93B0] =	vst v2  }
0x50: {  	[tilespmem:$0x93C0] =	vst v2  }
0x51: {  	[tilespmem:$0x93D0] =	vst v2  }
0x52: {  	[tilespmem:$0x93E0] =	vst v2  }
0x53: {  	[tilespmem:$0x93F0] =	vst v2  }
0x54: {  	[tilespmem:$0x9400] =	vst v2  }
0x55: {  	[tilespmem:$0x9410] =	vst v2  }
0x56: {  	[tilespmem:$0x9420] =	vst v2  }
0x57: {  	[tilespmem:$0x9430] =	vst v2  }
0x58: {  	[tilespmem:$0x9440] =	vst v2  }
0x59: {  	[tilespmem:$0x9450] =	vst v2  }
0x5a: {  	[tilespmem:$0x9460] =	vst v2  }
0x5b: {  	[tilespmem:$0x9470] =	vst v2  }
0x5c: {  	[tilespmem:$0x9480] =	vst v2  }
0x5d: {  	[tilespmem:$0x9490] =	vst v2  }
0x5e: {  	[tilespmem:$0x94A0] =	vst v2  }
0x5f: {  	[tilespmem:$0x94B0] =	vst v2  }
0x60: {  	[tilespmem:$0x94C0] =	vst v2  }
0x61: {  	[tilespmem:$0x94D0] =	vst v2  }
0x62: {  	[tilespmem:$0x94E0] =	vst v2  }
0x63: {  	[tilespmem:$0x94F0] =	vst v2  }
0x64: {  	[tilespmem:$0x9500] =	vst v2  }
0x65: {  	[tilespmem:$0x9510] =	vst v2  }
0x66: {  	[tilespmem:$0x9520] =	vst v2  }
0x67: {  	[tilespmem:$0x9530] =	vst v2  }
0x68: {  	[tilespmem:$0x9540] =	vst v2  }
0x69: {  	[tilespmem:$0x9550] =	vst v2  }
0x6a: {  	[tilespmem:$0x9560] =	vst v2  }
0x6b: {  	[tilespmem:$0x9570] =	vst v2  }
0x6c: {  	[tilespmem:$0x9580] =	vst v2  }
0x6d: {  	[tilespmem:$0x9590] =	vst v2  }
0x6e: {  	[tilespmem:$0x95A0] =	vst v2  }
0x6f: {  	[tilespmem:$0x95B0] =	vst v2  }
0x70: {  	[tilespmem:$0x95C0] =	vst v2  }
0x71: {  	[tilespmem:$0x95D0] =	vst v2  }
0x72: {  	[tilespmem:$0x95E0] =	vst v2  }
0x73: {  	[tilespmem:$0x95F0] =	vst v2  }
0x74: {  	[tilespmem:$0x9600] =	vst v2  }
0x75: {  	[tilespmem:$0x9610] =	vst v2  }
0x76: {  	[tilespmem:$0x9620] =	vst v2  }
0x77: {  	[tilespmem:$0x9630] =	vst v2  }
0x78: {  	[tilespmem:$0x9640] =	vst v2  }
0x79: {  	[tilespmem:$0x9650] =	vst v2  }
0x7a: {  	[tilespmem:$0x9660] =	vst v2  }
0x7b: {  	[tilespmem:$0x9670] =	vst v2  }
0x7c: {  	[tilespmem:$0x9680] =	vst v2  }
0x7d: {  	[tilespmem:$0x9690] =	vst v2  }
0x7e: {  	[tilespmem:$0x96A0] =	vst v2  }
0x7f: {  	[tilespmem:$0x96B0] =	vst v2  }
0x80: {  	[tilespmem:$0x96C0] =	vst v2  }
0x81: {  	[tilespmem:$0x96D0] =	vst v2  }
0x82: {  	[tilespmem:$0x96E0] =	vst v2  }
0x83: {  	[tilespmem:$0x96F0] =	vst v2  }
0x84: {  	[tilespmem:$0x9700] =	vst v2  }
0x85: {  	[tilespmem:$0x9710] =	vst v2  }
0x86: {  	[tilespmem:$0x9720] =	vst v2  }
0x87: {  	[tilespmem:$0x9730] =	vst v2  }
0x88: {  	[tilespmem:$0x9740] =	vst v2  }
0x89: {  	[tilespmem:$0x9750] =	vst v2  }
0x8a: {  	[tilespmem:$0x9760] =	vst v2  }
0x8b: {  	[tilespmem:$0x9770] =	vst v2  }
0x8c: {  	[tilespmem:$0x9780] =	vst v2  }
0x8d: {  	[tilespmem:$0x9790] =	vst v2  }
0x8e: {  	[tilespmem:$0x97A0] =	vst v2  }
0x8f: {  	[tilespmem:$0x97B0] =	vst v2  }
0x90: {  	[tilespmem:$0x97C0] =	vst v2  }
0x91: {  	[tilespmem:$0x97D0] =	vst v2  }
0x92: {  	[tilespmem:$0x97E0] =	vst v2  }
0x93: {  	[tilespmem:$0x97F0] =	vst v2  }
0x94: {  	[tilespmem:$0x9800] =	vst v2  }
0x95: {  	[tilespmem:$0x9810] =	vst v2  }
0x96: {  	[tilespmem:$0x9820] =	vst v2  }
0x97: {  	[tilespmem:$0x9830] =	vst v2  }
0x98: {  	[tilespmem:$0x9840] =	vst v2  }
0x99: {  	[tilespmem:$0x9850] =	vst v2  }
0x9a: {  	[tilespmem:$0x9860] =	vst v2  }
0x9b: {  	[tilespmem:$0x9870] =	vst v2  }
0x9c: {  	[tilespmem:$0x9880] =	vst v2  }
0x9d: {  	[tilespmem:$0x9890] =	vst v2  }
0x9e: {  	[tilespmem:$0x98A0] =	vst v2  }
0x9f: {  	[tilespmem:$0x98B0] =	vst v2  }
0xa0: {  	[tilespmem:$0x98C0] =	vst v2  }
0xa1: {  	[tilespmem:$0x98D0] =	vst v2  }
0xa2: {  	[tilespmem:$0x98E0] =	vst v2  }
0xa3: {  	[tilespmem:$0x98F0] =	vst v2  }
0xa4: {  	[tilespmem:$0x9900] =	vst v2  }
0xa5: {  	[tilespmem:$0x9910] =	vst v2  }
0xa6: {  	[tilespmem:$0x9920] =	vst v2  }
0xa7: {  	[tilespmem:$0x9930] =	vst v2  }
0xa8: {  	[tilespmem:$0x9940] =	vst v2  }
0xa9: {  	[tilespmem:$0x9950] =	vst v2  }
0xaa: {  	[tilespmem:$0x9960] =	vst v2  }
0xab: {  	[tilespmem:$0x9970] =	vst v2  }
0xac: {  	[tilespmem:$0x9980] =	vst v2  }
0xad: {  	[tilespmem:$0x9990] =	vst v2  }
0xae: {  	[tilespmem:$0x99A0] =	vst v2  }
0xaf: {  	[tilespmem:$0x99B0] =	vst v2  }
0xb0: {  	[tilespmem:$0x99C0] =	vst v2  }
0xb1: {  	[tilespmem:$0x99D0] =	vst v2  }
0xb2: {  	[tilespmem:$0x99E0] =	vst v2  }
0xb3: {  	[tilespmem:$0x99F0] =	vst v2  }
0xb4: {  	[tilespmem:$0x9A00] =	vst v2  }
0xb5: {  	[tilespmem:$0x9A10] =	vst v2  }
0xb6: {  	[tilespmem:$0x9A20] =	vst v2  }
0xb7: {  	[tilespmem:$0x9A30] =	vst v2  }
0xb8: {  	[tilespmem:$0x9A40] =	vst v2  }
0xb9: {  	[tilespmem:$0x9A50] =	vst v2  }
0xba: {  	[tilespmem:$0x9A60] =	vst v2  }
0xbb: {  	[tilespmem:$0x9A70] =	vst v2  }
0xbc: {  	[tilespmem:$0x9A80] =	vst v2  }
0xbd: {  	[tilespmem:$0x9A90] =	vst v2  }
0xbe: {  	[tilespmem:$0x9AA0] =	vst v2  }
0xbf: {  	[tilespmem:$0x9AB0] =	vst v2  }
0xc0: {  	[tilespmem:$0x9AC0] =	vst v2  }
0xc1: {  	[tilespmem:$0x9AD0] =	vst v2  }
0xc2: {  	[tilespmem:$0x9AE0] =	vst v2  }
0xc3: {  	[tilespmem:$0x9AF0] =	vst v2  }
0xc4: {  	[tilespmem:$0x9B00] =	vst v2  }
0xc5: {  	[tilespmem:$0x9B10] =	vst v2  }
0xc6: {  	[tilespmem:$0x9B20] =	vst v2  }
0xc7: {  	[tilespmem:$0x9B30] =	vst v2  }
0xc8: {  	[tilespmem:$0x9B40] =	vst v2  }
0xc9: {  	[tilespmem:$0x9B50] =	vst v2  }
0xca: {  	[tilespmem:$0x9B60] =	vst v2  }
0xcb: {  	[tilespmem:$0x9B70] =	vst v2  }
0xcc: {  	[tilespmem:$0x9B80] =	vst v2  }
0xcd: {  	[tilespmem:$0x9B90] =	vst v2  }
0xce: {  	[tilespmem:$0x9BA0] =	vst v2  }
0xcf: {  	[tilespmem:$0x9BB0] =	vst v2  }
0xd0: {  	[tilespmem:$0x9BC0] =	vst v2  }
0xd1: {  	[tilespmem:$0x9BD0] =	vst v2  }
0xd2: {  	[tilespmem:$0x9BE0] =	vst v2  }
0xd3: {  	s16 =	simm.s32 $0x1;
	[tilespmem:$0x9BF0] =	vst v2  }
0xd4: {  	v13 =	vmov s16;
	_ =	swait.ge [sflag:s10], $0x4000  }
0xd5: {  	v14 =	vshll.u32 v13, $0x9;
	v13 =	vshll.u32 v13, $0x7;
	[sflag:s10] =	ssyncset.done $0x0  }
0xd6: {  	v14 =	vand.u32 $0x3000, v14;
	v13 =	vand.u32 $0x380, v13;
	[sflag:s10] =	ssyncadd.s32 $0xFFFFC000  }
0xd7: {  	v18 =	vor.u32 v13, v14;
	_ =	swait.ge [sflag:s10], $0x4000  }
0xd8: {  	v13 =	vor.u32 v1, v18;
	[sflag:s10] =	ssyncset.done $0x0  }
0xd9: {  	[sflag:s10] =	ssyncadd.s32 $0xFFFFC000  }
0xda: {  	v14 =	vmov s2;
	_ =	swait.ge [sflag:s10], $0x1000  }
0xdb: {  	v16 =	vshll.u32 v14, $0x9;
	v14 =	vshll.u32 v14, $0x7;
	[sflag:s10] =	ssyncset.done $0x0  }
0xdc: {  	v15 =	vand.u32 $0x3000, v16;
	v17 =	vand.u32 $0x300, v14;
	[sflag:s10] =	ssyncadd.s32 $0xFFFFF000  }
0xdd: {  	v20 =	vor.u32 v17, v15;
	v15 =	vld.idx.msk [tilespmem:v13+s2+$0x0], $0xffff  }
0xde: {  	v14 =	vor.u32 v1, v20;
	_ =	sdelay $0x3  }
0xdf: {  	v15 =	vtrunc.f32 v15  }
0xe0: {  	v19 =	vld.idx.msk [tilespmem:v14+s2+$0x0], $0xffff;
	v15 =	vcvt.f32.s32 v15;
	_ =	sdelay $0x1  }
0xe1: {  	v13 =	vld.idx.msk [tilespmem:v13+s8+$0x0], $0xffff;
	v15 =	vshll.u32 v15, $0x4  }
0xe2: {  	s17 =	simm.s32 $0x8080;
	v21 =	vor.u32 v0, v15  }
0xe3: {  	v22 =	vld [tilespmem:s17+$0x0];
	v23 =	vadd.s32 v4, v15  }
0xe4: {  	v19 =	vtrunc.f32 v19;
	v15 =	vadd.s32 v5, v15  }
0xe5: {  	v24 =	vor.u32 v6, v18;
	v14 =	vld.idx.msk [tilespmem:v14+s8+$0x0], $0xffff;
	v19 =	vcvt.f32.s32 v19  }
0xe6: {  	v25 =	vld [tilespmem:s17+$0xFFFFFF80];
	vm0 =	vgt.f32 v13, $0.0e+00;
	vm1 =	vlt.f32 v13, $5.000000000e-01  }
0xe7: {  	vm0 =	vmand vm0, vm1;
	v19 =	vshll.u32 v19, $0x4;
	[tilespmem:v21+s11+$0x0] =	vst.idx.add.f32.msk $0xffff, v3  }
0xe8: {  	v26 =	vsel vm0, $0x3F800000, v2;
	v13 =	vor.u32 v0, v19;
	[tilespmem:v23+s11+$0x0] =	vst.idx.add.f32.msk $0xffff, v22  }
0xe9: {  	v21 =	vadd.s32 v4, v19;
	[tilespmem:v15+s11+$0x0] =	vst.idx.add.f32.msk $0xffff, v26  }
0xea: {  	v19 =	vadd.s32 v5, v19;
	v22 =	vld.idx.msk [tilespmem:v24+s2+$0x0], $0xffff  }
0xeb: {  	v15 =	vor.u32 v6, v20  }
0xec: {  	vm14 =	vgt.f32 v14, $0.0e+00;
	vm15 =	vlt.f32 v14, $5.000000000e-01  }
0xed: {  	vm0 =	vmand vm14, vm15;
	[tilespmem:v13+s11+$0x0] =	vst.idx.add.f32.msk $0xffff, v3  }
0xee: {  	v13 =	vsel vm0, $0x3F800000, v2;
	[tilespmem:v21+s11+$0x0] =	vst.idx.add.f32.msk $0xffff, v25  }
0xef: {  	[tilespmem:v19+s11+$0x0] =	vst.idx.add.f32.msk $0xffff, v13;
	v14 =	vtrunc.f32 v22  }
0xf0: {  	v13 =	vld.idx.msk [tilespmem:v15+s2+$0x0], $0xffff;
	v14 =	vcvt.f32.s32 v14;
	_ =	sdelay $0x1  }
0xf1: {  	v19 =	vld.idx.msk [tilespmem:v24+s8+$0x0], $0xffff;
	v14 =	vshll.u32 v14, $0x4  }
0xf2: {  	v21 =	vor.u32 v0, v14  }
0xf3: {  	v22 =	vld [tilespmem:s17+$0x10];
	v23 =	vadd.s32 v4, v14  }
0xf4: {  	v13 =	vtrunc.f32 v13;
	v14 =	vadd.s32 v5, v14  }
0xf5: {  	v24 =	vor.u32 v7, v18;
	v15 =	vld.idx.msk [tilespmem:v15+s8+$0x0], $0xffff;
	v13 =	vcvt.f32.s32 v13  }
0xf6: {  	v25 =	vld [tilespmem:s17+$0xFFFFFF90];
	vm4 =	vgt.f32 v19, $0.0e+00;
	vm5 =	vlt.f32 v19, $5.000000000e-01  }
0xf7: {  	vm0 =	vmand vm4, vm5;
	v13 =	vshll.u32 v13, $0x4;
	[tilespmem:v21+s11+$0x0] =	vst.idx.add.f32.msk $0xffff, v3  }
0xf8: {  	v26 =	vsel vm0, $0x3F800000, v2;
	v19 =	vor.u32 v0, v13;
	[tilespmem:v23+s11+$0x0] =	vst.idx.add.f32.msk $0xffff, v22  }
0xf9: {  	v21 =	vadd.s32 v4, v13;
	[tilespmem:v14+s11+$0x0] =	vst.idx.add.f32.msk $0xffff, v26  }
0xfa: {  	v13 =	vadd.s32 v5, v13;
	v14 =	vld.idx.msk [tilespmem:v24+s2+$0x0], $0xffff  }
0xfb: {  	v22 =	vor.u32 v7, v20  }
0xfc: {  	vm6 =	vgt.f32 v15, $0.0e+00;
	vm7 =	vlt.f32 v15, $5.000000000e-01  }
0xfd: {  	vm0 =	vmand vm6, vm7;
	[tilespmem:v19+s11+$0x0] =	vst.idx.add.f32.msk $0xffff, v3  }
0xfe: {  	v15 =	vsel vm0, $0x3F800000, v2;
	[tilespmem:v21+s11+$0x0] =	vst.idx.add.f32.msk $0xffff, v25  }
0xff: {  	[tilespmem:v13+s11+$0x0] =	vst.idx.add.f32.msk $0xffff, v15;
	v14 =	vtrunc.f32 v14  }
0x100: {  	v13 =	vld.idx.msk [tilespmem:v22+s2+$0x0], $0xffff;
	v14 =	vcvt.f32.s32 v14;
	_ =	sdelay $0x1  }
0x101: {  	v15 =	vld.idx.msk [tilespmem:v24+s8+$0x0], $0xffff;
	v14 =	vshll.u32 v14, $0x4  }
0x102: {  	v19 =	vor.u32 v0, v14  }
0x103: {  	v21 =	vld [tilespmem:s17+$0x20];
	v23 =	vadd.s32 v4, v14  }
0x104: {  	v13 =	vtrunc.f32 v13;
	v14 =	vadd.s32 v5, v14  }
0x105: {  	v24 =	vor.u32 v8, v18;
	v22 =	vld.idx.msk [tilespmem:v22+s8+$0x0], $0xffff;
	v13 =	vcvt.f32.s32 v13  }
0x106: {  	v25 =	vld [tilespmem:s17+$0xFFFFFFA0];
	vm8 =	vgt.f32 v15, $0.0e+00;
	vm9 =	vlt.f32 v15, $5.000000000e-01  }
0x107: {  	vm0 =	vmand vm8, vm9;
	v13 =	vshll.u32 v13, $0x4;
	[tilespmem:v19+s11+$0x0] =	vst.idx.add.f32.msk $0xffff, v3  }
0x108: {  	v26 =	vsel vm0, $0x3F800000, v2;
	v15 =	vor.u32 v0, v13;
	[tilespmem:v23+s11+$0x0] =	vst.idx.add.f32.msk $0xffff, v21  }
0x109: {  	v19 =	vadd.s32 v4, v13;
	[tilespmem:v14+s11+$0x0] =	vst.idx.add.f32.msk $0xffff, v26  }
0x10a: {  	v13 =	vadd.s32 v5, v13;
	v14 =	vld.idx.msk [tilespmem:v24+s2+$0x0], $0xffff  }
0x10b: {  	v21 =	vor.u32 v8, v20  }
0x10c: {  	vm10 =	vgt.f32 v22, $0.0e+00;
	vm11 =	vlt.f32 v22, $5.000000000e-01  }
0x10d: {  	vm0 =	vmand vm10, vm11;
	[tilespmem:v15+s11+$0x0] =	vst.idx.add.f32.msk $0xffff, v3  }
0x10e: {  	v15 =	vsel vm0, $0x3F800000, v2;
	[tilespmem:v19+s11+$0x0] =	vst.idx.add.f32.msk $0xffff, v25  }
0x10f: {  	[tilespmem:v13+s11+$0x0] =	vst.idx.add.f32.msk $0xffff, v15;
	v14 =	vtrunc.f32 v14  }
0x110: {  	v13 =	vld.idx.msk [tilespmem:v21+s2+$0x0], $0xffff;
	v14 =	vcvt.f32.s32 v14;
	_ =	sdelay $0x1  }
0x111: {  	v15 =	vld.idx.msk [tilespmem:v24+s8+$0x0], $0xffff;
	v14 =	vshll.u32 v14, $0x4  }
0x112: {  	v19 =	vor.u32 v0, v14  }
0x113: {  	v22 =	vld [tilespmem:s17+$0x30];
	v23 =	vadd.s32 v4, v14  }
0x114: {  	v13 =	vtrunc.f32 v13;
	v14 =	vadd.s32 v5, v14  }
0x115: {  	v24 =	vor.u32 v9, v18;
	v21 =	vld.idx.msk [tilespmem:v21+s8+$0x0], $0xffff;
	v13 =	vcvt.f32.s32 v13  }
0x116: {  	v25 =	vld [tilespmem:s17+$0xFFFFFFB0];
	vm12 =	vgt.f32 v15, $0.0e+00;
	vm13 =	vlt.f32 v15, $5.000000000e-01  }
0x117: {  	vm0 =	vmand vm12, vm13;
	v13 =	vshll.u32 v13, $0x4;
	[tilespmem:v19+s11+$0x0] =	vst.idx.add.f32.msk $0xffff, v3  }
0x118: {  	v26 =	vsel vm0, $0x3F800000, v2;
	v15 =	vor.u32 v0, v13;
	[tilespmem:v23+s11+$0x0] =	vst.idx.add.f32.msk $0xffff, v22  }
0x119: {  	v19 =	vadd.s32 v4, v13;
	[tilespmem:v14+s11+$0x0] =	vst.idx.add.f32.msk $0xffff, v26  }
0x11a: {  	v13 =	vadd.s32 v5, v13;
	v14 =	vld.idx.msk [tilespmem:v24+s2+$0x0], $0xffff  }
0x11b: {  	v22 =	vor.u32 v9, v20  }
0x11c: {  	vm14 =	vgt.f32 v21, $0.0e+00;
	vm15 =	vlt.f32 v21, $5.000000000e-01;
	v21 =	vld.idx.msk [tilespmem:v24+s8+$0x0], $0xffff  }
0x11d: {  	vm0 =	vmand vm14, vm15;
	[tilespmem:v15+s11+$0x0] =	vst.idx.add.f32.msk $0xffff, v3  }
0x11e: {  	v15 =	vsel vm0, $0x3F800000, v2;
	[tilespmem:v19+s11+$0x0] =	vst.idx.add.f32.msk $0xffff, v25  }
0x11f: {  	[tilespmem:v13+s11+$0x0] =	vst.idx.add.f32.msk $0xffff, v15;
	v13 =	vtrunc.f32 v14  }
0x120: {  	v15 =	vld.idx.msk [tilespmem:v22+s2+$0x0], $0xffff;
	v14 =	vcvt.f32.s32 v13;
	_ =	sdelay $0x1  }
0x121: {  	s29 =	simm.s32 $0x2;
	v23 =	vshll.u32 v14, $0x4  }
0x122: {  	v28 =	vor.u32 v10, v18;
	v19 =	vmov s29;
	v24 =	vor.u32 v0, v23  }
0x123: {  	v25 =	vld [tilespmem:s17+$0x40];
	vm4 =	vgt.f32 v21, $0.0e+00;
	v13 =	vshll.u32 v19, $0x9;
	v26 =	vadd.s32 v4, v23  }
0x124: {  	v14 =	vshll.u32 v19, $0x7;
	v15 =	vtrunc.f32 v15;
	v23 =	vadd.s32 v5, v23  }
0x125: {  	s30 =	simm.s32 $0x3;
	v19 =	vand.u32 $0x3000, v13;
	v14 =	vand.u32 $0x300, v14;
	v15 =	vcvt.f32.s32 v15  }
0x126: {  	v22 =	vld.idx.msk [tilespmem:v22+s8+$0x0], $0xffff;
	vm5 =	vlt.f32 v21, $5.000000000e-01;
	v21 =	vmov s30;
	v19 =	vor.u32 v14, v19  }
0x127: {  	vm0 =	vmand vm4, vm5;
	v27 =	vor.u32 v1, v19;
	v29 =	vshll.u32 v15, $0x4;
	[tilespmem:v24+s11+$0x0] =	vst.idx.add.f32.msk $0xffff, v3  }
0x128: {  	v15 =	vshll.u32 v21, $0x9;
	v21 =	vshll.u32 v21, $0x7;
	v24 =	vsel vm0, $0x3F800000, v2;
	[tilespmem:v26+s11+$0x0] =	vst.idx.add.f32.msk $0xffff, v25  }
0x129: {  	v15 =	vand.u32 $0x3000, v15;
	v21 =	vand.u32 $0x380, v21;
	[tilespmem:v23+s11+$0x0] =	vst.idx.add.f32.msk $0xffff, v24  }
0x12a: {  	v15 =	vor.u32 v21, v15;
	v21 =	vor.u32 v0, v29;
	v23 =	vld.idx.msk [tilespmem:v28+s2+$0x0], $0xffff  }
0x12b: {  	s16 =	simm.s32 $0x8180;
	v25 =	vld [tilespmem:s17+$0xFFFFFFC0];
	v26 =	vadd.s32 v4, v29  }
0x12c: {  	v31 =	vld [tilespmem:s16+$0x0];
	v24 =	vor.u32 v1, v15  }
0x12d: {  	v30 =	vld.idx.msk [tilespmem:v27+s8+$0x0], $0xffff  }
0x12e: {  	vm6 =	vgt.f32 v22, $0.0e+00;
	v27 =	vld.idx.msk [tilespmem:v27+s2+$0x0], $0xffff  }
0x12f: {  	vm7 =	vlt.f32 v22, $5.000000000e-01;
	v29 =	vadd.s32 v5, v29;
	[tilespmem:v21+s11+$0x0] =	vst.idx.add.f32.msk $0xffff, v3;
	v22 =	vtrunc.f32 v23  }
0x130: {  	[tilespmem:v26+s11+$0x0] =	vst.idx.add.f32.msk $0xffff, v25;
	v22 =	vcvt.f32.s32 v22  }
0x131: {  	v20 =	vor.u32 v10, v20;
	v21 =	vld.idx.msk [tilespmem:v24+s2+$0x0], $0xffff  }
0x132: {  	vm0 =	vmand vm6, vm7;
	v25 =	vld.idx.msk [tilespmem:v28+s8+$0x0], $0xffff;
	v22 =	vshll.u32 v22, $0x4  }
0x133: {  	v28 =	vld [tilespmem:s17+$0x50];
	v23 =	vsel vm0, $0x3F800000, v2;
	v26 =	vor.u32 v0, v22  }
0x134: {  	v27 =	vtrunc.f32 v27;
	[tilespmem:v29+s11+$0x0] =	vst.idx.add.f32.msk $0xffff, v23;
	v29 =	vadd.s32 v4, v22  }
0x135: {  	v24 =	vld.idx.msk [tilespmem:v24+s8+$0x0], $0xffff;
	v27 =	vcvt.f32.s32 v27  }
0x136: {  	v23 =	vld.idx.msk [tilespmem:v20+s2+$0x0], $0xffff;
	v21 =	vtrunc.f32 v21;
	v22 =	vadd.s32 v5, v22  }
0x137: {  	v32 =	vor.u32 v11, v18;
	v20 =	vld.idx.msk [tilespmem:v20+s8+$0x0], $0xffff;
	v27 =	vshll.u32 v27, $0x4;
	v21 =	vcvt.f32.s32 v21  }
0x138: {  	vm8 =	vgt.f32 v25, $0.0e+00;
	vm9 =	vlt.f32 v25, $5.000000000e-01;
	v25 =	vor.u32 v0, v27;
	[tilespmem:v26+s11+$0x0] =	vst.idx.add.f32.msk $0xffff, v3  }
0x139: {  	vm0 =	vmand vm8, vm9;
	v21 =	vshll.u32 v21, $0x4;
	[tilespmem:v29+s11+$0x0] =	vst.idx.add.f32.msk $0xffff, v28  }
0x13a: {  	v33 =	vsel vm0, $0x3F800000, v2;
	v26 =	vor.u32 v0, v21;
	v29 =	vld [tilespmem:s16+$0xFFFFFF80]  }
0x13b: {  	v28 =	vadd.s32 v4, v21;
	[tilespmem:v22+s11+$0x0] =	vst.idx.add.f32.msk $0xffff, v33  }
0x13c: {  	v21 =	vadd.s32 v5, v21;
	v22 =	vld.idx.msk [tilespmem:v32+s2+$0x0], $0xffff  }
0x13d: {  	v55 =	vor.u32 v6, v15;
	v34 =	vadd.s32 v4, v27;
	[tilespmem:v25+s11+$0x0] =	vst.idx.add.f32.msk $0xffff, v3  }
0x13e: {  	vm10 =	vgt.f32 v24, $0.0e+00;
	vm11 =	vlt.f32 v24, $5.000000000e-01;
	v24 =	vadd.s32 v5, v27;
	v27 =	vld.idx.msk [tilespmem:v32+s8+$0x0], $0xffff  }
0x13f: {  	vm0 =	vmand vm10, vm11;
	[tilespmem:v26+s11+$0x0] =	vst.idx.add.f32.msk $0xffff, v3  }
0x140: {  	v25 =	vsel vm0, $0x3F800000, v2;
	[tilespmem:v28+s11+$0x0] =	vst.idx.add.f32.msk $0xffff, v31  }
0x141: {  	v26 =	vor.u32 v6, v19;
	[tilespmem:v21+s11+$0x0] =	vst.idx.add.f32.msk $0xffff, v25;
	v22 =	vtrunc.f32 v22  }
0x142: {  	vm12 =	vgt.f32 v30, $0.0e+00;
	vm13 =	vlt.f32 v30, $5.000000000e-01;
	v21 =	vld.idx.msk [tilespmem:v55+s2+$0x0], $0xffff;
	v22 =	vcvt.f32.s32 v22  }
0x143: {  	vm0 =	vmand vm12, vm13;
	[tilespmem:v34+s11+$0x0] =	vst.idx.add.f32.msk $0xffff, v29  }
0x144: {  	v28 =	vld [tilespmem:s17+$0x60];
	v25 =	vsel vm0, $0x3F800000, v2;
	v22 =	vshll.u32 v22, $0x4  }
0x145: {  	[tilespmem:v24+s11+$0x0] =	vst.idx.add.f32.msk $0xffff, v25;
	v25 =	vor.u32 v0, v22  }
0x146: {  	v24 =	vld.idx.msk [tilespmem:v26+s2+$0x0], $0xffff;
	v29 =	vadd.s32 v4, v22  }
0x147: {  	v30 =	vld [tilespmem:s16+$0x10];
	v21 =	vtrunc.f32 v21  }
0x148: {  	v31 =	vld.idx.msk [tilespmem:v55+s8+$0x0], $0xffff;
	v22 =	vadd.s32 v5, v22;
	v21 =	vcvt.f32.s32 v21  }
0x149: {  	v18 =	vor.u32 v12, v18;
	v26 =	vld.idx.msk [tilespmem:v26+s8+$0x0], $0xffff  }
0x14a: {  	vm14 =	vgt.f32 v27, $0.0e+00;
	vm15 =	vlt.f32 v27, $5.000000000e-01;
	v21 =	vshll.u32 v21, $0x4;
	[tilespmem:v25+s11+$0x0] =	vst.idx.add.f32.msk $0xffff, v3  }
0x14b: {  	vm0 =	vmand vm14, vm15;
	v24 =	vtrunc.f32 v24;
	v25 =	vor.u32 v0, v21;
	[tilespmem:v29+s11+$0x0] =	vst.idx.add.f32.msk $0xffff, v28  }
0x14c: {  	v27 =	vsel vm0, $0x3F800000, v2;
	v24 =	vcvt.f32.s32 v24;
	v28 =	vadd.s32 v4, v21;
	v29 =	vld [tilespmem:s16+$0xFFFFFF90]  }
0x14d: {  	v21 =	vadd.s32 v5, v21;
	[tilespmem:v22+s11+$0x0] =	vst.idx.add.f32.msk $0xffff, v27  }
0x14e: {  	v24 =	vshll.u32 v24, $0x4;
	v27 =	vor.u32 v7, v15;
	v22 =	vld.idx.msk [tilespmem:v18+s2+$0x0], $0xffff  }
0x14f: {  	vm4 =	vgt.f32 v31, $0.0e+00;
	vm5 =	vlt.f32 v31, $5.000000000e-01;
	v56 =	vor.u32 v0, v24;
	v18 =	vld.idx.msk [tilespmem:v18+s8+$0x0], $0xffff  }
0x150: {  	vm0 =	vmand vm4, vm5;
	[tilespmem:v25+s11+$0x0] =	vst.idx.add.f32.msk $0xffff, v3;
	v25 =	vadd.s32 v4, v24  }
0x151: {  	v31 =	vsel vm0, $0x3F800000, v2;
	[tilespmem:v28+s11+$0x0] =	vst.idx.add.f32.msk $0xffff, v30  }
0x152: {  	vm6 =	vgt.f32 v26, $0.0e+00;
	v24 =	vadd.s32 v5, v24;
	[tilespmem:v21+s11+$0x0] =	vst.idx.add.f32.msk $0xffff, v31  }
0x153: {  	vm7 =	vlt.f32 v26, $5.000000000e-01;
	v26 =	vor.u32 v7, v19;
	v21 =	vld.idx.msk [tilespmem:v27+s2+$0x0], $0xffff;
	v22 =	vtrunc.f32 v22  }
0x154: {  	[tilespmem:v56+s11+$0x0] =	vst.idx.add.f32.msk $0xffff, v3;
	v22 =	vcvt.f32.s32 v22  }
0x155: {  	vm0 =	vmand vm6, vm7;
	[tilespmem:v25+s11+$0x0] =	vst.idx.add.f32.msk $0xffff, v29  }
0x156: {  	v28 =	vsel vm0, $0x3F800000, v2;
	v25 =	vld [tilespmem:s17+$0x70];
	v22 =	vshll.u32 v22, $0x4  }
0x157: {  	[tilespmem:v24+s11+$0x0] =	vst.idx.add.f32.msk $0xffff, v28;
	v24 =	vor.u32 v0, v22  }
0x158: {  	v28 =	vadd.s32 v4, v22;
	v29 =	vld.idx.msk [tilespmem:v26+s2+$0x0], $0xffff;
	v21 =	vtrunc.f32 v21  }
0x159: {  	v30 =	vld [tilespmem:s17+$0xFFFFFFD0];
	v22 =	vadd.s32 v5, v22;
	v21 =	vcvt.f32.s32 v21  }
0x15a: {  	v23 =	vtrunc.f32 v23;
	v27 =	vld.idx.msk [tilespmem:v27+s8+$0x0], $0xffff  }
0x15b: {  	v31 =	vld [tilespmem:s16+$0x20];
	vm8 =	vgt.f32 v18, $0.0e+00;
	vm9 =	vlt.f32 v18, $5.000000000e-01;
	v18 =	vshll.u32 v21, $0x4  }
0x15c: {  	vm0 =	vmand vm8, vm9;
	v21 =	vcvt.f32.s32 v23;
	[tilespmem:v24+s11+$0x0] =	vst.idx.add.f32.msk $0xffff, v3;
	v23 =	vor.u32 v0, v18  }
0x15d: {  	v24 =	vsel vm0, $0x3F800000, v2;
	[tilespmem:v28+s11+$0x0] =	vst.idx.add.f32.msk $0xffff, v25;
	v25 =	vadd.s32 v4, v18;
	v28 =	vtrunc.f32 v29  }
0x15e: {  	v18 =	vadd.s32 v5, v18;
	[tilespmem:v22+s11+$0x0] =	vst.idx.add.f32.msk $0xffff, v24;
	v22 =	vcvt.f32.s32 v28  }
0x15f: {  	v26 =	vld.idx.msk [tilespmem:v26+s8+$0x0], $0xffff;
	vm10 =	vgt.f32 v27, $0.0e+00;
	v21 =	vshll.u32 v21, $0x4;
	v28 =	vor.u32 v8, v15  }
0x160: {  	vm11 =	vlt.f32 v27, $5.000000000e-01;
	v29 =	vld [tilespmem:s16+$0xFFFFFFA0];
	v24 =	vor.u32 v0, v21;
	v22 =	vshll.u32 v22, $0x4  }
0x161: {  	vm0 =	vmand vm10, vm11;
	[tilespmem:v23+s11+$0x0] =	vst.idx.add.f32.msk $0xffff, v3;
	v23 =	vor.u32 v0, v22  }
0x162: {  	v57 =	vsel vm0, $0x3F800000, v2;
	v27 =	vadd.s32 v4, v22;
	[tilespmem:v25+s11+$0x0] =	vst.idx.add.f32.msk $0xffff, v31  }
0x163: {  	v31 =	vadd.s32 v4, v21;
	[tilespmem:v18+s11+$0x0] =	vst.idx.add.f32.msk $0xffff, v57  }
0x164: {  	v22 =	vadd.s32 v5, v22;
	v18 =	vld.idx.msk [tilespmem:v28+s2+$0x0], $0xffff  }
0x165: {  	v25 =	vor.u32 v8, v19;
	[tilespmem:v24+s11+$0x0] =	vst.idx.add.f32.msk $0xffff, v3  }
0x166: {  	vm12 =	vgt.f32 v26, $0.0e+00;
	vm13 =	vlt.f32 v26, $5.000000000e-01;
	v21 =	vadd.s32 v5, v21;
	[tilespmem:v23+s11+$0x0] =	vst.idx.add.f32.msk $0xffff, v3  }
0x167: {  	vm0 =	vmand vm12, vm13;
	[tilespmem:v27+s11+$0x0] =	vst.idx.add.f32.msk $0xffff, v29  }
0x168: {  	vm14 =	vgt.f32 v20, $0.0e+00;
	vm15 =	vlt.f32 v20, $5.000000000e-01;
	v23 =	vsel vm0, $0x3F800000, v2;
	[tilespmem:v31+s11+$0x0] =	vst.idx.add.f32.msk $0xffff, v30  }
0x169: {  	vm0 =	vmand vm14, vm15;
	[tilespmem:v22+s11+$0x0] =	vst.idx.add.f32.msk $0xffff, v23;
	v18 =	vtrunc.f32 v18  }
0x16a: {  	v16 =	vor.u32 v17, v16;
	v22 =	vsel vm0, $0x3F800000, v2;
	v20 =	vld.idx.msk [tilespmem:v25+s2+$0x0], $0xffff;
	v17 =	vcvt.f32.s32 v18  }
0x16b: {  	[tilespmem:v21+s11+$0x0] =	vst.idx.add.f32.msk $0xffff, v22;
	v18 =	vor.u32 v11, v16  }
0x16c: {  	v21 =	vld.idx.msk [tilespmem:v28+s8+$0x0], $0xffff;
	v17 =	vshll.u32 v17, $0x4  }
0x16d: {  	v24 =	vld [tilespmem:s16+$0x30];
	v23 =	vor.u32 v0, v17  }
0x16e: {  	v22 =	vld.idx.msk [tilespmem:v25+s8+$0x0], $0xffff;
	v25 =	vadd.s32 v4, v17  }
0x16f: {  	v26 =	vld [tilespmem:s16+$0xFFFFFFB0];
	v17 =	vadd.s32 v5, v17;
	v20 =	vtrunc.f32 v20  }
0x170: {  	v20 =	vcvt.f32.s32 v20;
	v27 =	vld.idx.msk [tilespmem:v18+s2+$0x0], $0xffff  }
0x171: {  	v28 =	vor.u32 v9, v15;
	vm4 =	vgt.f32 v21, $0.0e+00;
	vm5 =	vlt.f32 v21, $5.000000000e-01;
	v18 =	vld.idx.msk [tilespmem:v18+s8+$0x0], $0xffff  }
0x172: {  	vm0 =	vmand vm4, vm5;
	v20 =	vshll.u32 v20, $0x4;
	[tilespmem:v23+s11+$0x0] =	vst.idx.add.f32.msk $0xffff, v3  }
0x173: {  	v29 =	vsel vm0, $0x3F800000, v2;
	v21 =	vor.u32 v0, v20;
	[tilespmem:v25+s11+$0x0] =	vst.idx.add.f32.msk $0xffff, v24  }
0x174: {  	v23 =	vadd.s32 v4, v20;
	[tilespmem:v17+s11+$0x0] =	vst.idx.add.f32.msk $0xffff, v29  }
0x175: {  	v20 =	vadd.s32 v5, v20;
	v17 =	vtrunc.f32 v27;
	v27 =	vld [tilespmem:s17+$0xFFFFFFE0]  }
0x176: {  	v25 =	vor.u32 v9, v19;
	v24 =	vld.idx.msk [tilespmem:v28+s2+$0x0], $0xffff  }
0x177: {  	vm6 =	vgt.f32 v22, $0.0e+00;
	vm7 =	vlt.f32 v22, $5.000000000e-01;
	v17 =	vcvt.f32.s32 v17;
	v31 =	vld [tilespmem:s16+$0x40]  }
0x178: {  	vm0 =	vmand vm6, vm7;
	[tilespmem:v21+s11+$0x0] =	vst.idx.add.f32.msk $0xffff, v3  }
0x179: {  	v21 =	vsel vm0, $0x3F800000, v2;
	v17 =	vshll.u32 v17, $0x4;
	[tilespmem:v23+s11+$0x0] =	vst.idx.add.f32.msk $0xffff, v26  }
0x17a: {  	v22 =	vor.u32 v0, v17;
	[tilespmem:v20+s11+$0x0] =	vst.idx.add.f32.msk $0xffff, v21  }
0x17b: {  	vm8 =	vgt.f32 v18, $0.0e+00;
	v23 =	vadd.s32 v4, v17;
	v20 =	vld.idx.msk [tilespmem:v25+s2+$0x0], $0xffff;
	v21 =	vtrunc.f32 v24  }
0x17c: {  	vm9 =	vlt.f32 v18, $5.000000000e-01;
	v25 =	vld.idx.msk [tilespmem:v25+s8+$0x0], $0xffff;
	v18 =	vcvt.f32.s32 v21;
	v21 =	vadd.s32 v5, v17  }
0x17d: {  	s18 =	simm.s32 $0x4;
	v30 =	vor.u32 v12, v16;
	vm0 =	vmand vm8, vm9;
	v24 =	vld.idx.msk [tilespmem:v28+s8+$0x0], $0xffff  }
0x17e: {  	v26 =	vmov s18;
	v59 =	vsel vm0, $0x3F800000, v2;
	v28 =	vld [tilespmem:s16+$0xFFFFFFC0];
	v29 =	vshll.u32 v18, $0x4  }
0x17f: {  	v16 =	vshll.u32 v26, $0x7;
	v17 =	vshll.u32 v26, $0x9;
	[tilespmem:v22+s11+$0x0] =	vst.idx.add.f32.msk $0xffff, v3;
	v26 =	vor.u32 v0, v29  }
0x180: {  	v22 =	vand.u32 $0x3000, v17;
	v18 =	vand.u32 $0x300, v16;
	v58 =	vadd.s32 v4, v29;
	[tilespmem:v23+s11+$0x0] =	vst.idx.add.f32.msk $0xffff, v27  }
0x181: {  	v16 =	vor.u32 v18, v22;
	v22 =	vadd.s32 v5, v29;
	[tilespmem:v21+s11+$0x0] =	vst.idx.add.f32.msk $0xffff, v59  }
0x182: {  	v60 =	vor.u32 v10, v15;
	v23 =	vor.u32 v1, v16;
	v21 =	vld.idx.msk [tilespmem:v30+s2+$0x0], $0xffff  }
0x183: {  	s31 =	simm.s32 $0x5;
	v20 =	vtrunc.f32 v20;
	vm10 =	vgt.f32 v24, $0.0e+00;
	vm11 =	vlt.f32 v24, $5.000000000e-01;
	v30 =	vld.idx.msk [tilespmem:v30+s8+$0x0], $0xffff  }
0x184: {  	v24 =	vmov s31;
	v20 =	vcvt.f32.s32 v20;
	vm0 =	vmand vm10, vm11;
	[tilespmem:v26+s11+$0x0] =	vst.idx.add.f32.msk $0xffff, v3  }
0x185: {  	v27 =	vsel vm0, $0x3F800000, v2;
	v26 =	vshll.u32 v24, $0x9;
	v24 =	vshll.u32 v24, $0x7;
	[tilespmem:v58+s11+$0x0] =	vst.idx.add.f32.msk $0xffff, v31  }
0x186: {  	v31 =	vshll.u32 v20, $0x4;
	v20 =	vand.u32 $0x3000, v26;
	v24 =	vand.u32 $0x380, v24;
	[tilespmem:v22+s11+$0x0] =	vst.idx.add.f32.msk $0xffff, v27  }
0x187: {  	v24 =	vor.u32 v24, v20;
	v22 =	vor.u32 v0, v31;
	v26 =	vld.idx.msk [tilespmem:v60+s2+$0x0], $0xffff  }
0x188: {  	v35 =	vld.idx.msk [tilespmem:v23+s2+$0x0], $0xffff;
	v29 =	vor.u32 v1, v24  }
0x189: {  	v61 =	vadd.s32 v4, v31;
	v20 =	vld [tilespmem:s17+$0xFFFFFFF0]  }
0x18a: {  	vm12 =	vgt.f32 v25, $0.0e+00;
	vm13 =	vlt.f32 v25, $5.000000000e-01;
	v27 =	vld.idx.msk [tilespmem:v23+s8+$0x0], $0xffff  }
0x18b: {  	v31 =	vadd.s32 v5, v31;
	vm14 =	vgt.f32 v30, $0.0e+00;
	vm15 =	vlt.f32 v30, $5.000000000e-01;
	v30 =	vld [tilespmem:s16+$0x50]  }
0x18c: {  	v25 =	vor.u32 v10, v19;
	v21 =	vtrunc.f32 v21;
	[tilespmem:v22+s11+$0x0] =	vst.idx.add.f32.msk $0xffff, v3;
	v22 =	vtrunc.f32 v26  }
0x18d: {  	vm0 =	vmand vm12, vm13;
	v21 =	vcvt.f32.s32 v21;
	v36 =	vld.idx.msk [tilespmem:v29+s2+$0x0], $0xffff;
	v26 =	vcvt.f32.s32 v22  }
0x18e: {  	v19 =	vsel vm0, $0x3F800000, v2;
	vm0 =	vmand vm14, vm15;
	[tilespmem:v61+s11+$0x0] =	vst.idx.add.f32.msk $0xffff, v28  }
0x18f: {  	v21 =	vshll.u32 v21, $0x4;
	v63 =	vtrunc.f32 v35;
	v28 =	vld.idx.msk [tilespmem:v60+s8+$0x0], $0xffff;
	v62 =	vshll.u32 v26, $0x4  }
0x190: {  	v23 =	vor.u32 v0, v21;
	v34 =	vcvt.f32.s32 v63;
	[tilespmem:v31+s11+$0x0] =	vst.idx.add.f32.msk $0xffff, v19;
	v33 =	vor.u32 v0, v62  }
0x191: {  	v22 =	vadd.s32 v4, v21;
	v19 =	vadd.s32 v5, v21;
	v26 =	vld.idx.msk [tilespmem:v25+s2+$0x0], $0xffff;
	v31 =	vadd.s32 v4, v62  }
0x192: {  	s18 =	simm.s32 $0x6;
	s17 =	simm.s32 $0x8280;
	v21 =	vsel vm0, $0x3F800000, v2;
	v25 =	vld.idx.msk [tilespmem:v25+s8+$0x0], $0xffff;
	v32 =	vadd.s32 v5, v62;
	v35 =	vtrunc.f32 v36  }
.LBB2_2:
0x193: {  	p0 =	slt.u32 s18, $0x1E;
	v35 =	vcvt.f32.s32 v35;
	v36 =	vld [tilespmem:s17+$0x0];
	v37 =	vor.u32 v11, v15  }
0x194: {  	vm0 =	vgt.f32 v28, $0.0e+00;
	vm1 =	vlt.f32 v28, $5.000000000e-01;
	v34 =	vshll.u32 v34, $0x4;
	v29 =	vld.idx.msk [tilespmem:v29+s8+$0x0], $0xffff  }
0x195: {  	vm0 =	vmand vm0, vm1;
	v28 =	vor.u32 v0, v34;
	v35 =	vshll.u32 v35, $0x4;
	[tilespmem:v33+s11+$0x0] =	vst.idx.add.f32.msk $0xffff, v3  }
0x196: {  	v26 =	vtrunc.f32 v26;
	v38 =	vsel vm0, $0x3F800000, v2;
	v33 =	vor.u32 v0, v35;
	[tilespmem:v31+s11+$0x0] =	vst.idx.add.f32.msk $0xffff, v30  }
0x197: {  	v30 =	vadd.s32 v4, v34;
	v31 =	vadd.s32 v4, v35;
	v26 =	vcvt.f32.s32 v26;
	[tilespmem:v32+s11+$0x0] =	vst.idx.add.f32.msk $0xffff, v38  }
0x198: {  	v32 =	vadd.s32 v5, v35;
	vm0 =	vgt.f32 v25, $0.0e+00;
	vm1 =	vlt.f32 v25, $5.000000000e-01;
	v35 =	vld.idx.msk [tilespmem:v37+s2+$0x0], $0xffff  }
0x199: {  	v39 =	vor.u32 v6, v24;
	vm0 =	vmand vm0, vm1;
	v25 =	vshll.u32 v26, $0x4;
	v38 =	vld [tilespmem:s17+$0xFFFFFF80]  }
0x19a: {  	vm1 =	vgt.f32 v29, $0.0e+00;
	vm2 =	vlt.f32 v29, $5.000000000e-01;
	v29 =	vor.u32 v0, v25;
	[tilespmem:v28+s11+$0x0] =	vst.idx.add.f32.msk $0xffff, v3  }
0x19b: {  	v26 =	vadd.s32 v4, v25;
	v25 =	vadd.s32 v5, v25;
	vm1 =	vmand vm1, vm2;
	[tilespmem:v33+s11+$0x0] =	vst.idx.add.f32.msk $0xffff, v3  }
0x19c: {  	v28 =	vsel vm0, $0x3F800000, v2;
	v33 =	vadd.s32 v5, v34;
	v34 =	vsel vm1, $0x3F800000, v2;
	[tilespmem:v31+s11+$0x0] =	vst.idx.add.f32.msk $0xffff, v36  }
0x19d: {  	v31 =	vor.u32 v6, v16;
	[tilespmem:v32+s11+$0x0] =	vst.idx.add.f32.msk $0xffff, v34  }
0x19e: {  	vm0 =	vgt.f32 v27, $0.0e+00;
	vm1 =	vlt.f32 v27, $5.000000000e-01;
	v32 =	vtrunc.f32 v35;
	v27 =	vld.idx.msk [tilespmem:v39+s2+$0x0], $0xffff  }
0x19f: {  	vm0 =	vmand vm0, vm1;
	[tilespmem:v30+s11+$0x0] =	vst.idx.add.f32.msk $0xffff, v38;
	v30 =	vcvt.f32.s32 v32  }
0x1a0: {  	v32 =	vsel vm0, $0x3F800000, v2;
	v34 =	vld.idx.msk [tilespmem:v37+s8+$0x0], $0xffff  }
0x1a1: {  	[tilespmem:v33+s11+$0x0] =	vst.idx.add.f32.msk $0xffff, v32;
	v30 =	vshll.u32 v30, $0x4  }
0x1a2: {  	v32 =	vld.idx.msk [tilespmem:v31+s2+$0x0], $0xffff;
	v33 =	vor.u32 v0, v30  }
0x1a3: {  	v36 =	vadd.s32 v4, v30;
	v35 =	vld [tilespmem:s16+$0x60]  }
0x1a4: {  	v30 =	vadd.s32 v5, v30;
	v27 =	vtrunc.f32 v27;
	v31 =	vld.idx.msk [tilespmem:v31+s8+$0x0], $0xffff  }
0x1a5: {  	v38 =	vor.u32 v12, v15;
	v15 =	vmov v24;
	v27 =	vcvt.f32.s32 v27;
	v37 =	vld [tilespmem:s17+$0x10]  }
0x1a6: {  	vm0 =	vgt.f32 v34, $0.0e+00;
	vm1 =	vlt.f32 v34, $5.000000000e-01;
	v24 =	vld.idx.msk [tilespmem:v39+s8+$0x0], $0xffff  }
0x1a7: {  	v27 =	vshll.u32 v27, $0x4;
	vm0 =	vmand vm0, vm1;
	[tilespmem:v33+s11+$0x0] =	vst.idx.add.f32.msk $0xffff, v3  }
0x1a8: {  	v32 =	vtrunc.f32 v32;
	v33 =	vor.u32 v0, v27;
	v34 =	vsel vm0, $0x3F800000, v2;
	[tilespmem:v36+s11+$0x0] =	vst.idx.add.f32.msk $0xffff, v35  }
0x1a9: {  	v32 =	vcvt.f32.s32 v32;
	v35 =	vadd.s32 v4, v27;
	[tilespmem:v30+s11+$0x0] =	vst.idx.add.f32.msk $0xffff, v34  }
0x1aa: {  	v27 =	vadd.s32 v5, v27;
	vm0 =	vgt.f32 v31, $0.0e+00;
	vm1 =	vlt.f32 v31, $5.000000000e-01;
	v30 =	vld.idx.msk [tilespmem:v38+s2+$0x0], $0xffff  }
0x1ab: {  	v34 =	vor.u32 v7, v15;
	vm0 =	vmand vm0, vm1;
	v32 =	vshll.u32 v32, $0x4;
	v31 =	vld [tilespmem:s17+$0xFFFFFF90]  }
0x1ac: {  	v36 =	vor.u32 v0, v32;
	vm1 =	vgt.f32 v24, $0.0e+00;
	vm2 =	vlt.f32 v24, $5.000000000e-01;
	v24 =	vld [tilespmem:s16+$0xFFFFFFD0]  }
0x1ad: {  	v39 =	vadd.s32 v4, v32;
	v32 =	vadd.s32 v5, v32;
	vm1 =	vmand vm1, vm2;
	[tilespmem:v33+s11+$0x0] =	vst.idx.add.f32.msk $0xffff, v3  }
0x1ae: {  	v33 =	vsel vm0, $0x3F800000, v2;
	v40 =	vsel vm1, $0x3F800000, v2;
	[tilespmem:v35+s11+$0x0] =	vst.idx.add.f32.msk $0xffff, v37  }
0x1af: {  	[tilespmem:v27+s11+$0x0] =	vst.idx.add.f32.msk $0xffff, v40  }
0x1b0: {  	v30 =	vtrunc.f32 v30;
	v27 =	vld.idx.msk [tilespmem:v34+s2+$0x0], $0xffff  }
0x1b1: {  	v35 =	vor.u32 v7, v16;
	v30 =	vcvt.f32.s32 v30;
	[tilespmem:v36+s11+$0x0] =	vst.idx.add.f32.msk $0xffff, v3  }
0x1b2: {  	v36 =	vld.idx.msk [tilespmem:v38+s8+$0x0], $0xffff  }
0x1b3: {  	v30 =	vshll.u32 v30, $0x4;
	[tilespmem:v39+s11+$0x0] =	vst.idx.add.f32.msk $0xffff, v31  }
0x1b4: {  	v31 =	vor.u32 v0, v30;
	[tilespmem:v32+s11+$0x0] =	vst.idx.add.f32.msk $0xffff, v33  }
0x1b5: {  	v33 =	vadd.s32 v4, v30;
	v32 =	vld [tilespmem:s16+$0x70]  }
0x1b6: {  	v30 =	vadd.s32 v5, v30;
	v27 =	vtrunc.f32 v27;
	v37 =	vld.idx.msk [tilespmem:v35+s2+$0x0], $0xffff  }
0x1b7: {  	v27 =	vcvt.f32.s32 v27;
	v38 =	vld [tilespmem:s17+$0x20]  }
0x1b8: {  	vm0 =	vgt.f32 v36, $0.0e+00;
	vm1 =	vlt.f32 v36, $5.000000000e-01;
	v34 =	vld.idx.msk [tilespmem:v34+s8+$0x0], $0xffff  }
0x1b9: {  	v27 =	vshll.u32 v27, $0x4;
	vm0 =	vmand vm0, vm1;
	[tilespmem:v31+s11+$0x0] =	vst.idx.add.f32.msk $0xffff, v3  }
0x1ba: {  	v31 =	vor.u32 v0, v27;
	v36 =	vsel vm0, $0x3F800000, v2;
	[tilespmem:v33+s11+$0x0] =	vst.idx.add.f32.msk $0xffff, v32  }
0x1bb: {  	v32 =	vadd.s32 v4, v27;
	[tilespmem:v30+s11+$0x0] =	vst.idx.add.f32.msk $0xffff, v36  }
0x1bc: {  	v27 =	vadd.s32 v5, v27;
	v30 =	vtrunc.f32 v37;
	v33 =	vld.idx.msk [tilespmem:v35+s8+$0x0], $0xffff  }
0x1bd: {  	v36 =	vor.u32 v8, v15;
	v30 =	vcvt.f32.s32 v30;
	v35 =	vld [tilespmem:s17+$0xFFFFFFA0]  }
0x1be: {  	vm0 =	vgt.f32 v34, $0.0e+00;
	vm1 =	vlt.f32 v34, $5.000000000e-01;
	[tilespmem:v29+s11+$0x0] =	vst.idx.add.f32.msk $0xffff, v3  }
0x1bf: {  	v29 =	vshll.u32 v30, $0x4;
	vm0 =	vmand vm0, vm1;
	[tilespmem:v31+s11+$0x0] =	vst.idx.add.f32.msk $0xffff, v3  }
0x1c0: {  	v30 =	vor.u32 v0, v29;
	v31 =	vadd.s32 v4, v29;
	v34 =	vsel vm0, $0x3F800000, v2;
	[tilespmem:v32+s11+$0x0] =	vst.idx.add.f32.msk $0xffff, v38  }
0x1c1: {  	v29 =	vadd.s32 v5, v29;
	[tilespmem:v27+s11+$0x0] =	vst.idx.add.f32.msk $0xffff, v34  }
0x1c2: {  	vm0 =	vgt.f32 v33, $0.0e+00;
	vm1 =	vlt.f32 v33, $5.000000000e-01;
	v27 =	vld.idx.msk [tilespmem:v36+s2+$0x0], $0xffff  }
0x1c3: {  	v32 =	vor.u32 v8, v16;
	vm0 =	vmand vm0, vm1;
	[tilespmem:v26+s11+$0x0] =	vst.idx.add.f32.msk $0xffff, v24  }
0x1c4: {  	v24 =	vsel vm0, $0x3F800000, v2;
	[tilespmem:v25+s11+$0x0] =	vst.idx.add.f32.msk $0xffff, v28  }
0x1c5: {  	[tilespmem:v30+s11+$0x0] =	vst.idx.add.f32.msk $0xffff, v3  }
0x1c6: {  	v25 =	vor.u32 v14, v13;
	v13 =	vmov v17;
	v14 =	vmov v18;
	[tilespmem:v31+s11+$0x0] =	vst.idx.add.f32.msk $0xffff, v35  }
0x1c7: {  	v17 =	vor.u32 v11, v25;
	[tilespmem:v29+s11+$0x0] =	vst.idx.add.f32.msk $0xffff, v24  }
0x1c8: {  	v24 =	vtrunc.f32 v27;
	v18 =	vld.idx.msk [tilespmem:v32+s2+$0x0], $0xffff  }
0x1c9: {  	v24 =	vcvt.f32.s32 v24;
	v26 =	vld.idx.msk [tilespmem:v32+s8+$0x0], $0xffff  }
0x1ca: {  	v27 =	vld.idx.msk [tilespmem:v36+s8+$0x0], $0xffff  }
0x1cb: {  	v24 =	vshll.u32 v24, $0x4;
	v28 =	vld [tilespmem:s17+$0xFFFFFFB0]  }
0x1cc: {  	v29 =	vor.u32 v0, v24;
	v30 =	vld.idx.msk [tilespmem:v17+s2+$0x0], $0xffff  }
0x1cd: {  	v32 =	vadd.s32 v4, v24;
	v31 =	vld [tilespmem:s17+$0x30]  }
0x1ce: {  	v24 =	vadd.s32 v5, v24;
	v18 =	vtrunc.f32 v18;
	v17 =	vld.idx.msk [tilespmem:v17+s8+$0x0], $0xffff  }
0x1cf: {  	v33 =	vor.u32 v9, v15;
	v18 =	vcvt.f32.s32 v18;
	vm0 =	vgt.f32 v26, $0.0e+00;
	v34 =	vld [tilespmem:s16+$0xFFFFFFE0]  }
0x1d0: {  	vm1 =	vlt.f32 v26, $5.000000000e-01;
	vm2 =	vgt.f32 v27, $0.0e+00;
	vm3 =	vlt.f32 v27, $5.000000000e-01;
	[tilespmem:v23+s11+$0x0] =	vst.idx.add.f32.msk $0xffff, v3  }
0x1d1: {  	vm0 =	vmand vm0, vm1;
	v18 =	vshll.u32 v18, $0x4;
	vm1 =	vmand vm2, vm3;
	[tilespmem:v29+s11+$0x0] =	vst.idx.add.f32.msk $0xffff, v3  }
0x1d2: {  	v23 =	vor.u32 v0, v18;
	v26 =	vadd.s32 v4, v18;
	v27 =	vsel vm1, $0x3F800000, v2;
	[tilespmem:v32+s11+$0x0] =	vst.idx.add.f32.msk $0xffff, v31  }
0x1d3: {  	v29 =	vsel vm0, $0x3F800000, v2;
	v18 =	vadd.s32 v5, v18;
	[tilespmem:v24+s11+$0x0] =	vst.idx.add.f32.msk $0xffff, v27;
	v24 =	vtrunc.f32 v30  }
0x1d4: {  	vm0 =	vgt.f32 v17, $0.0e+00;
	vm1 =	vlt.f32 v17, $5.000000000e-01;
	v27 =	vld.idx.msk [tilespmem:v33+s2+$0x0], $0xffff;
	v24 =	vcvt.f32.s32 v24  }
0x1d5: {  	v17 =	vor.u32 v9, v16;
	vm0 =	vmand vm0, vm1;
	[tilespmem:v22+s11+$0x0] =	vst.idx.add.f32.msk $0xffff, v20  }
0x1d6: {  	v20 =	vsel vm0, $0x3F800000, v2;
	v22 =	vshll.u32 v24, $0x4;
	[tilespmem:v19+s11+$0x0] =	vst.idx.add.f32.msk $0xffff, v21  }
0x1d7: {  	[tilespmem:v23+s11+$0x0] =	vst.idx.add.f32.msk $0xffff, v3;
	v19 =	vor.u32 v0, v22;
	v21 =	vadd.s32 v4, v22  }
0x1d8: {  	v22 =	vadd.s32 v5, v22;
	[tilespmem:v26+s11+$0x0] =	vst.idx.add.f32.msk $0xffff, v28  }
0x1d9: {  	[tilespmem:v18+s11+$0x0] =	vst.idx.add.f32.msk $0xffff, v29  }
0x1da: {  	v18 =	vtrunc.f32 v27;
	v23 =	vld.idx.msk [tilespmem:v17+s2+$0x0], $0xffff  }
0x1db: {  	v24 =	vmov s18;
	v18 =	vcvt.f32.s32 v18;
	v26 =	vld.idx.msk [tilespmem:v17+s8+$0x0], $0xffff  }
0x1dc: {  	v17 =	vshll.u32 v24, $0x9;
	v27 =	vld.idx.msk [tilespmem:v33+s8+$0x0], $0xffff  }
0x1dd: {  	v25 =	vor.u32 v12, v25;
	v24 =	vshll.u32 v24, $0x7;
	v29 =	vshll.u32 v18, $0x4;
	v28 =	vld [tilespmem:s17+$0xFFFFFFC0]  }
0x1de: {  	v30 =	vand.u32 $0x3000, v17;
	v18 =	vand.u32 $0x300, v24;
	v24 =	vor.u32 v0, v29;
	[tilespmem:v19+s11+$0x0] =	vst.idx.add.f32.msk $0xffff, v3  }
0x1df: {  	v31 =	vadd.s32 v4, v29;
	v19 =	vor.u32 v18, v30;
	v30 =	vld [tilespmem:s17+$0x40]  }
0x1e0: {  	v29 =	vadd.s32 v5, v29;
	v32 =	vor.u32 v1, v19;
	v23 =	vtrunc.f32 v23;
	[tilespmem:v21+s11+$0x0] =	vst.idx.add.f32.msk $0xffff, v34  }
0x1e1: {  	v33 =	vor.u32 v10, v15;
	v21 =	vcvt.f32.s32 v23;
	vm0 =	vgt.f32 v26, $0.0e+00;
	[tilespmem:v22+s11+$0x0] =	vst.idx.add.f32.msk $0xffff, v20  }
0x1e2: {  	s19 =	sadd.s32 $0x1, s18;
	vm1 =	vlt.f32 v26, $5.000000000e-01;
	vm2 =	vgt.f32 v27, $0.0e+00;
	vm3 =	vlt.f32 v27, $5.000000000e-01;
	v20 =	vld.idx.msk [tilespmem:v25+s2+$0x0], $0xffff  }
0x1e3: {  	v22 =	vmov s19;
	v21 =	vshll.u32 v21, $0x4;
	vm2 =	vmand vm2, vm3;
	[tilespmem:v24+s11+$0x0] =	vst.idx.add.f32.msk $0xffff, v3  }
0x1e4: {  	v23 =	vshll.u32 v22, $0x9;
	v22 =	vshll.u32 v22, $0x7;
	v24 =	vsel vm2, $0x3F800000, v2;
	[tilespmem:v31+s11+$0x0] =	vst.idx.add.f32.msk $0xffff, v30  }
0x1e5: {  	vm0 =	vmand vm0, vm1;
	v23 =	vand.u32 $0x3000, v23;
	v22 =	vand.u32 $0x380, v22;
	[tilespmem:v29+s11+$0x0] =	vst.idx.add.f32.msk $0xffff, v24  }
0x1e6: {  	v26 =	vadd.s32 v4, v21;
	v24 =	vor.u32 v22, v23;
	v22 =	vor.u32 v0, v21;
	v23 =	vld.idx.msk [tilespmem:v33+s2+$0x0], $0xffff  }
0x1e7: {  	v30 =	vsel vm0, $0x3F800000, v2;
	v21 =	vadd.s32 v5, v21;
	v29 =	vor.u32 v1, v24;
	v25 =	vld.idx.msk [tilespmem:v25+s8+$0x0], $0xffff  }
0x1e8: {  	v31 =	vtrunc.f32 v20;
	v20 =	vld [tilespmem:s16+$0xFFFFFFF0];
	s16 =	smov.u32 s17  }
0x1e9: {  	v31 =	vcvt.f32.s32 v31;
	v27 =	vld.idx.msk [tilespmem:v32+s8+$0x0], $0xffff  }
0x1ea: {  	v32 =	vld.idx.msk [tilespmem:v32+s2+$0x0], $0xffff  }
0x1eb: {  	v36 =	vor.u32 v10, v16;
	v16 =	vmov v19;
	v31 =	vshll.u32 v31, $0x4;
	[tilespmem:v22+s11+$0x0] =	vst.idx.add.f32.msk $0xffff, v3  }
0x1ec: {  	v19 =	vtrunc.f32 v23;
	v23 =	vor.u32 v0, v31;
	v22 =	vadd.s32 v4, v31;
	v35 =	vld.idx.msk [tilespmem:v29+s2+$0x0], $0xffff  }
0x1ed: {  	vm0 =	vgt.f32 v25, $0.0e+00;
	vm1 =	vlt.f32 v25, $5.000000000e-01;
	[tilespmem:v26+s11+$0x0] =	vst.idx.add.f32.msk $0xffff, v28;
	v26 =	vcvt.f32.s32 v19  }
.Ltmp0:
0x1ee: {  	vm0 =	vmand vm0, vm1;
	v19 =	vadd.s32 v5, v31;
	v28 =	vld.idx.msk [tilespmem:v33+s8+$0x0], $0xffff;
	(pc) =	sbr.rel @p0 .LBB2_2-.Ltmp0, $4  }
0x1ef: {  	[tilespmem:v21+s11+$0x0] =	vst.idx.add.f32.msk $0xffff, v30;
	v37 =	vshll.u32 v26, $0x4;
	v21 =	vsel vm0, $0x3F800000, v2  }
0x1f0: {  	v26 =	vld.idx.msk [tilespmem:v36+s2+$0x0], $0xffff;
	v33 =	vor.u32 v0, v37  }
0x1f1: {  	v25 =	vtrunc.f32 v32;
	v31 =	vadd.s32 v4, v37;
	v30 =	vld [tilespmem:s17+$0x50]  }
0x1f2: {  	s18 =	sadd.s32 $0x2, s18;
	v34 =	vcvt.f32.s32 v25;
	v32 =	vadd.s32 v5, v37;
	v35 =	vtrunc.f32 v35;
	s17 =	sadd.s32 $0x100, s17;
	v25 =	vld.idx.msk [tilespmem:v36+s8+$0x0], $0xffff  }
0x1f3: {  	_ =	sdelay $0x1  }
0x1f4: {  	v35 =	vcvt.f32.s32 v35;
	_ =	sdelay $0x1  }
0x1f5: {  	v29 =	vld.idx.msk [tilespmem:v29+s8+$0x0], $0xffff;
	v35 =	vshll.u32 v35, $0x4  }
0x1f6: {  	v36 =	vor.u32 v0, v35  }
0x1f7: {  	v37 =	vld [tilespmem:s17+$0x0];
	v38 =	vadd.s32 v4, v35  }
0x1f8: {  	v35 =	vadd.s32 v5, v35  }
0x1f9: {  	v39 =	vor.u32 v6, v24  }
0x1fa: {  	v40 =	vld [tilespmem:s17+$0xFFFFFF80];
	vm0 =	vgt.f32 v29, $0.0e+00;
	vm1 =	vlt.f32 v29, $5.000000000e-01  }
0x1fb: {  	vm0 =	vmand vm0, vm1;
	[tilespmem:v36+s11+$0x0] =	vst.idx.add.f32.msk $0xffff, v3  }
0x1fc: {  	v54 =	vshll.u32 v34, $0x4;
	v55 =	vsel vm0, $0x3F800000, v2;
	[tilespmem:v38+s11+$0x0] =	vst.idx.add.f32.msk $0xffff, v37  }
0x1fd: {  	v56 =	vor.u32 v0, v54;
	[tilespmem:v35+s11+$0x0] =	vst.idx.add.f32.msk $0xffff, v55  }
0x1fe: {  	v57 =	vadd.s32 v4, v54;
	v35 =	vld.idx.msk [tilespmem:v39+s2+$0x0], $0xffff  }
0x1ff: {  	v29 =	vadd.s32 v5, v54  }
0x200: {  	v58 =	vor.u32 v6, v16  }
0x201: {  	vm10 =	vgt.f32 v27, $0.0e+00;
	vm11 =	vlt.f32 v27, $5.000000000e-01  }
0x202: {  	[tilespmem:v56+s11+$0x0] =	vst.idx.add.f32.msk $0xffff, v3;
	vm0 =	vmand vm10, vm11  }
0x203: {  	[tilespmem:v57+s11+$0x0] =	vst.idx.add.f32.msk $0xffff, v40;
	v59 =	vsel vm0, $0x3F800000, v2;
	v60 =	vtrunc.f32 v35  }
0x204: {  	[tilespmem:v29+s11+$0x0] =	vst.idx.add.f32.msk $0xffff, v59;
	v61 =	vcvt.f32.s32 v60  }
0x205: {  	v29 =	vld.idx.msk [tilespmem:v58+s2+$0x0], $0xffff  }
0x206: {  	v62 =	vld.idx.msk [tilespmem:v39+s8+$0x0], $0xffff;
	v27 =	vshll.u32 v61, $0x4  }
0x207: {  	v63 =	vor.u32 v0, v27  }
0x208: {  	v42 =	vld [tilespmem:s17+$0x10];
	v43 =	vadd.s32 v4, v27  }
0x209: {  	v27 =	vadd.s32 v5, v27  }
0x20a: {  	v45 =	vor.u32 v7, v24;
	v44 =	vld.idx.msk [tilespmem:v58+s8+$0x0], $0xffff;
	v29 =	vtrunc.f32 v29  }
0x20b: {  	v46 =	vld [tilespmem:s17+$0xFFFFFF90];
	vm12 =	vgt.f32 v62, $0.0e+00;
	vm13 =	vlt.f32 v62, $5.000000000e-01;
	v29 =	vcvt.f32.s32 v29  }
0x20c: {  	vm0 =	vmand vm12, vm13;
	[tilespmem:v63+s11+$0x0] =	vst.idx.add.f32.msk $0xffff, v3  }
0x20d: {  	v48 =	vsel vm0, $0x3F800000, v2;
	v29 =	vshll.u32 v29, $0x4;
	[tilespmem:v43+s11+$0x0] =	vst.idx.add.f32.msk $0xffff, v42  }
0x20e: {  	v49 =	vor.u32 v0, v29;
	[tilespmem:v27+s11+$0x0] =	vst.idx.add.f32.msk $0xffff, v48  }
0x20f: {  	v50 =	vadd.s32 v4, v29;
	v35 =	vld.idx.msk [tilespmem:v45+s2+$0x0], $0xffff  }
0x210: {  	v29 =	vadd.s32 v5, v29  }
0x211: {  	[tilespmem:v33+s11+$0x0] =	vst.idx.add.f32.msk $0xffff, v3;
	vm14 =	vgt.f32 v28, $0.0e+00;
	vm15 =	vlt.f32 v28, $5.000000000e-01;
	v52 =	vor.u32 v7, v16  }
0x212: {  	[tilespmem:v31+s11+$0x0] =	vst.idx.add.f32.msk $0xffff, v30;
	vm4 =	vgt.f32 v44, $0.0e+00;
	vm5 =	vlt.f32 v44, $5.000000000e-01;
	vm0 =	vmand vm14, vm15  }
0x213: {  	v51 =	vsel vm0, $0x3F800000, v2;
	vm0 =	vmand vm4, vm5;
	[tilespmem:v49+s11+$0x0] =	vst.idx.add.f32.msk $0xffff, v3  }
0x214: {  	v53 =	vsel vm0, $0x3F800000, v2;
	[tilespmem:v50+s11+$0x0] =	vst.idx.add.f32.msk $0xffff, v46;
	v54 =	vtrunc.f32 v35  }
0x215: {  	v47 =	vor.u32 v11, v15;
	[tilespmem:v29+s11+$0x0] =	vst.idx.add.f32.msk $0xffff, v53;
	v27 =	vcvt.f32.s32 v54  }
0x216: {  	v28 =	vld.idx.msk [tilespmem:v52+s2+$0x0], $0xffff  }
0x217: {  	v55 =	vld.idx.msk [tilespmem:v45+s8+$0x0], $0xffff;
	v27 =	vshll.u32 v27, $0x4  }
0x218: {  	[tilespmem:v32+s11+$0x0] =	vst.idx.add.f32.msk $0xffff, v51;
	v56 =	vor.u32 v0, v27  }
0x219: {  	v57 =	vld [tilespmem:s17+$0x20];
	v58 =	vadd.s32 v4, v27  }
0x21a: {  	v31 =	vld.idx.msk [tilespmem:v47+s2+$0x0], $0xffff;
	v27 =	vadd.s32 v5, v27  }
0x21b: {  	v59 =	vor.u32 v8, v24;
	v30 =	vld.idx.msk [tilespmem:v52+s8+$0x0], $0xffff;
	v28 =	vtrunc.f32 v28  }
0x21c: {  	v60 =	vld [tilespmem:s17+$0xFFFFFFA0];
	vm6 =	vgt.f32 v55, $0.0e+00;
	vm7 =	vlt.f32 v55, $5.000000000e-01;
	v28 =	vcvt.f32.s32 v28  }
0x21d: {  	vm0 =	vmand vm6, vm7;
	[tilespmem:v56+s11+$0x0] =	vst.idx.add.f32.msk $0xffff, v3  }
0x21e: {  	v63 =	vsel vm0, $0x3F800000, v2;
	v28 =	vshll.u32 v28, $0x4;
	[tilespmem:v58+s11+$0x0] =	vst.idx.add.f32.msk $0xffff, v57  }
0x21f: {  	v41 =	vor.u32 v0, v28;
	[tilespmem:v27+s11+$0x0] =	vst.idx.add.f32.msk $0xffff, v63  }
0x220: {  	v31 =	vtrunc.f32 v31;
	v42 =	vadd.s32 v4, v28;
	v35 =	vld.idx.msk [tilespmem:v59+s2+$0x0], $0xffff  }
0x221: {  	v31 =	vcvt.f32.s32 v31;
	v28 =	vadd.s32 v5, v28  }
0x222: {  	v36 =	vld [tilespmem:s16+$0x60];
	v43 =	vor.u32 v8, v16  }
0x223: {  	v34 =	vld.idx.msk [tilespmem:v47+s8+$0x0], $0xffff;
	v31 =	vshll.u32 v31, $0x4;
	vm8 =	vgt.f32 v30, $0.0e+00;
	vm9 =	vlt.f32 v30, $5.000000000e-01  }
0x224: {  	v61 =	vor.u32 v0, v31;
	vm0 =	vmand vm8, vm9;
	[tilespmem:v41+s11+$0x0] =	vst.idx.add.f32.msk $0xffff, v3  }
0x225: {  	v45 =	vsel vm0, $0x3F800000, v2;
	[tilespmem:v42+s11+$0x0] =	vst.idx.add.f32.msk $0xffff, v60;
	v46 =	vtrunc.f32 v35  }
0x226: {  	v62 =	vadd.s32 v4, v31;
	[tilespmem:v28+s11+$0x0] =	vst.idx.add.f32.msk $0xffff, v45;
	v27 =	vcvt.f32.s32 v46  }
0x227: {  	v28 =	vld.idx.msk [tilespmem:v43+s2+$0x0], $0xffff  }
0x228: {  	v48 =	vld.idx.msk [tilespmem:v59+s8+$0x0], $0xffff;
	v27 =	vshll.u32 v27, $0x4  }
0x229: {  	[tilespmem:v61+s11+$0x0] =	vst.idx.add.f32.msk $0xffff, v3;
	v49 =	vor.u32 v0, v27  }
0x22a: {  	vm10 =	vgt.f32 v34, $0.0e+00;
	v50 =	vld [tilespmem:s17+$0x30];
	v51 =	vadd.s32 v4, v27  }
0x22b: {  	vm11 =	vlt.f32 v34, $5.000000000e-01;
	v53 =	vor.u32 v9, v24;
	[tilespmem:v62+s11+$0x0] =	vst.idx.add.f32.msk $0xffff, v36;
	v27 =	vadd.s32 v5, v27  }
0x22c: {  	v44 =	vadd.s32 v5, v31;
	vm0 =	vmand vm10, vm11;
	v29 =	vld.idx.msk [tilespmem:v43+s8+$0x0], $0xffff;
	v28 =	vtrunc.f32 v28  }
0x22d: {  	v54 =	vld [tilespmem:s17+$0xFFFFFFB0];
	vm12 =	vgt.f32 v48, $0.0e+00;
	vm13 =	vlt.f32 v48, $5.000000000e-01;
	v28 =	vcvt.f32.s32 v28  }
0x22e: {  	v15 =	vor.u32 v12, v15;
	v47 =	vsel vm0, $0x3F800000, v2;
	vm0 =	vmand vm12, vm13;
	[tilespmem:v49+s11+$0x0] =	vst.idx.add.f32.msk $0xffff, v3  }
0x22f: {  	v55 =	vsel vm0, $0x3F800000, v2;
	v28 =	vshll.u32 v28, $0x4;
	[tilespmem:v51+s11+$0x0] =	vst.idx.add.f32.msk $0xffff, v50  }
0x230: {  	v56 =	vor.u32 v0, v28;
	[tilespmem:v27+s11+$0x0] =	vst.idx.add.f32.msk $0xffff, v55  }
0x231: {  	v57 =	vadd.s32 v4, v28;
	v30 =	vld.idx.msk [tilespmem:v53+s2+$0x0], $0xffff  }
0x232: {  	[tilespmem:v44+s11+$0x0] =	vst.idx.add.f32.msk $0xffff, v47;
	v28 =	vadd.s32 v5, v28  }
0x233: {  	v52 =	vld.idx.msk [tilespmem:v15+s2+$0x0], $0xffff;
	v58 =	vor.u32 v9, v16  }
0x234: {  	v26 =	vtrunc.f32 v26;
	v15 =	vld.idx.msk [tilespmem:v15+s8+$0x0], $0xffff;
	vm14 =	vgt.f32 v29, $0.0e+00;
	vm15 =	vlt.f32 v29, $5.000000000e-01  }
0x235: {  	v26 =	vcvt.f32.s32 v26;
	vm0 =	vmand vm14, vm15;
	[tilespmem:v56+s11+$0x0] =	vst.idx.add.f32.msk $0xffff, v3  }
0x236: {  	v61 =	vsel vm0, $0x3F800000, v2;
	[tilespmem:v57+s11+$0x0] =	vst.idx.add.f32.msk $0xffff, v54;
	v62 =	vtrunc.f32 v30  }
0x237: {  	v26 =	vshll.u32 v26, $0x4;
	[tilespmem:v28+s11+$0x0] =	vst.idx.add.f32.msk $0xffff, v61;
	v27 =	vcvt.f32.s32 v62  }
0x238: {  	v48 =	vor.u32 v0, v26;
	v40 =	vld.idx.msk [tilespmem:v58+s2+$0x0], $0xffff  }
0x239: {  	v41 =	vld.idx.msk [tilespmem:v53+s8+$0x0], $0xffff;
	v27 =	vshll.u32 v27, $0x4  }
0x23a: {  	v34 =	vtrunc.f32 v52;
	v45 =	vld [tilespmem:s16+$0x70];
	v42 =	vor.u32 v0, v27  }
0x23b: {  	v60 =	vcvt.f32.s32 v34;
	v43 =	vld [tilespmem:s17+$0x40];
	v44 =	vadd.s32 v4, v27  }
0x23c: {  	v59 =	vld [tilespmem:s16+$0xFFFFFFD0];
	v27 =	vadd.s32 v5, v27  }
0x23d: {  	v29 =	vshll.u32 v60, $0x4;
	v46 =	vor.u32 v10, v24;
	[tilespmem:v48+s11+$0x0] =	vst.idx.add.f32.msk $0xffff, v3  }
0x23e: {  	v32 =	vld.idx.msk [tilespmem:v58+s8+$0x0], $0xffff;
	v30 =	vtrunc.f32 v40;
	vm4 =	vgt.f32 v41, $0.0e+00;
	vm5 =	vlt.f32 v41, $5.000000000e-01  }
0x23f: {  	v63 =	vor.u32 v0, v29;
	v30 =	vcvt.f32.s32 v30;
	vm0 =	vmand vm4, vm5;
	[tilespmem:v42+s11+$0x0] =	vst.idx.add.f32.msk $0xffff, v3  }
0x240: {  	v47 =	vadd.s32 v4, v29;
	v49 =	vsel vm0, $0x3F800000, v2;
	[tilespmem:v44+s11+$0x0] =	vst.idx.add.f32.msk $0xffff, v43  }
0x241: {  	v50 =	vadd.s32 v4, v26;
	v30 =	vshll.u32 v30, $0x4;
	[tilespmem:v27+s11+$0x0] =	vst.idx.add.f32.msk $0xffff, v49  }
0x242: {  	v51 =	vor.u32 v0, v30;
	v36 =	vld.idx.msk [tilespmem:v46+s2+$0x0], $0xffff  }
0x243: {  	v52 =	vld [tilespmem:s17+$0xFFFFFFC0];
	v53 =	vadd.s32 v4, v30  }
0x244: {  	[tilespmem:v63+s11+$0x0] =	vst.idx.add.f32.msk $0xffff, v3;
	v30 =	vadd.s32 v5, v30  }
0x245: {  	[tilespmem:v47+s11+$0x0] =	vst.idx.add.f32.msk $0xffff, v45  }
0x246: {  	v54 =	vor.u32 v10, v16;
	[tilespmem:v50+s11+$0x0] =	vst.idx.add.f32.msk $0xffff, v59;
	vm6 =	vgt.f32 v32, $0.0e+00;
	vm7 =	vlt.f32 v32, $5.000000000e-01  }
0x247: {  	v13 =	vor.u32 v14, v13;
	vm0 =	vmand vm6, vm7;
	[tilespmem:v51+s11+$0x0] =	vst.idx.add.f32.msk $0xffff, v3;
	v55 =	vtrunc.f32 v36  }
0x248: {  	v26 =	vadd.s32 v5, v26;
	v57 =	vsel vm0, $0x3F800000, v2;
	[tilespmem:v53+s11+$0x0] =	vst.idx.add.f32.msk $0xffff, v52;
	v14 =	vcvt.f32.s32 v55  }
0x249: {  	v56 =	vor.u32 v11, v13;
	[tilespmem:v30+s11+$0x0] =	vst.idx.add.f32.msk $0xffff, v57  }
0x24a: {  	vm8 =	vgt.f32 v25, $0.0e+00;
	vm9 =	vlt.f32 v25, $5.000000000e-01;
	v28 =	vld.idx.msk [tilespmem:v46+s8+$0x0], $0xffff;
	v14 =	vshll.u32 v14, $0x4  }
0x24b: {  	vm0 =	vmand vm8, vm9;
	v58 =	vld.idx.msk [tilespmem:v54+s2+$0x0], $0xffff;
	v59 =	vor.u32 v0, v14  }
0x24c: {  	v60 =	vsel vm0, $0x3F800000, v2;
	v61 =	vld [tilespmem:s17+$0x50];
	v62 =	vadd.s32 v4, v14  }
0x24d: {  	[tilespmem:v26+s11+$0x0] =	vst.idx.add.f32.msk $0xffff, v60;
	v14 =	vadd.s32 v5, v14  }
0x24e: {  	v63 =	vor.u32 v11, v24;
	v26 =	vld.idx.msk [tilespmem:v56+s2+$0x0], $0xffff  }
0x24f: {  	v29 =	vadd.s32 v5, v29;
	v16 =	vld.idx.msk [tilespmem:v54+s8+$0x0], $0xffff;
	vm10 =	vgt.f32 v28, $0.0e+00;
	vm11 =	vlt.f32 v28, $5.000000000e-01  }
0x250: {  	vm2 =	vgt.f32 v15, $0.0e+00;
	v25 =	vtrunc.f32 v58;
	vm0 =	vmand vm10, vm11;
	[tilespmem:v59+s11+$0x0] =	vst.idx.add.f32.msk $0xffff, v3  }
0x251: {  	vm12 =	vlt.f32 v15, $5.000000000e-01;
	v25 =	vcvt.f32.s32 v25;
	v15 =	vsel vm0, $0x3F800000, v2;
	[tilespmem:v62+s11+$0x0] =	vst.idx.add.f32.msk $0xffff, v61  }
0x252: {  	vm13 =	vmand vm2, vm12;
	[tilespmem:v14+s11+$0x0] =	vst.idx.add.f32.msk $0xffff, v15  }
0x253: {  	v25 =	vshll.u32 v25, $0x4;
	v14 =	vsel vm13, $0x3F800000, v2;
	v15 =	vld.idx.msk [tilespmem:v63+s2+$0x0], $0xffff  }
0x254: {  	[tilespmem:v29+s11+$0x0] =	vst.idx.add.f32.msk $0xffff, v14;
	v14 =	vor.u32 v0, v25  }
0x255: {  	v35 =	vld [tilespmem:s17+$0xFFFFFFD0];
	v34 =	vadd.s32 v4, v25  }
0x256: {  	v17 =	vor.u32 v18, v17;
	[tilespmem:v23+s11+$0x0] =	vst.idx.add.f32.msk $0xffff, v3;
	v26 =	vtrunc.f32 v26;
	v25 =	vadd.s32 v5, v25  }
0x257: {  	v37 =	vor.u32 v11, v17;
	v27 =	vld.idx.msk [tilespmem:v56+s8+$0x0], $0xffff;
	v26 =	vcvt.f32.s32 v26  }
0x258: {  	vm14 =	vgt.f32 v16, $0.0e+00;
	vm15 =	vlt.f32 v16, $5.000000000e-01;
	v38 =	vld.idx.msk [tilespmem:v63+s8+$0x0], $0xffff;
	v15 =	vtrunc.f32 v15  }
0x259: {  	vm0 =	vmand vm14, vm15;
	[tilespmem:v14+s11+$0x0] =	vst.idx.add.f32.msk $0xffff, v3;
	v15 =	vcvt.f32.s32 v15  }
0x25a: {  	v39 =	vsel vm0, $0x3F800000, v2;
	v14 =	vshll.u32 v26, $0x4;
	[tilespmem:v34+s11+$0x0] =	vst.idx.add.f32.msk $0xffff, v35  }
0x25b: {  	v40 =	vor.u32 v0, v14;
	[tilespmem:v25+s11+$0x0] =	vst.idx.add.f32.msk $0xffff, v39;
	v15 =	vshll.u32 v15, $0x4  }
0x25c: {  	v26 =	vld.idx.msk [tilespmem:v37+s2+$0x0], $0xffff;
	v41 =	vor.u32 v0, v15  }
0x25d: {  	v42 =	vld [tilespmem:s17+$0x60];
	v43 =	vadd.s32 v4, v15  }
0x25e: {  	v36 =	vld [tilespmem:s16+$0xFFFFFFE0];
	v15 =	vadd.s32 v5, v15  }
0x25f: {  	v49 =	vld [tilespmem:s17+$0xFFFFFFE0]  }
0x260: {  	vm4 =	vgt.f32 v38, $0.0e+00;
	vm5 =	vlt.f32 v38, $5.000000000e-01;
	v46 =	vadd.s32 v4, v14;
	[tilespmem:v40+s11+$0x0] =	vst.idx.add.f32.msk $0xffff, v3  }
0x261: {  	v44 =	vor.u32 v12, v24;
	vm0 =	vmand vm4, vm5;
	v45 =	vtrunc.f32 v26;
	[tilespmem:v41+s11+$0x0] =	vst.idx.add.f32.msk $0xffff, v3  }
0x262: {  	v14 =	vadd.s32 v5, v14;
	v47 =	vsel vm0, $0x3F800000, v2;
	v16 =	vcvt.f32.s32 v45;
	[tilespmem:v43+s11+$0x0] =	vst.idx.add.f32.msk $0xffff, v42  }
0x263: {  	v13 =	vor.u32 v12, v13;
	[tilespmem:v15+s11+$0x0] =	vst.idx.add.f32.msk $0xffff, v47  }
0x264: {  	vm6 =	vgt.f32 v27, $0.0e+00;
	vm7 =	vlt.f32 v27, $5.000000000e-01;
	v15 =	vld.idx.msk [tilespmem:v37+s8+$0x0], $0xffff;
	v16 =	vshll.u32 v16, $0x4  }
0x265: {  	vm0 =	vmand vm6, vm7;
	[tilespmem:v46+s11+$0x0] =	vst.idx.add.f32.msk $0xffff, v36;
	v48 =	vor.u32 v0, v16  }
0x266: {  	v51 =	vsel vm0, $0x3F800000, v2;
	v23 =	vld.idx.msk [tilespmem:v44+s2+$0x0], $0xffff;
	v50 =	vadd.s32 v4, v16  }
0x267: {  	[tilespmem:v14+s11+$0x0] =	vst.idx.add.f32.msk $0xffff, v51;
	v16 =	vadd.s32 v5, v16  }
0x268: {  	v14 =	vor.u32 v12, v17;
	v52 =	vld.idx.msk [tilespmem:v13+s2+$0x0], $0xffff  }
0x269: {  	v54 =	vld.idx.msk [tilespmem:v44+s8+$0x0], $0xffff;
	vm8 =	vgt.f32 v15, $0.0e+00;
	vm9 =	vlt.f32 v15, $5.000000000e-01  }
0x26a: {  	vm0 =	vmand vm8, vm9;
	[tilespmem:v48+s11+$0x0] =	vst.idx.add.f32.msk $0xffff, v3  }
0x26b: {  	v15 =	vtrunc.f32 v23;
	v53 =	vsel vm0, $0x3F800000, v2;
	[tilespmem:v50+s11+$0x0] =	vst.idx.add.f32.msk $0xffff, v49  }
0x26c: {  	v15 =	vcvt.f32.s32 v15;
	[tilespmem:v16+s11+$0x0] =	vst.idx.add.f32.msk $0xffff, v53  }
0x26d: {  	v16 =	vld.idx.msk [tilespmem:v14+s2+$0x0], $0xffff  }
0x26e: {  	[tilespmem:v22+s11+$0x0] =	vst.idx.add.f32.msk $0xffff, v20;
	v15 =	vshll.u32 v15, $0x4  }
0x26f: {  	[tilespmem:v19+s11+$0x0] =	vst.idx.add.f32.msk $0xffff, v21;
	v17 =	vtrunc.f32 v52;
	v55 =	vor.u32 v0, v15  }
0x270: {  	v56 =	vld [tilespmem:s17+$0x70];
	v17 =	vcvt.f32.s32 v17;
	v57 =	vadd.s32 v4, v15  }
0x271: {  	v13 =	vld.idx.msk [tilespmem:v13+s8+$0x0], $0xffff;
	v15 =	vadd.s32 v5, v15  }
0x272: {  	v58 =	vld [tilespmem:s16+$0xFFFFFFF0];
	v17 =	vshll.u32 v17, $0x4;
	vm10 =	vgt.f32 v54, $0.0e+00;
	v16 =	vtrunc.f32 v16  }
0x273: {  	vm11 =	vlt.f32 v54, $5.000000000e-01;
	v59 =	vor.u32 v0, v17;
	v14 =	vld.idx.msk [tilespmem:v14+s8+$0x0], $0xffff;
	v16 =	vcvt.f32.s32 v16  }
0x274: {  	v60 =	vadd.s32 v4, v17;
	vm0 =	vmand vm10, vm11;
	[tilespmem:v55+s11+$0x0] =	vst.idx.add.f32.msk $0xffff, v3  }
0x275: {  	v17 =	vadd.s32 v5, v17;
	v61 =	vsel vm0, $0x3F800000, v2;
	[tilespmem:v57+s11+$0x0] =	vst.idx.add.f32.msk $0xffff, v56;
	v16 =	vshll.u32 v16, $0x4  }
0x276: {  	[tilespmem:v15+s11+$0x0] =	vst.idx.add.f32.msk $0xffff, v61;
	v15 =	vor.u32 v0, v16  }
0x277: {  	vm12 =	vgt.f32 v13, $0.0e+00;
	vm13 =	vlt.f32 v13, $5.000000000e-01;
	v13 =	vld [tilespmem:s17+$0xFFFFFFF0];
	v62 =	vadd.s32 v4, v16  }
0x278: {  	vm0 =	vmand vm12, vm13;
	[tilespmem:v59+s11+$0x0] =	vst.idx.add.f32.msk $0xffff, v3;
	v16 =	vadd.s32 v5, v16  }
0x279: {  	v63 =	vsel vm0, $0x3F800000, v2;
	[tilespmem:v60+s11+$0x0] =	vst.idx.add.f32.msk $0xffff, v58  }
0x27a: {  	[tilespmem:v17+s11+$0x0] =	vst.idx.add.f32.msk $0xffff, v63;
	vm14 =	vgt.f32 v14, $0.0e+00;
	vm15 =	vlt.f32 v14, $5.000000000e-01  }
0x27b: {  	s15 =	sadd.s32 $0x1, s15;
	vm0 =	vmand vm14, vm15;
	[tilespmem:v15+s11+$0x0] =	vst.idx.add.f32.msk $0xffff, v3  }
0x27c: {  	p0 =	sne.s32 s15, s7;
	v14 =	vsel vm0, $0x3F800000, v2;
	[tilespmem:v62+s11+$0x0] =	vst.idx.add.f32.msk $0xffff, v13  }
.Ltmp1:
0x27d: {  	[tilespmem:v16+s11+$0x0] =	vst.idx.add.f32.msk $0xffff, v14;
	(pc) =	sbr.rel @p0 .LBB2_1-.Ltmp1, $4  }
0x27e: {  	[hbm4b:s6+s12] =	stream.strided.scatter [tilespmem:s11], [sflag:$0x2], $0xC00, s13, s12, $0x38;
	[tilespmem:$0x9C00] =	vst v63  }
0x27f: {  	_ =	swait.ge [sflag:s14], $0xC00  }
0x280: {  	[sflag:s14] =	ssyncset.done $0x0  }
0x281: {  	[sflag:s14] =	ssyncadd.s32 $0xFFFFF400  }
0x282: {  	_ =	sfence.sel $0x180000  }
0x283: {  	[bflag:$0x0] =	sbarrier.arrive $0xFFFF  }
0x284: {  	p0 =	sne.s32 s1, $0x0;
	_ =	strace $0x90000047  }
0x285: {  	s0 =	sadd.s32 @!p0 $0x100000, s0;
	[bflag:$0x2] =	sbarrier.arrive $0xFFFF  }
0x286: {  	[sflag:s0] =	ssyncadd.tile.s32 @!p0 $0x1;
	_ =	shalt  }
.Lfunc_end2:
_tile_overlayer_lowered:
.L_overlay_start_2:
0x287: {  	(tag) =	ssettag $0x2  }
0x288: {  	s0 =	rddreg [dreg:$0x0];
	s2 =	stileid.u32  }
0x289: {  	s1 =	rddreg [dreg:$0x1];
	p0 =	sne.s32 s2, $0x0  }
0x28a: {  	s3 =	rddreg [dreg:$0x2];
	[bflag:$0x3] =	sbarrier.arrive $0xFFFF;
	s2 =	simm.s32 @!p0 $0x1C02  }
0x28b: {  	[timem:s3], [sflag:s2] =	dma.local @!p0 [hbm:s0], s1  }
0x28c: {  	s0 =	simm.s32 @!p0 $0x2  }
0x28d: {  	_ =	swait.ge @!p0 [sflag:s0], s1  }
0x28e: {  	s1 =	ssub.s32 @!p0 $0x0, s1;
	[sflag:s0] =	ssyncset.done @!p0 $0x0  }
0x28f: {  	[sflag:s0] =	ssyncadd.s32 @!p0 s1  }
0x290: {  	[bflag:$0x3] =	sbarrier.arrive $0xFFFF  }
0x291: {  	_ =	shalt  }

</sc_bundles>
